<compile_context>
chip_gen: v7x
topology: tpu7x:2x2x1
jax: 0.10.2.dev20260603
libtpu: 0.0.44.dev20260713+nightly
codegen_flags: <defaults>
</compile_context>

<pallas_src>
import functools

import jax
import jax.numpy as jnp
from jax import lax
from jax.experimental import pallas as pl
from jax.experimental.pallas import tpu as pltpu
from jax.experimental.pallas import tpu_sc as plsc

N = 10000
E = 320000
D = 128
DL = 64

NC = 2
NS = 16
NW = NC * NS

CHUNK = 128
CH = -(-E // (NW * CHUNK))
T = CH * CHUNK
E_PAD = NW * T
ROWS_PER_TILE = 632
N_PAD = NS * ROWS_PER_TILE

_mesh = plsc.VectorSubcoreMesh(core_axis_name="c", subcore_axis_name="s")


N_PAD_DEG = NS * 640


@functools.partial(
    pl.kernel,
    out_type=jax.ShapeDtypeStruct((NC, N_PAD_DEG), jnp.float32),
    mesh=_mesh,
    scratch_types=[
        pltpu.VMEM((CH, CHUNK), jnp.int32),
        pltpu.VMEM((CHUNK,), jnp.float32),
        pltpu.VMEM((128,), jnp.float32),
        pltpu.VMEM_SHARED((N_PAD_DEG,), jnp.float32),
        pltpu.SemaphoreType.DMA,
    ],
)
def _deg_kernel(dst_hbm, out_hbm, dst_v, ones_v, zeros_v, acc_s, semh):
    cid = lax.axis_index("c")
    sid = lax.axis_index("s")
    wid = sid * NC + cid
    pltpu.sync_copy(dst_hbm.at[wid], dst_v)

    def fill_body(i, _):
        zeros_v[pl.ds(i * 16, 16)] = jnp.zeros((16,), jnp.float32)
        return 0

    lax.fori_loop(0, 128 // 16, fill_body, 0)

    def fill_ones(i, _):
        ones_v[pl.ds(i * 16, 16)] = jnp.ones((16,), jnp.float32)
        return 0

    lax.fori_loop(0, CHUNK // 16, fill_ones, 0)

    base = sid * 640
    for k in range(5):
        pltpu.sync_copy(zeros_v, acc_s.at[pl.ds(base + k * 128, 128)])
    plsc.subcore_barrier()

    win = 8

    def fire(j, _):
        pltpu.async_copy(ones_v, acc_s.at[dst_v.at[j]], semh, add=True)
        return 0

    def drain(j, _):
        pltpu.make_async_copy(ones_v, acc_s.at[dst_v.at[j]], semh).wait()
        return 0

    def slide(j, _):
        drain(j - win, 0)
        fire(j, 0)
        return 0

    lax.fori_loop(0, win, fire, 0)
    lax.fori_loop(win, CH, slide, 0)
    lax.fori_loop(CH - win, CH, drain, 0)
    plsc.subcore_barrier()

    pltpu.sync_copy(acc_s.at[pl.ds(base, 640)],
                    out_hbm.at[cid].at[pl.ds(base, 640)])


@functools.partial(
    pl.kernel,
    out_type=jax.ShapeDtypeStruct((NC, N_PAD, D), jnp.float32),
    mesh=_mesh,
    scratch_types=[
        pltpu.VMEM((CH, CHUNK), jnp.int32),
        pltpu.VMEM((2, CHUNK), jnp.int32),
        pltpu.VMEM((CHUNK, D), jnp.float32),
        pltpu.VMEM((CHUNK, D), jnp.float32),
        pltpu.VMEM_SHARED((N_PAD, D), jnp.float32),
        pltpu.SemaphoreType.DMA,
        pltpu.SemaphoreType.DMA,
        pltpu.SemaphoreType.DMA,
        pltpu.SemaphoreType.DMA,
        pltpu.SemaphoreType.DMA,
    ],
)
def _agg_kernel(g_hbm, src_hbm, dst_hbm, out_hbm,
                src_v, dstb_v, rows0_v, rows1_v, acc_s,
                semg0, semg1, semd0, semd1, semz):
    cid = lax.axis_index("c")
    sid = lax.axis_index("s")
    wid = sid * NC + cid
    pltpu.sync_copy(src_hbm.at[wid], src_v)

    bufs = ((rows0_v, semg0, semd0), (rows1_v, semg1, semd1))

    def issue(j, k):
        rows, semg, semd = bufs[k]
        pltpu.async_copy(g_hbm.at[src_v.at[j]], rows, semg)
        pltpu.async_copy(dst_hbm.at[wid].at[j], dstb_v.at[k], semd)

    issue(0, 0)

    zeros = jnp.zeros((16,), jnp.float32)

    def zero_body(i, _):
        rows1_v[i // (D // 16), pl.ds((i % (D // 16)) * 16, 16)] = zeros
        return 0

    lax.fori_loop(0, CHUNK * (D // 16), zero_body, 0)

    base = sid * ROWS_PER_TILE
    nfull = ROWS_PER_TILE // CHUNK
    rem = ROWS_PER_TILE - nfull * CHUNK
    for k in range(nfull):
        pltpu.async_copy(rows1_v, acc_s.at[pl.ds(base + k * CHUNK, CHUNK)],
                         semz)
    pltpu.async_copy(rows1_v.at[pl.ds(0, rem)],
                     acc_s.at[pl.ds(base + nfull * CHUNK, rem)], semz)
    for k in range(nfull):
        pltpu.make_async_copy(
            rows1_v, acc_s.at[pl.ds(base + k * CHUNK, CHUNK)], semz).wait()
    pltpu.make_async_copy(
        rows1_v.at[pl.ds(0, rem)],
        acc_s.at[pl.ds(base + nfull * CHUNK, rem)], semz).wait()
    issue(1, 1)
    plsc.subcore_barrier()

    def chunk_body(j, _):
        for k in (0, 1):
            @pl.when(j % 2 == k)
            def _():
                rows, semg, semd = bufs[k]
                pltpu.make_async_copy(
                    g_hbm.at[src_v.at[j]], rows, semg).wait()
                pltpu.make_async_copy(
                    dst_hbm.at[wid].at[j], dstb_v.at[k], semd).wait()
                pltpu.sync_copy(rows, acc_s.at[dstb_v.at[k]], add=True)

                @pl.when(j + 2 < CH)
                def _():
                    issue(j + 2, k)

        return 0

    lax.fori_loop(0, CH, chunk_body, 0)
    plsc.subcore_barrier()

    pltpu.sync_copy(acc_s.at[pl.ds(base, ROWS_PER_TILE)],
                    out_hbm.at[cid].at[pl.ds(base, ROWS_PER_TILE)])


_R = 2048
_G = -(-N // _R)


def _pre_body(degp_ref, x_ref, w_ref, dinv_ref, y_ref, g_ref):
    deg = 1.0 + degp_ref[0, :] + degp_ref[1, :]
    di = lax.rsqrt(deg)[:, None]
    y = jnp.dot(x_ref[...], w_ref[...], preferred_element_type=jnp.float32)
    dinv_ref[...] = di
    y_ref[...] = y
    g_ref[...] = y * di


_pre_call = pl.pallas_call(
    _pre_body,
    grid=(_G,),
    in_specs=[
        pl.BlockSpec((NC, _R), lambda i: (0, i)),
        pl.BlockSpec((_R, D), lambda i: (i, 0)),
        pl.BlockSpec((D, D), lambda i: (0, 0)),
    ],
    out_specs=[
        pl.BlockSpec((_R, 1), lambda i: (i, 0)),
        pl.BlockSpec((_R, D), lambda i: (i, 0)),
        pl.BlockSpec((_R, D), lambda i: (i, 0)),
    ],
    out_shape=[
        jax.ShapeDtypeStruct((N, 1), jnp.float32),
        jax.ShapeDtypeStruct((N, D), jnp.float32),
        jax.ShapeDtypeStruct((N, D), jnp.float32),
    ],
)


def _layer1_body(p_ref, y_ref, dinv_ref, b_ref, h_ref, g_ref):
    di = dinv_ref[...]
    t = p_ref[0] + p_ref[1]
    u = di * t + (di * di) * y_ref[...] + b_ref[...]
    h = jnp.maximum(u, 0.0)
    h_ref[...] = h
    g_ref[...] = h * di


_layer1_call = pl.pallas_call(
    _layer1_body,
    grid=(_G,),
    in_specs=[
        pl.BlockSpec((NC, _R, D), lambda i: (0, i, 0)),
        pl.BlockSpec((_R, D), lambda i: (i, 0)),
        pl.BlockSpec((_R, 1), lambda i: (i, 0)),
        pl.BlockSpec((1, D), lambda i: (0, 0)),
    ],
    out_specs=[
        pl.BlockSpec((_R, D), lambda i: (i, 0)),
        pl.BlockSpec((_R, D), lambda i: (i, 0)),
    ],
    out_shape=[
        jax.ShapeDtypeStruct((N, D), jnp.float32),
        jax.ShapeDtypeStruct((N, D), jnp.float32),
    ],
)


def _layer_body(p_ref, v_ref, dinv_ref, w_ref, b_ref, h_ref, g_ref):
    di = dinv_ref[...]
    t = p_ref[0] + p_ref[1]
    u = di * t + (di * di) * v_ref[...]
    h = jnp.dot(u, w_ref[...], preferred_element_type=jnp.float32)
    h = jnp.maximum(h + b_ref[...], 0.0)
    h_ref[...] = h
    g_ref[...] = h * di


_layer_call = pl.pallas_call(
    _layer_body,
    grid=(_G,),
    in_specs=[
        pl.BlockSpec((NC, _R, D), lambda i: (0, i, 0)),
        pl.BlockSpec((_R, D), lambda i: (i, 0)),
        pl.BlockSpec((_R, 1), lambda i: (i, 0)),
        pl.BlockSpec((D, D), lambda i: (0, 0)),
        pl.BlockSpec((1, D), lambda i: (0, 0)),
    ],
    out_specs=[
        pl.BlockSpec((_R, D), lambda i: (i, 0)),
        pl.BlockSpec((_R, D), lambda i: (i, 0)),
    ],
    out_shape=[
        jax.ShapeDtypeStruct((N, D), jnp.float32),
        jax.ShapeDtypeStruct((N, D), jnp.float32),
    ],
)


def _head_body(p_ref, v_ref, dinv_ref, wmu_ref, bmu_ref, wlv_ref, blv_ref,
               mu_ref, lv_ref):
    di = dinv_ref[...]
    t = p_ref[0] + p_ref[1]
    a = di * t + (di * di) * v_ref[...]
    mu_ref[...] = jnp.dot(a, wmu_ref[...],
                          preferred_element_type=jnp.float32) + bmu_ref[...]
    lv_ref[...] = jnp.dot(a, wlv_ref[...],
                          preferred_element_type=jnp.float32) + blv_ref[...]


_head_call = pl.pallas_call(
    _head_body,
    grid=(_G,),
    in_specs=[
        pl.BlockSpec((NC, _R, D), lambda i: (0, i, 0)),
        pl.BlockSpec((_R, D), lambda i: (i, 0)),
        pl.BlockSpec((_R, 1), lambda i: (i, 0)),
        pl.BlockSpec((D, DL), lambda i: (0, 0)),
        pl.BlockSpec((1, DL), lambda i: (0, 0)),
        pl.BlockSpec((D, DL), lambda i: (0, 0)),
        pl.BlockSpec((1, DL), lambda i: (0, 0)),
    ],
    out_specs=[
        pl.BlockSpec((_R, DL), lambda i: (i, 0)),
        pl.BlockSpec((_R, DL), lambda i: (i, 0)),
    ],
    out_shape=[
        jax.ShapeDtypeStruct((N, DL), jnp.float32),
        jax.ShapeDtypeStruct((N, DL), jnp.float32),
    ],
)


@jax.jit
def kernel(x, edge_index, W1, b1, W2, b2, Wmu, bmu, Wlv, blv):
    src = edge_index[0]
    dst = edge_index[1]

    pad = E_PAD - E
    pad_ids = lax.iota(jnp.int32, pad)
    src_p = jnp.concatenate([src, pad_ids % N])
    dst_p = jnp.concatenate([dst, N + (pad_ids % 16)])
    src_rows = src_p.reshape(NW, CH, CHUNK)
    dst_rows = dst_p.reshape(NW, CH, CHUNK)

    degp = _deg_kernel(dst_rows)
    dinv, y1, g = _pre_call(degp, x, W1)

    p = _agg_kernel(g, src_rows, dst_rows)
    h1, g1 = _layer1_call(p, y1, dinv, b1.reshape(1, D))

    p = _agg_kernel(g1, src_rows, dst_rows)
    h2, g2 = _layer_call(p, h1, dinv, W2, b2.reshape(1, D))

    p = _agg_kernel(g2, src_rows, dst_rows)
    mu, logvar = _head_call(p, h2, dinv, Wmu, bmu.reshape(1, DL),
                            Wlv, blv.reshape(1, DL))
    return (mu, logvar)

# --- scband reference (transcript-rebuilt; emitter-appended) ---
"""Pipeline reference for scband-graph-encoder-90374701842554 (READ-ONLY COPY).

The authoritative reference and input builder live on the scoring server;
editing this copy changes nothing except your own understanding.
"""

import jax, jax.numpy as jnp
import numpy as np

N = 10000
E = 320000
D_IN = 128
D_H = 128
D_L = 64


def _glorot(key, shape):
    fan_in = shape[0]
    return jax.random.normal(key, shape, dtype=jnp.float32) * (1.0 / np.sqrt(fan_in))


def setup_inputs(seed: int = 0) -> dict:
    key = jax.random.key(seed)
    ks = jax.random.split(key, 12)
    x = jax.random.normal(ks[0], (N, D_IN), dtype=jnp.float32)
    edge_index = jax.random.randint(ks[1], (2, E), 0, N, dtype=jnp.int32)
    W1 = _glorot(ks[2], (D_IN, D_H))
    b1 = jnp.zeros((D_H,), dtype=jnp.float32)
    W2 = _glorot(ks[3], (D_H, D_H))
    b2 = jnp.zeros((D_H,), dtype=jnp.float32)
    Wmu = _glorot(ks[4], (D_H, D_L))
    bmu = jnp.zeros((D_L,), dtype=jnp.float32)
    Wlv = _glorot(ks[5], (D_H, D_L))
    blv = jnp.zeros((D_L,), dtype=jnp.float32)
    return {"x": x, "edge_index": edge_index, "W1": W1, "b1": b1, "W2": W2, "b2": b2,
            "Wmu": Wmu, "bmu": bmu, "Wlv": Wlv, "blv": blv}


def _gcn_conv(x, src, dst, W, b):
    # PyG GCNConv semantics: add self-loops, symmetric normalization D^-1/2 (A+I) D^-1/2 X W + b
    n = x.shape[0]
    loop = jnp.arange(n, dtype=src.dtype)
    s = jnp.concatenate([src, loop])
    d = jnp.concatenate([dst, loop])
    deg = jnp.zeros((n,), dtype=x.dtype).at[d].add(1.0)
    dinv = jax.lax.rsqrt(jnp.maximum(deg, 1e-12))
    norm = dinv[s] * dinv[d]
    h = x @ W
    msg = norm[:, None] * jnp.take(h, s, axis=0)
    out = jnp.zeros((n, W.shape[1]), dtype=x.dtype).at[d].add(msg)
    return out + b


def reference(x, edge_index, W1, b1, W2, b2, Wmu, bmu, Wlv, blv):
    src = edge_index[0]
    dst = edge_index[1]
    h = jax.nn.relu(_gcn_conv(x, src, dst, W1, b1))
    h = jax.nn.relu(_gcn_conv(h, src, dst, W2, b2))
    mu = _gcn_conv(h, src, dst, Wmu, bmu)
    logvar = _gcn_conv(h, src, dst, Wlv, blv)
    return (mu, logvar)

if __name__ == "__main__":
    import jax
    _d = setup_inputs()
    print(jax.jit(kernel)(*tuple(_d.values())))

</pallas_src>

<mosaic_0001>
#map = affine_map<(d0, d1) -> (0, 0, 0)>
#map1 = affine_map<(d0, d1) -> (0, 0)>
module attributes {stable_mosaic.version = 14 : i64} {
  func.func @_deg_kernel(%arg0: i32, %arg1: i32, %arg2: memref<32x79x128xi32, #tpu.memory_space<hbm>>, %arg3: memref<2x10240xf32, #tpu.memory_space<hbm>>, %arg4: memref<79x128xi32, #tpu.memory_space<vmem>>, %arg5: memref<128xf32, #tpu.memory_space<vmem>>, %arg6: memref<128xf32, #tpu.memory_space<vmem>>, %arg7: memref<10240xf32, #tpu.memory_space<vmem_shared>>, %arg8: memref<!tpu.dma_semaphore, #tpu.memory_space<semaphore_mem>>) attributes {dimension_semantics = [#tpu.dimension_semantics<core_parallel>, #tpu.dimension_semantics<subcore_parallel>], iteration_bounds = array<i64: 2, 16>, scalar_prefetch = 0 : i64, scratch_operands = 5 : i64, tpu.core_type = #tpu.core_type<sc_vector_subcore>, window_params = [{transform_indices = #map}, {transform_indices = #map1}]} {
    %mul3A = arith.constant 2 : i32
    %mul3A_0 = arith.muli %arg1, %mul3A : i32
    %add3A = arith.addi %mul3A_0, %arg0 : i32
    "tpu.region"() ({
      %run_scoped3A = tpu.sem_alloc : memref<!tpu.dma_semaphore, #tpu.memory_space<semaphore_mem>>
      %dma_start3A = arith.constant 0 : i32
      %dma_start3A_48 = arith.constant 0 : i32
      %dma_start3A_49 = tpu.memref_slice %arg2[%add3A, %dma_start3A, %dma_start3A_48] : memref<32x79x128xi32, #tpu.memory_space<hbm>> -> memref<1x79x128xi32, #tpu.memory_space<hbm>>
      %dma_start3A_50 = tpu.memref_squeeze %dma_start3A_49 : memref<1x79x128xi32, #tpu.memory_space<hbm>> -> memref<79x128xi32, #tpu.memory_space<hbm>>
      %dma_start3A_51 = arith.constant 0 : i32
      %dma_start3A_52 = arith.constant 0 : i32
      %dma_start3A_53 = tpu.memref_slice %arg2[%add3A, %dma_start3A_51, %dma_start3A_52] : memref<32x79x128xi32, #tpu.memory_space<hbm>> -> memref<1x79x128xi32, #tpu.memory_space<hbm>>
      %dma_start3A_54 = tpu.memref_squeeze %dma_start3A_53 : memref<1x79x128xi32, #tpu.memory_space<hbm>> -> memref<79x128xi32, #tpu.memory_space<hbm>>
      tpu.enqueue_dma source(%dma_start3A_54 : memref<79x128xi32, #tpu.memory_space<hbm>>) target(%arg4 : memref<79x128xi32, #tpu.memory_space<vmem>>) target_semaphore(%run_scoped3A : memref<!tpu.dma_semaphore, #tpu.memory_space<semaphore_mem>>)
      %dma_wait3A = arith.constant 0 : i32
      %dma_wait3A_55 = arith.constant 0 : i32
      %dma_wait3A_56 = tpu.memref_slice %arg2[%add3A, %dma_wait3A, %dma_wait3A_55] : memref<32x79x128xi32, #tpu.memory_space<hbm>> -> memref<1x79x128xi32, #tpu.memory_space<hbm>>
      %dma_wait3A_57 = tpu.memref_squeeze %dma_wait3A_56 : memref<1x79x128xi32, #tpu.memory_space<hbm>> -> memref<79x128xi32, #tpu.memory_space<hbm>>
      %dma_wait3A_58 = arith.constant 0 : i32
      %dma_wait3A_59 = arith.constant 0 : i32
      %dma_wait3A_60 = tpu.memref_slice %arg2[%add3A, %dma_wait3A_58, %dma_wait3A_59] : memref<32x79x128xi32, #tpu.memory_space<hbm>> -> memref<1x79x128xi32, #tpu.memory_space<hbm>>
      %dma_wait3A_61 = tpu.memref_squeeze %dma_wait3A_60 : memref<1x79x128xi32, #tpu.memory_space<hbm>> -> memref<79x128xi32, #tpu.memory_space<hbm>>
      tpu.wait_dma2 semaphore(%run_scoped3A : memref<!tpu.dma_semaphore, #tpu.memory_space<semaphore_mem>>) src(%dma_wait3A_61 : memref<79x128xi32, #tpu.memory_space<hbm>>) dst(%arg4 : memref<79x128xi32, #tpu.memory_space<vmem>>)
      tpu.yield
    }) : () -> ()
    %scan3A = arith.constant 0 : i32
    %scan3A_1 = arith.constant 0 : i32
    %scan3A_2 = arith.constant 8 : i32
    %scan3A_3 = arith.addi %scan3A_1, %scan3A_2 : i32
    %scan3A_4 = arith.constant 1 : i32
    %scan3A_5 = scf.for %scan3A_48 = %scan3A_1 to %scan3A_3 step %scan3A_4 iter_args(%scan3A_49 = %scan3A) -> (i32)  : i32 {
      %broadcast_in_dim3A = arith.constant 0.000000e+00 : f32
      %broadcast_in_dim3A_50 = vector.broadcast %broadcast_in_dim3A : f32 to vector<16xf32>
      %mul3A_51 = arith.constant 16 : i32
      %mul3A_52 = arith.muli %scan3A_48, %mul3A_51 : i32
      %swap3A = arith.index_cast %mul3A_52 : i32 to index
      %swap3A_53 = tpu.vector_load %arg6[%swap3A] {strides = array<i32>} : memref<128xf32, #tpu.memory_space<vmem>>, vector<16xf32>,
      %swap3A_54 = vector.shape_cast %swap3A_53 : vector<16xf32> to vector<16xf32>
      %swap3A_55 = vector.shape_cast %broadcast_in_dim3A_50 : vector<16xf32> to vector<16xf32>
      tpu.vector_store %arg6[%swap3A], %swap3A_55 {strides = array<i32>} : memref<128xf32, #tpu.memory_space<vmem>>, vector<16xf32>,
      %scan3A_56 = arith.constant 0 : i32
      scf.yield %scan3A_56 : i32
    }
    %scan3A_6 = arith.constant 8 : i32
    %scan3A_7 = arith.constant 0 : i32
    %scan3A_8 = arith.constant 0 : i32
    %scan3A_9 = arith.constant 8 : i32
    %scan3A_10 = arith.addi %scan3A_8, %scan3A_9 : i32
    %scan3A_11 = arith.constant 1 : i32
    %scan3A_12 = scf.for %scan3A_48 = %scan3A_8 to %scan3A_10 step %scan3A_11 iter_args(%scan3A_49 = %scan3A_7) -> (i32)  : i32 {
      %broadcast_in_dim3A = arith.constant 1.000000e+00 : f32
      %broadcast_in_dim3A_50 = vector.broadcast %broadcast_in_dim3A : f32 to vector<16xf32>
      %mul3A_51 = arith.constant 16 : i32
      %mul3A_52 = arith.muli %scan3A_48, %mul3A_51 : i32
      %swap3A = arith.index_cast %mul3A_52 : i32 to index
      %swap3A_53 = tpu.vector_load %arg5[%swap3A] {strides = array<i32>} : memref<128xf32, #tpu.memory_space<vmem>>, vector<16xf32>,
      %swap3A_54 = vector.shape_cast %swap3A_53 : vector<16xf32> to vector<16xf32>
      %swap3A_55 = vector.shape_cast %broadcast_in_dim3A_50 : vector<16xf32> to vector<16xf32>
      tpu.vector_store %arg5[%swap3A], %swap3A_55 {strides = array<i32>} : memref<128xf32, #tpu.memory_space<vmem>>, vector<16xf32>,
      %scan3A_56 = arith.constant 0 : i32
      scf.yield %scan3A_56 : i32
    }
    %scan3A_13 = arith.constant 8 : i32
    %mul3A_14 = arith.constant 640 : i32
    %mul3A_15 = arith.muli %arg1, %mul3A_14 : i32
    %add3A_16 = arith.constant 0 : i32
    %add3A_17 = arith.addi %mul3A_15, %add3A_16 : i32
    "tpu.region"() ({
      %run_scoped3A = tpu.sem_alloc : memref<!tpu.dma_semaphore, #tpu.memory_space<semaphore_mem>>
      %dma_start3A = tpu.memref_slice %arg7[%add3A_17] : memref<10240xf32, #tpu.memory_space<vmem_shared>> -> memref<128xf32, #tpu.memory_space<vmem_shared>>
      %dma_start3A_48 = tpu.memref_slice %arg7[%add3A_17] : memref<10240xf32, #tpu.memory_space<vmem_shared>> -> memref<128xf32, #tpu.memory_space<vmem_shared>>
      tpu.enqueue_dma source(%arg6 : memref<128xf32, #tpu.memory_space<vmem>>) target(%dma_start3A_48 : memref<128xf32, #tpu.memory_space<vmem_shared>>) target_semaphore(%run_scoped3A : memref<!tpu.dma_semaphore, #tpu.memory_space<semaphore_mem>>)
      %dma_wait3A = tpu.memref_slice %arg7[%add3A_17] : memref<10240xf32, #tpu.memory_space<vmem_shared>> -> memref<128xf32, #tpu.memory_space<vmem_shared>>
      %dma_wait3A_49 = tpu.memref_slice %arg7[%add3A_17] : memref<10240xf32, #tpu.memory_space<vmem_shared>> -> memref<128xf32, #tpu.memory_space<vmem_shared>>
      tpu.wait_dma2 semaphore(%run_scoped3A : memref<!tpu.dma_semaphore, #tpu.memory_space<semaphore_mem>>) src(%arg6 : memref<128xf32, #tpu.memory_space<vmem>>) dst(%dma_wait3A_49 : memref<128xf32, #tpu.memory_space<vmem_shared>>)
      tpu.yield
    }) : () -> ()
    %add3A_18 = arith.constant 128 : i32
    %add3A_19 = arith.addi %mul3A_15, %add3A_18 : i32
    "tpu.region"() ({
      %run_scoped3A = tpu.sem_alloc : memref<!tpu.dma_semaphore, #tpu.memory_space<semaphore_mem>>
      %dma_start3A = tpu.memref_slice %arg7[%add3A_19] : memref<10240xf32, #tpu.memory_space<vmem_shared>> -> memref<128xf32, #tpu.memory_space<vmem_shared>>
      %dma_start3A_48 = tpu.memref_slice %arg7[%add3A_19] : memref<10240xf32, #tpu.memory_space<vmem_shared>> -> memref<128xf32, #tpu.memory_space<vmem_shared>>
      tpu.enqueue_dma source(%arg6 : memref<128xf32, #tpu.memory_space<vmem>>) target(%dma_start3A_48 : memref<128xf32, #tpu.memory_space<vmem_shared>>) target_semaphore(%run_scoped3A : memref<!tpu.dma_semaphore, #tpu.memory_space<semaphore_mem>>)
      %dma_wait3A = tpu.memref_slice %arg7[%add3A_19] : memref<10240xf32, #tpu.memory_space<vmem_shared>> -> memref<128xf32, #tpu.memory_space<vmem_shared>>
      %dma_wait3A_49 = tpu.memref_slice %arg7[%add3A_19] : memref<10240xf32, #tpu.memory_space<vmem_shared>> -> memref<128xf32, #tpu.memory_space<vmem_shared>>
      tpu.wait_dma2 semaphore(%run_scoped3A : memref<!tpu.dma_semaphore, #tpu.memory_space<semaphore_mem>>) src(%arg6 : memref<128xf32, #tpu.memory_space<vmem>>) dst(%dma_wait3A_49 : memref<128xf32, #tpu.memory_space<vmem_shared>>)
      tpu.yield
    }) : () -> ()
    %add3A_20 = arith.constant 256 : i32
    %add3A_21 = arith.addi %mul3A_15, %add3A_20 : i32
    "tpu.region"() ({
      %run_scoped3A = tpu.sem_alloc : memref<!tpu.dma_semaphore, #tpu.memory_space<semaphore_mem>>
      %dma_start3A = tpu.memref_slice %arg7[%add3A_21] : memref<10240xf32, #tpu.memory_space<vmem_shared>> -> memref<128xf32, #tpu.memory_space<vmem_shared>>
      %dma_start3A_48 = tpu.memref_slice %arg7[%add3A_21] : memref<10240xf32, #tpu.memory_space<vmem_shared>> -> memref<128xf32, #tpu.memory_space<vmem_shared>>
      tpu.enqueue_dma source(%arg6 : memref<128xf32, #tpu.memory_space<vmem>>) target(%dma_start3A_48 : memref<128xf32, #tpu.memory_space<vmem_shared>>) target_semaphore(%run_scoped3A : memref<!tpu.dma_semaphore, #tpu.memory_space<semaphore_mem>>)
      %dma_wait3A = tpu.memref_slice %arg7[%add3A_21] : memref<10240xf32, #tpu.memory_space<vmem_shared>> -> memref<128xf32, #tpu.memory_space<vmem_shared>>
      %dma_wait3A_49 = tpu.memref_slice %arg7[%add3A_21] : memref<10240xf32, #tpu.memory_space<vmem_shared>> -> memref<128xf32, #tpu.memory_space<vmem_shared>>
      tpu.wait_dma2 semaphore(%run_scoped3A : memref<!tpu.dma_semaphore, #tpu.memory_space<semaphore_mem>>) src(%arg6 : memref<128xf32, #tpu.memory_space<vmem>>) dst(%dma_wait3A_49 : memref<128xf32, #tpu.memory_space<vmem_shared>>)
      tpu.yield
    }) : () -> ()
    %add3A_22 = arith.constant 384 : i32
    %add3A_23 = arith.addi %mul3A_15, %add3A_22 : i32
    "tpu.region"() ({
      %run_scoped3A = tpu.sem_alloc : memref<!tpu.dma_semaphore, #tpu.memory_space<semaphore_mem>>
      %dma_start3A = tpu.memref_slice %arg7[%add3A_23] : memref<10240xf32, #tpu.memory_space<vmem_shared>> -> memref<128xf32, #tpu.memory_space<vmem_shared>>
      %dma_start3A_48 = tpu.memref_slice %arg7[%add3A_23] : memref<10240xf32, #tpu.memory_space<vmem_shared>> -> memref<128xf32, #tpu.memory_space<vmem_shared>>
      tpu.enqueue_dma source(%arg6 : memref<128xf32, #tpu.memory_space<vmem>>) target(%dma_start3A_48 : memref<128xf32, #tpu.memory_space<vmem_shared>>) target_semaphore(%run_scoped3A : memref<!tpu.dma_semaphore, #tpu.memory_space<semaphore_mem>>)
      %dma_wait3A = tpu.memref_slice %arg7[%add3A_23] : memref<10240xf32, #tpu.memory_space<vmem_shared>> -> memref<128xf32, #tpu.memory_space<vmem_shared>>
      %dma_wait3A_49 = tpu.memref_slice %arg7[%add3A_23] : memref<10240xf32, #tpu.memory_space<vmem_shared>> -> memref<128xf32, #tpu.memory_space<vmem_shared>>
      tpu.wait_dma2 semaphore(%run_scoped3A : memref<!tpu.dma_semaphore, #tpu.memory_space<semaphore_mem>>) src(%arg6 : memref<128xf32, #tpu.memory_space<vmem>>) dst(%dma_wait3A_49 : memref<128xf32, #tpu.memory_space<vmem_shared>>)
      tpu.yield
    }) : () -> ()
    %add3A_24 = arith.constant 512 : i32
    %add3A_25 = arith.addi %mul3A_15, %add3A_24 : i32
    "tpu.region"() ({
      %run_scoped3A = tpu.sem_alloc : memref<!tpu.dma_semaphore, #tpu.memory_space<semaphore_mem>>
      %dma_start3A = tpu.memref_slice %arg7[%add3A_25] : memref<10240xf32, #tpu.memory_space<vmem_shared>> -> memref<128xf32, #tpu.memory_space<vmem_shared>>
      %dma_start3A_48 = tpu.memref_slice %arg7[%add3A_25] : memref<10240xf32, #tpu.memory_space<vmem_shared>> -> memref<128xf32, #tpu.memory_space<vmem_shared>>
      tpu.enqueue_dma source(%arg6 : memref<128xf32, #tpu.memory_space<vmem>>) target(%dma_start3A_48 : memref<128xf32, #tpu.memory_space<vmem_shared>>) target_semaphore(%run_scoped3A : memref<!tpu.dma_semaphore, #tpu.memory_space<semaphore_mem>>)
      %dma_wait3A = tpu.memref_slice %arg7[%add3A_25] : memref<10240xf32, #tpu.memory_space<vmem_shared>> -> memref<128xf32, #tpu.memory_space<vmem_shared>>
      %dma_wait3A_49 = tpu.memref_slice %arg7[%add3A_25] : memref<10240xf32, #tpu.memory_space<vmem_shared>> -> memref<128xf32, #tpu.memory_space<vmem_shared>>
      tpu.wait_dma2 semaphore(%run_scoped3A : memref<!tpu.dma_semaphore, #tpu.memory_space<semaphore_mem>>) src(%arg6 : memref<128xf32, #tpu.memory_space<vmem>>) dst(%dma_wait3A_49 : memref<128xf32, #tpu.memory_space<vmem_shared>>)
      tpu.yield
    }) : () -> ()
    %barrier3A = arith.constant 0 : index
    tpu.barrier barrier_id(%barrier3A)
    %scan3A_26 = arith.constant 0 : i32
    %scan3A_27 = arith.constant 0 : i32
    %scan3A_28 = arith.constant 8 : i32
    %scan3A_29 = arith.addi %scan3A_27, %scan3A_28 : i32
    %scan3A_30 = arith.constant 1 : i32
    %scan3A_31 = scf.for %scan3A_48 = %scan3A_27 to %scan3A_29 step %scan3A_30 iter_args(%scan3A_49 = %scan3A_26) -> (i32)  : i32 {
      %dma_start3A = arith.constant 0 : i32
      %dma_start3A_50 = tpu.memref_slice %arg4[%scan3A_48, %dma_start3A] : memref<79x128xi32, #tpu.memory_space<vmem>> -> memref<1x128xi32, #tpu.memory_space<vmem>>
      %dma_start3A_51 = tpu.memref_squeeze %dma_start3A_50 : memref<1x128xi32, #tpu.memory_space<vmem>> -> memref<128xi32, #tpu.memory_space<vmem>>
      %dma_start3A_52 = arith.constant 0 : i32
      %dma_start3A_53 = tpu.memref_slice %arg7[%dma_start3A_52] : memref<10240xf32, #tpu.memory_space<vmem_shared>> -> memref<10240xf32, #tpu.memory_space<vmem_shared>>
      tpu.enqueue_indirect_dma source(%arg5 : memref<128xf32, #tpu.memory_space<vmem>>) target(%dma_start3A_53 : memref<10240xf32, #tpu.memory_space<vmem_shared>>) offsets(%dma_start3A_51 : memref<128xi32, #tpu.memory_space<vmem>>) semaphore(%arg8 : memref<!tpu.dma_semaphore, #tpu.memory_space<semaphore_mem>>) {add = true}
      %scan3A_54 = arith.constant 0 : i32
      scf.yield %scan3A_54 : i32
    }
    %scan3A_32 = arith.constant 8 : i32
    %scan3A_33 = arith.constant 0 : i32
    %scan3A_34 = arith.constant 8 : i32
    %scan3A_35 = arith.constant 71 : i32
    %scan3A_36 = arith.addi %scan3A_34, %scan3A_35 : i32
    %scan3A_37 = arith.constant 1 : i32
    %scan3A_38 = scf.for %scan3A_48 = %scan3A_34 to %scan3A_36 step %scan3A_37 iter_args(%scan3A_49 = %scan3A_33) -> (i32)  : i32 {
      %sub3A = arith.constant 8 : i32
      %sub3A_50 = arith.subi %scan3A_48, %sub3A : i32
      %dma_wait3A = arith.constant 0 : i32
      %dma_wait3A_51 = tpu.memref_slice %arg4[%sub3A_50, %dma_wait3A] : memref<79x128xi32, #tpu.memory_space<vmem>> -> memref<1x128xi32, #tpu.memory_space<vmem>>
      %dma_wait3A_52 = tpu.memref_squeeze %dma_wait3A_51 : memref<1x128xi32, #tpu.memory_space<vmem>> -> memref<128xi32, #tpu.memory_space<vmem>>
      %dma_wait3A_53 = arith.constant 0 : i32
      %dma_wait3A_54 = tpu.memref_slice %arg7[%dma_wait3A_53] : memref<10240xf32, #tpu.memory_space<vmem_shared>> -> memref<10240xf32, #tpu.memory_space<vmem_shared>>
      tpu.wait_indirect_dma semaphore(%arg8 : memref<!tpu.dma_semaphore, #tpu.memory_space<semaphore_mem>>) src(%arg5 : memref<128xf32, #tpu.memory_space<vmem>>) dst(%dma_wait3A_54 : memref<10240xf32, #tpu.memory_space<vmem_shared>>)
      %dma_start3A = arith.constant 0 : i32
      %dma_start3A_55 = tpu.memref_slice %arg4[%scan3A_48, %dma_start3A] : memref<79x128xi32, #tpu.memory_space<vmem>> -> memref<1x128xi32, #tpu.memory_space<vmem>>
      %dma_start3A_56 = tpu.memref_squeeze %dma_start3A_55 : memref<1x128xi32, #tpu.memory_space<vmem>> -> memref<128xi32, #tpu.memory_space<vmem>>
      %dma_start3A_57 = arith.constant 0 : i32
      %dma_start3A_58 = tpu.memref_slice %arg7[%dma_start3A_57] : memref<10240xf32, #tpu.memory_space<vmem_shared>> -> memref<10240xf32, #tpu.memory_space<vmem_shared>>
      tpu.enqueue_indirect_dma source(%arg5 : memref<128xf32, #tpu.memory_space<vmem>>) target(%dma_start3A_58 : memref<10240xf32, #tpu.memory_space<vmem_shared>>) offsets(%dma_start3A_56 : memref<128xi32, #tpu.memory_space<vmem>>) semaphore(%arg8 : memref<!tpu.dma_semaphore, #tpu.memory_space<semaphore_mem>>) {add = true}
      %scan3A_59 = arith.constant 0 : i32
      scf.yield %scan3A_59 : i32
    }
    %scan3A_39 = arith.constant 71 : i32
    %scan3A_40 = arith.constant 0 : i32
    %scan3A_41 = arith.constant 71 : i32
    %scan3A_42 = arith.constant 8 : i32
    %scan3A_43 = arith.addi %scan3A_41, %scan3A_42 : i32
    %scan3A_44 = arith.constant 1 : i32
    %scan3A_45 = scf.for %scan3A_48 = %scan3A_41 to %scan3A_43 step %scan3A_44 iter_args(%scan3A_49 = %scan3A_40) -> (i32)  : i32 {
      %dma_wait3A = arith.constant 0 : i32
      %dma_wait3A_50 = tpu.memref_slice %arg4[%scan3A_48, %dma_wait3A] : memref<79x128xi32, #tpu.memory_space<vmem>> -> memref<1x128xi32, #tpu.memory_space<vmem>>
      %dma_wait3A_51 = tpu.memref_squeeze %dma_wait3A_50 : memref<1x128xi32, #tpu.memory_space<vmem>> -> memref<128xi32, #tpu.memory_space<vmem>>
      %dma_wait3A_52 = arith.constant 0 : i32
      %dma_wait3A_53 = tpu.memref_slice %arg7[%dma_wait3A_52] : memref<10240xf32, #tpu.memory_space<vmem_shared>> -> memref<10240xf32, #tpu.memory_space<vmem_shared>>
      tpu.wait_indirect_dma semaphore(%arg8 : memref<!tpu.dma_semaphore, #tpu.memory_space<semaphore_mem>>) src(%arg5 : memref<128xf32, #tpu.memory_space<vmem>>) dst(%dma_wait3A_53 : memref<10240xf32, #tpu.memory_space<vmem_shared>>)
      %scan3A_54 = arith.constant 0 : i32
      scf.yield %scan3A_54 : i32
    }
    %scan3A_46 = arith.constant 8 : i32
    %barrier3A_47 = arith.constant 0 : index
    tpu.barrier barrier_id(%barrier3A_47)
    "tpu.region"() ({
      %run_scoped3A = tpu.sem_alloc : memref<!tpu.dma_semaphore, #tpu.memory_space<semaphore_mem>>
      %dma_start3A = arith.constant 0 : i32
      %dma_start3A_48 = tpu.memref_slice %arg3[%arg0, %dma_start3A] : memref<2x10240xf32, #tpu.memory_space<hbm>> -> memref<1x10240xf32, #tpu.memory_space<hbm>>
      %dma_start3A_49 = tpu.memref_squeeze %dma_start3A_48 : memref<1x10240xf32, #tpu.memory_space<hbm>> -> memref<10240xf32, #tpu.memory_space<hbm>>
      %dma_start3A_50 = tpu.memref_slice %dma_start3A_49[%mul3A_15] : memref<10240xf32, #tpu.memory_space<hbm>> -> memref<640xf32, #tpu.memory_space<hbm>>
      %dma_start3A_51 = tpu.memref_slice %arg7[%mul3A_15] : memref<10240xf32, #tpu.memory_space<vmem_shared>> -> memref<640xf32, #tpu.memory_space<vmem_shared>>
      tpu.enqueue_dma source(%dma_start3A_51 : memref<640xf32, #tpu.memory_space<vmem_shared>>) target(%dma_start3A_50 : memref<640xf32, #tpu.memory_space<hbm>>) target_semaphore(%run_scoped3A : memref<!tpu.dma_semaphore, #tpu.memory_space<semaphore_mem>>)
      %dma_wait3A = arith.constant 0 : i32
      %dma_wait3A_52 = tpu.memref_slice %arg3[%arg0, %dma_wait3A] : memref<2x10240xf32, #tpu.memory_space<hbm>> -> memref<1x10240xf32, #tpu.memory_space<hbm>>
      %dma_wait3A_53 = tpu.memref_squeeze %dma_wait3A_52 : memref<1x10240xf32, #tpu.memory_space<hbm>> -> memref<10240xf32, #tpu.memory_space<hbm>>
      %dma_wait3A_54 = tpu.memref_slice %dma_wait3A_53[%mul3A_15] : memref<10240xf32, #tpu.memory_space<hbm>> -> memref<640xf32, #tpu.memory_space<hbm>>
      %dma_wait3A_55 = tpu.memref_slice %arg7[%mul3A_15] : memref<10240xf32, #tpu.memory_space<vmem_shared>> -> memref<640xf32, #tpu.memory_space<vmem_shared>>
      tpu.wait_dma2 semaphore(%run_scoped3A : memref<!tpu.dma_semaphore, #tpu.memory_space<semaphore_mem>>) src(%dma_wait3A_55 : memref<640xf32, #tpu.memory_space<vmem_shared>>) dst(%dma_wait3A_54 : memref<640xf32, #tpu.memory_space<hbm>>)
      tpu.yield
    }) : () -> ()
    return
  }
}

#map = affine_map<(d0, d1) -> (0, 0)>
#map1 = affine_map<(d0, d1) -> (0, 0, 0)>
module attributes {stable_mosaic.version = 14 : i64} {
  func.func @_agg_kernel(%arg0: i32, %arg1: i32, %arg2: memref<10000x128xf32, #tpu.memory_space<hbm>>, %arg3: memref<32x79x128xi32, #tpu.memory_space<hbm>>, %arg4: memref<32x79x128xi32, #tpu.memory_space<hbm>>, %arg5: memref<2x10112x128xf32, #tpu.memory_space<hbm>>, %arg6: memref<79x128xi32, #tpu.memory_space<vmem>>, %arg7: memref<2x128xi32, #tpu.memory_space<vmem>>, %arg8: memref<128x128xf32, #tpu.memory_space<vmem>>, %arg9: memref<128x128xf32, #tpu.memory_space<vmem>>, %arg10: memref<10112x128xf32, #tpu.memory_space<vmem_shared>>, %arg11: memref<!tpu.dma_semaphore, #tpu.memory_space<semaphore_mem>>, %arg12: memref<!tpu.dma_semaphore, #tpu.memory_space<semaphore_mem>>, %arg13: memref<!tpu.dma_semaphore, #tpu.memory_space<semaphore_mem>>, %arg14: memref<!tpu.dma_semaphore, #tpu.memory_space<semaphore_mem>>, %arg15: memref<!tpu.dma_semaphore, #tpu.memory_space<semaphore_mem>>) attributes {dimension_semantics = [#tpu.dimension_semantics<core_parallel>, #tpu.dimension_semantics<subcore_parallel>], iteration_bounds = array<i64: 2, 16>, scalar_prefetch = 0 : i64, scratch_operands = 10 : i64, tpu.core_type = #tpu.core_type<sc_vector_subcore>, window_params = [{transform_indices = #map}, {transform_indices = #map1}, {transform_indices = #map1}, {transform_indices = #map1}]} {
    %mul3A = arith.constant 2 : i32
    %mul3A_0 = arith.muli %arg1, %mul3A : i32
    %add3A = arith.addi %mul3A_0, %arg0 : i32
    "tpu.region"() ({
      %run_scoped3A = tpu.sem_alloc : memref<!tpu.dma_semaphore, #tpu.memory_space<semaphore_mem>>
      %dma_start3A_146 = arith.constant 0 : i32
      %dma_start3A_147 = arith.constant 0 : i32
      %dma_start3A_148 = tpu.memref_slice %arg3[%add3A, %dma_start3A_146, %dma_start3A_147] : memref<32x79x128xi32, #tpu.memory_space<hbm>> -> memref<1x79x128xi32, #tpu.memory_space<hbm>>
      %dma_start3A_149 = tpu.memref_squeeze %dma_start3A_148 : memref<1x79x128xi32, #tpu.memory_space<hbm>> -> memref<79x128xi32, #tpu.memory_space<hbm>>
      %dma_start3A_150 = arith.constant 0 : i32
      %dma_start3A_151 = arith.constant 0 : i32
      %dma_start3A_152 = tpu.memref_slice %arg3[%add3A, %dma_start3A_150, %dma_start3A_151] : memref<32x79x128xi32, #tpu.memory_space<hbm>> -> memref<1x79x128xi32, #tpu.memory_space<hbm>>
      %dma_start3A_153 = tpu.memref_squeeze %dma_start3A_152 : memref<1x79x128xi32, #tpu.memory_space<hbm>> -> memref<79x128xi32, #tpu.memory_space<hbm>>
      tpu.enqueue_dma source(%dma_start3A_153 : memref<79x128xi32, #tpu.memory_space<hbm>>) target(%arg6 : memref<79x128xi32, #tpu.memory_space<vmem>>) target_semaphore(%run_scoped3A : memref<!tpu.dma_semaphore, #tpu.memory_space<semaphore_mem>>)
      %dma_wait3A_154 = arith.constant 0 : i32
      %dma_wait3A_155 = arith.constant 0 : i32
      %dma_wait3A_156 = tpu.memref_slice %arg3[%add3A, %dma_wait3A_154, %dma_wait3A_155] : memref<32x79x128xi32, #tpu.memory_space<hbm>> -> memref<1x79x128xi32, #tpu.memory_space<hbm>>
      %dma_wait3A_157 = tpu.memref_squeeze %dma_wait3A_156 : memref<1x79x128xi32, #tpu.memory_space<hbm>> -> memref<79x128xi32, #tpu.memory_space<hbm>>
      %dma_wait3A_158 = arith.constant 0 : i32
      %dma_wait3A_159 = arith.constant 0 : i32
      %dma_wait3A_160 = tpu.memref_slice %arg3[%add3A, %dma_wait3A_158, %dma_wait3A_159] : memref<32x79x128xi32, #tpu.memory_space<hbm>> -> memref<1x79x128xi32, #tpu.memory_space<hbm>>
      %dma_wait3A_161 = tpu.memref_squeeze %dma_wait3A_160 : memref<1x79x128xi32, #tpu.memory_space<hbm>> -> memref<79x128xi32, #tpu.memory_space<hbm>>
      tpu.wait_dma2 semaphore(%run_scoped3A : memref<!tpu.dma_semaphore, #tpu.memory_space<semaphore_mem>>) src(%dma_wait3A_161 : memref<79x128xi32, #tpu.memory_space<hbm>>) dst(%arg6 : memref<79x128xi32, #tpu.memory_space<vmem>>)
      tpu.yield
    }) : () -> ()
    %dma_start3A = arith.constant 0 : i32
    %dma_start3A_1 = arith.constant 0 : i32
    %dma_start3A_2 = tpu.memref_slice %arg6[%dma_start3A, %dma_start3A_1] : memref<79x128xi32, #tpu.memory_space<vmem>> -> memref<1x128xi32, #tpu.memory_space<vmem>>
    %dma_start3A_3 = tpu.memref_squeeze %dma_start3A_2 : memref<1x128xi32, #tpu.memory_space<vmem>> -> memref<128xi32, #tpu.memory_space<vmem>>
    %dma_start3A_4 = arith.constant 0 : i32
    %dma_start3A_5 = arith.constant 0 : i32
    %dma_start3A_6 = tpu.memref_slice %arg2[%dma_start3A_4, %dma_start3A_5] : memref<10000x128xf32, #tpu.memory_space<hbm>> -> memref<10000x128xf32, #tpu.memory_space<hbm>>
    tpu.enqueue_indirect_dma source(%dma_start3A_6 : memref<10000x128xf32, #tpu.memory_space<hbm>>) target(%arg8 : memref<128x128xf32, #tpu.memory_space<vmem>>) offsets(%dma_start3A_3 : memref<128xi32, #tpu.memory_space<vmem>>) semaphore(%arg11 : memref<!tpu.dma_semaphore, #tpu.memory_space<semaphore_mem>>)
    %dma_start3A_7 = arith.constant 0 : i32
    %dma_start3A_8 = arith.constant 0 : i32
    %dma_start3A_9 = arith.constant 0 : i32
    %dma_start3A_10 = tpu.memref_slice %arg7[%dma_start3A_8, %dma_start3A_9] : memref<2x128xi32, #tpu.memory_space<vmem>> -> memref<1x128xi32, #tpu.memory_space<vmem>>
    %dma_start3A_11 = tpu.memref_squeeze %dma_start3A_10 : memref<1x128xi32, #tpu.memory_space<vmem>> -> memref<128xi32, #tpu.memory_space<vmem>>
    %dma_start3A_12 = arith.constant 0 : i32
    %dma_start3A_13 = arith.constant 0 : i32
    %dma_start3A_14 = tpu.memref_slice %arg4[%add3A, %dma_start3A_12, %dma_start3A_13] : memref<32x79x128xi32, #tpu.memory_space<hbm>> -> memref<1x79x128xi32, #tpu.memory_space<hbm>>
    %dma_start3A_15 = tpu.memref_squeeze %dma_start3A_14 : memref<1x79x128xi32, #tpu.memory_space<hbm>> -> memref<79x128xi32, #tpu.memory_space<hbm>>
    %dma_start3A_16 = arith.constant 0 : i32
    %dma_start3A_17 = tpu.memref_slice %dma_start3A_15[%dma_start3A_7, %dma_start3A_16] : memref<79x128xi32, #tpu.memory_space<hbm>> -> memref<1x128xi32, #tpu.memory_space<hbm>>
    %dma_start3A_18 = tpu.memref_squeeze %dma_start3A_17 : memref<1x128xi32, #tpu.memory_space<hbm>> -> memref<128xi32, #tpu.memory_space<hbm>>
    %dma_start3A_19 = arith.constant 0 : i32
    %dma_start3A_20 = tpu.memref_slice %arg7[%dma_start3A_8, %dma_start3A_19] : memref<2x128xi32, #tpu.memory_space<vmem>> -> memref<1x128xi32, #tpu.memory_space<vmem>>
    %dma_start3A_21 = tpu.memref_squeeze %dma_start3A_20 : memref<1x128xi32, #tpu.memory_space<vmem>> -> memref<128xi32, #tpu.memory_space<vmem>>
    %dma_start3A_22 = arith.constant 0 : i32
    %dma_start3A_23 = arith.constant 0 : i32
    %dma_start3A_24 = tpu.memref_slice %arg4[%add3A, %dma_start3A_22, %dma_start3A_23] : memref<32x79x128xi32, #tpu.memory_space<hbm>> -> memref<1x79x128xi32, #tpu.memory_space<hbm>>
    %dma_start3A_25 = tpu.memref_squeeze %dma_start3A_24 : memref<1x79x128xi32, #tpu.memory_space<hbm>> -> memref<79x128xi32, #tpu.memory_space<hbm>>
    %dma_start3A_26 = arith.constant 0 : i32
    %dma_start3A_27 = tpu.memref_slice %dma_start3A_25[%dma_start3A_7, %dma_start3A_26] : memref<79x128xi32, #tpu.memory_space<hbm>> -> memref<1x128xi32, #tpu.memory_space<hbm>>
    %dma_start3A_28 = tpu.memref_squeeze %dma_start3A_27 : memref<1x128xi32, #tpu.memory_space<hbm>> -> memref<128xi32, #tpu.memory_space<hbm>>
    tpu.enqueue_dma source(%dma_start3A_28 : memref<128xi32, #tpu.memory_space<hbm>>) target(%dma_start3A_21 : memref<128xi32, #tpu.memory_space<vmem>>) target_semaphore(%arg13 : memref<!tpu.dma_semaphore, #tpu.memory_space<semaphore_mem>>)
    %broadcast_in_dim3A = arith.constant 0.000000e+00 : f32
    %broadcast_in_dim3A_29 = vector.broadcast %broadcast_in_dim3A : f32 to vector<16xf32>
    %scan3A = arith.constant 0 : i32
    %scan3A_30 = arith.constant 0 : i32
    %scan3A_31 = arith.constant 1024 : i32
    %scan3A_32 = arith.addi %scan3A_30, %scan3A_31 : i32
    %scan3A_33 = arith.constant 1 : i32
    %scan3A_34 = scf.for %scan3A_146 = %scan3A_30 to %scan3A_32 step %scan3A_33 iter_args(%scan3A_147 = %scan3A) -> (i32)  : i32 {
      %jit3A = arith.constant 8 : i32
      %div3A = arith.divsi %scan3A_146, %jit3A : i32
      %sign3A = arith.constant 0 : i32
      %sign3A_148 = arith.cmpi sgt, %scan3A_146, %sign3A : i32
      %sign3A_149 = arith.extui %sign3A_148 : i1 to i32
      %sign3A_150 = arith.constant 0 : i32
      %sign3A_151 = arith.cmpi slt, %scan3A_146, %sign3A_150 : i32
      %sign3A_152 = arith.extui %sign3A_151 : i1 to i32
      %sign3A_153 = arith.subi %sign3A_149, %sign3A_152 : i32
      %sign3A_154 = arith.constant 0 : i32
      %sign3A_155 = arith.cmpi sgt, %jit3A, %sign3A_154 : i32
      %sign3A_156 = arith.extui %sign3A_155 : i1 to i32
      %sign3A_157 = arith.constant 0 : i32
      %sign3A_158 = arith.cmpi slt, %jit3A, %sign3A_157 : i32
      %sign3A_159 = arith.extui %sign3A_158 : i1 to i32
      %sign3A_160 = arith.subi %sign3A_156, %sign3A_159 : i32
      %ne3A = arith.cmpi ne, %sign3A_153, %sign3A_160 : i32
      %rem3A = arith.remsi %scan3A_146, %jit3A : i32
      %ne3A_161 = arith.constant 0 : i32
      %ne3A_162 = arith.cmpi ne, %rem3A, %ne3A_161 : i32
      %and3A = arith.andi %ne3A, %ne3A_162 : i1
      %sub3A = arith.constant 1 : i32
      %sub3A_163 = arith.subi %div3A, %sub3A : i32
      %select_n3A = arith.select %and3A, %sub3A_163, %div3A : i32
      %jit3A_164 = arith.constant 8 : i32
      %eq3A = arith.constant 0 : i32
      %eq3A_165 = arith.cmpi eq, %jit3A_164, %eq3A : i32
      %jit3A_166 = arith.constant 1 : i32
      %select_n3A_167 = arith.select %eq3A_165, %jit3A_166, %jit3A_164 : i32
      %rem3A_168 = arith.remsi %scan3A_146, %select_n3A_167 : i32
      %ne3A_169 = arith.constant 0 : i32
      %ne3A_170 = arith.cmpi ne, %rem3A_168, %ne3A_169 : i32
      %lt3A = arith.constant 0 : i32
      %lt3A_171 = arith.cmpi slt, %rem3A_168, %lt3A : i32
      %lt3A_172 = arith.constant 0 : i32
      %lt3A_173 = arith.cmpi slt, %select_n3A_167, %lt3A_172 : i32
      %ne3A_174 = arith.xori %lt3A_171, %lt3A_173 : i1
      %and3A_175 = arith.andi %ne3A_174, %ne3A_170 : i1
      %add3A_176 = arith.addi %rem3A_168, %select_n3A_167 : i32
      %select_n3A_177 = arith.select %and3A_175, %add3A_176, %rem3A_168 : i32
      %mul3A_178 = arith.constant 16 : i32
      %mul3A_179 = arith.muli %select_n3A_177, %mul3A_178 : i32
      %swap3A = arith.index_cast %select_n3A : i32 to index
      %swap3A_180 = arith.index_cast %mul3A_179 : i32 to index
      %swap3A_181 = tpu.vector_load %arg9[%swap3A, %swap3A_180] {strides = array<i32>} : memref<128x128xf32, #tpu.memory_space<vmem>>, vector<1x16xf32>,
      %swap3A_182 = vector.shape_cast %swap3A_181 : vector<1x16xf32> to vector<16xf32>
      %swap3A_183 = vector.shape_cast %broadcast_in_dim3A_29 : vector<16xf32> to vector<1x16xf32>
      tpu.vector_store %arg9[%swap3A, %swap3A_180], %swap3A_183 {strides = array<i32>} : memref<128x128xf32, #tpu.memory_space<vmem>>, vector<1x16xf32>,
      %scan3A_184 = arith.constant 0 : i32
      scf.yield %scan3A_184 : i32
    }
    %scan3A_35 = arith.constant 1024 : i32
    %mul3A_36 = arith.constant 632 : i32
    %mul3A_37 = arith.muli %arg1, %mul3A_36 : i32
    %add3A_38 = arith.constant 0 : i32
    %add3A_39 = arith.addi %mul3A_37, %add3A_38 : i32
    %dma_start3A_40 = arith.constant 0 : i32
    %dma_start3A_41 = tpu.memref_slice %arg10[%add3A_39, %dma_start3A_40] : memref<10112x128xf32, #tpu.memory_space<vmem_shared>> -> memref<128x128xf32, #tpu.memory_space<vmem_shared>>
    %dma_start3A_42 = arith.constant 0 : i32
    %dma_start3A_43 = tpu.memref_slice %arg10[%add3A_39, %dma_start3A_42] : memref<10112x128xf32, #tpu.memory_space<vmem_shared>> -> memref<128x128xf32, #tpu.memory_space<vmem_shared>>
    tpu.enqueue_dma source(%arg9 : memref<128x128xf32, #tpu.memory_space<vmem>>) target(%dma_start3A_43 : memref<128x128xf32, #tpu.memory_space<vmem_shared>>) target_semaphore(%arg15 : memref<!tpu.dma_semaphore, #tpu.memory_space<semaphore_mem>>)
    %add3A_44 = arith.constant 128 : i32
    %add3A_45 = arith.addi %mul3A_37, %add3A_44 : i32
    %dma_start3A_46 = arith.constant 0 : i32
    %dma_start3A_47 = tpu.memref_slice %arg10[%add3A_45, %dma_start3A_46] : memref<10112x128xf32, #tpu.memory_space<vmem_shared>> -> memref<128x128xf32, #tpu.memory_space<vmem_shared>>
    %dma_start3A_48 = arith.constant 0 : i32
    %dma_start3A_49 = tpu.memref_slice %arg10[%add3A_45, %dma_start3A_48] : memref<10112x128xf32, #tpu.memory_space<vmem_shared>> -> memref<128x128xf32, #tpu.memory_space<vmem_shared>>
    tpu.enqueue_dma source(%arg9 : memref<128x128xf32, #tpu.memory_space<vmem>>) target(%dma_start3A_49 : memref<128x128xf32, #tpu.memory_space<vmem_shared>>) target_semaphore(%arg15 : memref<!tpu.dma_semaphore, #tpu.memory_space<semaphore_mem>>)
    %add3A_50 = arith.constant 256 : i32
    %add3A_51 = arith.addi %mul3A_37, %add3A_50 : i32
    %dma_start3A_52 = arith.constant 0 : i32
    %dma_start3A_53 = tpu.memref_slice %arg10[%add3A_51, %dma_start3A_52] : memref<10112x128xf32, #tpu.memory_space<vmem_shared>> -> memref<128x128xf32, #tpu.memory_space<vmem_shared>>
    %dma_start3A_54 = arith.constant 0 : i32
    %dma_start3A_55 = tpu.memref_slice %arg10[%add3A_51, %dma_start3A_54] : memref<10112x128xf32, #tpu.memory_space<vmem_shared>> -> memref<128x128xf32, #tpu.memory_space<vmem_shared>>
    tpu.enqueue_dma source(%arg9 : memref<128x128xf32, #tpu.memory_space<vmem>>) target(%dma_start3A_55 : memref<128x128xf32, #tpu.memory_space<vmem_shared>>) target_semaphore(%arg15 : memref<!tpu.dma_semaphore, #tpu.memory_space<semaphore_mem>>)
    %add3A_56 = arith.constant 384 : i32
    %add3A_57 = arith.addi %mul3A_37, %add3A_56 : i32
    %dma_start3A_58 = arith.constant 0 : i32
    %dma_start3A_59 = tpu.memref_slice %arg10[%add3A_57, %dma_start3A_58] : memref<10112x128xf32, #tpu.memory_space<vmem_shared>> -> memref<128x128xf32, #tpu.memory_space<vmem_shared>>
    %dma_start3A_60 = arith.constant 0 : i32
    %dma_start3A_61 = tpu.memref_slice %arg10[%add3A_57, %dma_start3A_60] : memref<10112x128xf32, #tpu.memory_space<vmem_shared>> -> memref<128x128xf32, #tpu.memory_space<vmem_shared>>
    tpu.enqueue_dma source(%arg9 : memref<128x128xf32, #tpu.memory_space<vmem>>) target(%dma_start3A_61 : memref<128x128xf32, #tpu.memory_space<vmem_shared>>) target_semaphore(%arg15 : memref<!tpu.dma_semaphore, #tpu.memory_space<semaphore_mem>>)
    %add3A_62 = arith.constant 512 : i32
    %add3A_63 = arith.addi %mul3A_37, %add3A_62 : i32
    %dma_start3A_64 = arith.constant 0 : i32
    %dma_start3A_65 = arith.constant 0 : i32
    %dma_start3A_66 = tpu.memref_slice %arg9[%dma_start3A_64, %dma_start3A_65] : memref<128x128xf32, #tpu.memory_space<vmem>> -> memref<120x128xf32, #tpu.memory_space<vmem>>
    %dma_start3A_67 = arith.constant 0 : i32
    %dma_start3A_68 = tpu.memref_slice %arg10[%add3A_63, %dma_start3A_67] : memref<10112x128xf32, #tpu.memory_space<vmem_shared>> -> memref<120x128xf32, #tpu.memory_space<vmem_shared>>
    %dma_start3A_69 = arith.constant 0 : i32
    %dma_start3A_70 = tpu.memref_slice %arg10[%add3A_63, %dma_start3A_69] : memref<10112x128xf32, #tpu.memory_space<vmem_shared>> -> memref<120x128xf32, #tpu.memory_space<vmem_shared>>
    %dma_start3A_71 = arith.constant 0 : i32
    %dma_start3A_72 = arith.constant 0 : i32
    %dma_start3A_73 = tpu.memref_slice %arg9[%dma_start3A_71, %dma_start3A_72] : memref<128x128xf32, #tpu.memory_space<vmem>> -> memref<120x128xf32, #tpu.memory_space<vmem>>
    tpu.enqueue_dma source(%dma_start3A_73 : memref<120x128xf32, #tpu.memory_space<vmem>>) target(%dma_start3A_70 : memref<120x128xf32, #tpu.memory_space<vmem_shared>>) target_semaphore(%arg15 : memref<!tpu.dma_semaphore, #tpu.memory_space<semaphore_mem>>)
    %add3A_74 = arith.constant 0 : i32
    %add3A_75 = arith.addi %mul3A_37, %add3A_74 : i32
    %dma_wait3A = arith.constant 0 : i32
    %dma_wait3A_76 = tpu.memref_slice %arg10[%add3A_75, %dma_wait3A] : memref<10112x128xf32, #tpu.memory_space<vmem_shared>> -> memref<128x128xf32, #tpu.memory_space<vmem_shared>>
    %dma_wait3A_77 = arith.constant 0 : i32
    %dma_wait3A_78 = tpu.memref_slice %arg10[%add3A_75, %dma_wait3A_77] : memref<10112x128xf32, #tpu.memory_space<vmem_shared>> -> memref<128x128xf32, #tpu.memory_space<vmem_shared>>
    tpu.wait_dma2 semaphore(%arg15 : memref<!tpu.dma_semaphore, #tpu.memory_space<semaphore_mem>>) src(%arg9 : memref<128x128xf32, #tpu.memory_space<vmem>>) dst(%dma_wait3A_78 : memref<128x128xf32, #tpu.memory_space<vmem_shared>>)
    %add3A_79 = arith.constant 128 : i32
    %add3A_80 = arith.addi %mul3A_37, %add3A_79 : i32
    %dma_wait3A_81 = arith.constant 0 : i32
    %dma_wait3A_82 = tpu.memref_slice %arg10[%add3A_80, %dma_wait3A_81] : memref<10112x128xf32, #tpu.memory_space<vmem_shared>> -> memref<128x128xf32, #tpu.memory_space<vmem_shared>>
    %dma_wait3A_83 = arith.constant 0 : i32
    %dma_wait3A_84 = tpu.memref_slice %arg10[%add3A_80, %dma_wait3A_83] : memref<10112x128xf32, #tpu.memory_space<vmem_shared>> -> memref<128x128xf32, #tpu.memory_space<vmem_shared>>
    tpu.wait_dma2 semaphore(%arg15 : memref<!tpu.dma_semaphore, #tpu.memory_space<semaphore_mem>>) src(%arg9 : memref<128x128xf32, #tpu.memory_space<vmem>>) dst(%dma_wait3A_84 : memref<128x128xf32, #tpu.memory_space<vmem_shared>>)
    %add3A_85 = arith.constant 256 : i32
    %add3A_86 = arith.addi %mul3A_37, %add3A_85 : i32
    %dma_wait3A_87 = arith.constant 0 : i32
    %dma_wait3A_88 = tpu.memref_slice %arg10[%add3A_86, %dma_wait3A_87] : memref<10112x128xf32, #tpu.memory_space<vmem_shared>> -> memref<128x128xf32, #tpu.memory_space<vmem_shared>>
    %dma_wait3A_89 = arith.constant 0 : i32
    %dma_wait3A_90 = tpu.memref_slice %arg10[%add3A_86, %dma_wait3A_89] : memref<10112x128xf32, #tpu.memory_space<vmem_shared>> -> memref<128x128xf32, #tpu.memory_space<vmem_shared>>
    tpu.wait_dma2 semaphore(%arg15 : memref<!tpu.dma_semaphore, #tpu.memory_space<semaphore_mem>>) src(%arg9 : memref<128x128xf32, #tpu.memory_space<vmem>>) dst(%dma_wait3A_90 : memref<128x128xf32, #tpu.memory_space<vmem_shared>>)
    %add3A_91 = arith.constant 384 : i32
    %add3A_92 = arith.addi %mul3A_37, %add3A_91 : i32
    %dma_wait3A_93 = arith.constant 0 : i32
    %dma_wait3A_94 = tpu.memref_slice %arg10[%add3A_92, %dma_wait3A_93] : memref<10112x128xf32, #tpu.memory_space<vmem_shared>> -> memref<128x128xf32, #tpu.memory_space<vmem_shared>>
    %dma_wait3A_95 = arith.constant 0 : i32
    %dma_wait3A_96 = tpu.memref_slice %arg10[%add3A_92, %dma_wait3A_95] : memref<10112x128xf32, #tpu.memory_space<vmem_shared>> -> memref<128x128xf32, #tpu.memory_space<vmem_shared>>
    tpu.wait_dma2 semaphore(%arg15 : memref<!tpu.dma_semaphore, #tpu.memory_space<semaphore_mem>>) src(%arg9 : memref<128x128xf32, #tpu.memory_space<vmem>>) dst(%dma_wait3A_96 : memref<128x128xf32, #tpu.memory_space<vmem_shared>>)
    %add3A_97 = arith.constant 512 : i32
    %add3A_98 = arith.addi %mul3A_37, %add3A_97 : i32
    %dma_wait3A_99 = arith.constant 0 : i32
    %dma_wait3A_100 = arith.constant 0 : i32
    %dma_wait3A_101 = tpu.memref_slice %arg9[%dma_wait3A_99, %dma_wait3A_100] : memref<128x128xf32, #tpu.memory_space<vmem>> -> memref<120x128xf32, #tpu.memory_space<vmem>>
    %dma_wait3A_102 = arith.constant 0 : i32
    %dma_wait3A_103 = tpu.memref_slice %arg10[%add3A_98, %dma_wait3A_102] : memref<10112x128xf32, #tpu.memory_space<vmem_shared>> -> memref<120x128xf32, #tpu.memory_space<vmem_shared>>
    %dma_wait3A_104 = arith.constant 0 : i32
    %dma_wait3A_105 = tpu.memref_slice %arg10[%add3A_98, %dma_wait3A_104] : memref<10112x128xf32, #tpu.memory_space<vmem_shared>> -> memref<120x128xf32, #tpu.memory_space<vmem_shared>>
    %dma_wait3A_106 = arith.constant 0 : i32
    %dma_wait3A_107 = arith.constant 0 : i32
    %dma_wait3A_108 = tpu.memref_slice %arg9[%dma_wait3A_106, %dma_wait3A_107] : memref<128x128xf32, #tpu.memory_space<vmem>> -> memref<120x128xf32, #tpu.memory_space<vmem>>
    tpu.wait_dma2 semaphore(%arg15 : memref<!tpu.dma_semaphore, #tpu.memory_space<semaphore_mem>>) src(%dma_wait3A_108 : memref<120x128xf32, #tpu.memory_space<vmem>>) dst(%dma_wait3A_105 : memref<120x128xf32, #tpu.memory_space<vmem_shared>>)
    %dma_start3A_109 = arith.constant 1 : i32
    %dma_start3A_110 = arith.constant 0 : i32
    %dma_start3A_111 = tpu.memref_slice %arg6[%dma_start3A_109, %dma_start3A_110] : memref<79x128xi32, #tpu.memory_space<vmem>> -> memref<1x128xi32, #tpu.memory_space<vmem>>
    %dma_start3A_112 = tpu.memref_squeeze %dma_start3A_111 : memref<1x128xi32, #tpu.memory_space<vmem>> -> memref<128xi32, #tpu.memory_space<vmem>>
    %dma_start3A_113 = arith.constant 0 : i32
    %dma_start3A_114 = arith.constant 0 : i32
    %dma_start3A_115 = tpu.memref_slice %arg2[%dma_start3A_113, %dma_start3A_114] : memref<10000x128xf32, #tpu.memory_space<hbm>> -> memref<10000x128xf32, #tpu.memory_space<hbm>>
    tpu.enqueue_indirect_dma source(%dma_start3A_115 : memref<10000x128xf32, #tpu.memory_space<hbm>>) target(%arg9 : memref<128x128xf32, #tpu.memory_space<vmem>>) offsets(%dma_start3A_112 : memref<128xi32, #tpu.memory_space<vmem>>) semaphore(%arg12 : memref<!tpu.dma_semaphore, #tpu.memory_space<semaphore_mem>>)
    %dma_start3A_116 = arith.constant 1 : i32
    %dma_start3A_117 = arith.constant 1 : i32
    %dma_start3A_118 = arith.constant 0 : i32
    %dma_start3A_119 = tpu.memref_slice %arg7[%dma_start3A_117, %dma_start3A_118] : memref<2x128xi32, #tpu.memory_space<vmem>> -> memref<1x128xi32, #tpu.memory_space<vmem>>
    %dma_start3A_120 = tpu.memref_squeeze %dma_start3A_119 : memref<1x128xi32, #tpu.memory_space<vmem>> -> memref<128xi32, #tpu.memory_space<vmem>>
    %dma_start3A_121 = arith.constant 0 : i32
    %dma_start3A_122 = arith.constant 0 : i32
    %dma_start3A_123 = tpu.memref_slice %arg4[%add3A, %dma_start3A_121, %dma_start3A_122] : memref<32x79x128xi32, #tpu.memory_space<hbm>> -> memref<1x79x128xi32, #tpu.memory_space<hbm>>
    %dma_start3A_124 = tpu.memref_squeeze %dma_start3A_123 : memref<1x79x128xi32, #tpu.memory_space<hbm>> -> memref<79x128xi32, #tpu.memory_space<hbm>>
    %dma_start3A_125 = arith.constant 0 : i32
    %dma_start3A_126 = tpu.memref_slice %dma_start3A_124[%dma_start3A_116, %dma_start3A_125] : memref<79x128xi32, #tpu.memory_space<hbm>> -> memref<1x128xi32, #tpu.memory_space<hbm>>
    %dma_start3A_127 = tpu.memref_squeeze %dma_start3A_126 : memref<1x128xi32, #tpu.memory_space<hbm>> -> memref<128xi32, #tpu.memory_space<hbm>>
    %dma_start3A_128 = arith.constant 0 : i32
    %dma_start3A_129 = tpu.memref_slice %arg7[%dma_start3A_117, %dma_start3A_128] : memref<2x128xi32, #tpu.memory_space<vmem>> -> memref<1x128xi32, #tpu.memory_space<vmem>>
    %dma_start3A_130 = tpu.memref_squeeze %dma_start3A_129 : memref<1x128xi32, #tpu.memory_space<vmem>> -> memref<128xi32, #tpu.memory_space<vmem>>
    %dma_start3A_131 = arith.constant 0 : i32
    %dma_start3A_132 = arith.constant 0 : i32
    %dma_start3A_133 = tpu.memref_slice %arg4[%add3A, %dma_start3A_131, %dma_start3A_132] : memref<32x79x128xi32, #tpu.memory_space<hbm>> -> memref<1x79x128xi32, #tpu.memory_space<hbm>>
    %dma_start3A_134 = tpu.memref_squeeze %dma_start3A_133 : memref<1x79x128xi32, #tpu.memory_space<hbm>> -> memref<79x128xi32, #tpu.memory_space<hbm>>
    %dma_start3A_135 = arith.constant 0 : i32
    %dma_start3A_136 = tpu.memref_slice %dma_start3A_134[%dma_start3A_116, %dma_start3A_135] : memref<79x128xi32, #tpu.memory_space<hbm>> -> memref<1x128xi32, #tpu.memory_space<hbm>>
    %dma_start3A_137 = tpu.memref_squeeze %dma_start3A_136 : memref<1x128xi32, #tpu.memory_space<hbm>> -> memref<128xi32, #tpu.memory_space<hbm>>
    tpu.enqueue_dma source(%dma_start3A_137 : memref<128xi32, #tpu.memory_space<hbm>>) target(%dma_start3A_130 : memref<128xi32, #tpu.memory_space<vmem>>) target_semaphore(%arg14 : memref<!tpu.dma_semaphore, #tpu.memory_space<semaphore_mem>>)
    %barrier3A = arith.constant 0 : index
    tpu.barrier barrier_id(%barrier3A)
    %scan3A_138 = arith.constant 0 : i32
    %scan3A_139 = arith.constant 0 : i32
    %scan3A_140 = arith.constant 79 : i32
    %scan3A_141 = arith.addi %scan3A_139, %scan3A_140 : i32
    %scan3A_142 = arith.constant 1 : i32
    %scan3A_143 = scf.for %scan3A_146 = %scan3A_139 to %scan3A_141 step %scan3A_142 iter_args(%scan3A_147 = %scan3A_138) -> (i32)  : i32 {
      %jit3A = arith.constant 2 : i32
      %eq3A = arith.constant 0 : i32
      %eq3A_148 = arith.cmpi eq, %jit3A, %eq3A : i32
      %jit3A_149 = arith.constant 1 : i32
      %select_n3A = arith.select %eq3A_148, %jit3A_149, %jit3A : i32
      %rem3A = arith.remsi %scan3A_146, %select_n3A : i32
      %ne3A = arith.constant 0 : i32
      %ne3A_150 = arith.cmpi ne, %rem3A, %ne3A : i32
      %lt3A = arith.constant 0 : i32
      %lt3A_151 = arith.cmpi slt, %rem3A, %lt3A : i32
      %lt3A_152 = arith.constant 0 : i32
      %lt3A_153 = arith.cmpi slt, %select_n3A, %lt3A_152 : i32
      %ne3A_154 = arith.xori %lt3A_151, %lt3A_153 : i1
      %and3A = arith.andi %ne3A_154, %ne3A_150 : i1
      %add3A_155 = arith.addi %rem3A, %select_n3A : i32
      %select_n3A_156 = arith.select %and3A, %add3A_155, %rem3A : i32
      %eq3A_157 = arith.constant 0 : i32
      %eq3A_158 = arith.cmpi eq, %select_n3A_156, %eq3A_157 : i32
      %convert_element_type3A = arith.extui %eq3A_158 : i1 to i32
      %cond3A = arith.constant 0 : i32
      %cond3A_159 = arith.cmpi ne, %convert_element_type3A, %cond3A : i32
      scf.if %cond3A_159 {
        %dma_wait3A_182 = arith.constant 0 : i32
        %dma_wait3A_183 = tpu.memref_slice %arg6[%scan3A_146, %dma_wait3A_182] : memref<79x128xi32, #tpu.memory_space<vmem>> -> memref<1x128xi32, #tpu.memory_space<vmem>>
        %dma_wait3A_184 = tpu.memref_squeeze %dma_wait3A_183 : memref<1x128xi32, #tpu.memory_space<vmem>> -> memref<128xi32, #tpu.memory_space<vmem>>
        %dma_wait3A_185 = arith.constant 0 : i32
        %dma_wait3A_186 = arith.constant 0 : i32
        %dma_wait3A_187 = tpu.memref_slice %arg2[%dma_wait3A_185, %dma_wait3A_186] : memref<10000x128xf32, #tpu.memory_space<hbm>> -> memref<10000x128xf32, #tpu.memory_space<hbm>>
        tpu.wait_indirect_dma semaphore(%arg11 : memref<!tpu.dma_semaphore, #tpu.memory_space<semaphore_mem>>) src(%dma_wait3A_187 : memref<10000x128xf32, #tpu.memory_space<hbm>>) dst(%arg8 : memref<128x128xf32, #tpu.memory_space<vmem>>)
        %dma_wait3A_188 = arith.constant 0 : i32
        %dma_wait3A_189 = arith.constant 0 : i32
        %dma_wait3A_190 = tpu.memref_slice %arg7[%dma_wait3A_188, %dma_wait3A_189] : memref<2x128xi32, #tpu.memory_space<vmem>> -> memref<1x128xi32, #tpu.memory_space<vmem>>
        %dma_wait3A_191 = tpu.memref_squeeze %dma_wait3A_190 : memref<1x128xi32, #tpu.memory_space<vmem>> -> memref<128xi32, #tpu.memory_space<vmem>>
        %dma_wait3A_192 = arith.constant 0 : i32
        %dma_wait3A_193 = arith.constant 0 : i32
        %dma_wait3A_194 = tpu.memref_slice %arg4[%add3A, %dma_wait3A_192, %dma_wait3A_193] : memref<32x79x128xi32, #tpu.memory_space<hbm>> -> memref<1x79x128xi32, #tpu.memory_space<hbm>>
        %dma_wait3A_195 = tpu.memref_squeeze %dma_wait3A_194 : memref<1x79x128xi32, #tpu.memory_space<hbm>> -> memref<79x128xi32, #tpu.memory_space<hbm>>
        %dma_wait3A_196 = arith.constant 0 : i32
        %dma_wait3A_197 = tpu.memref_slice %dma_wait3A_195[%scan3A_146, %dma_wait3A_196] : memref<79x128xi32, #tpu.memory_space<hbm>> -> memref<1x128xi32, #tpu.memory_space<hbm>>
        %dma_wait3A_198 = tpu.memref_squeeze %dma_wait3A_197 : memref<1x128xi32, #tpu.memory_space<hbm>> -> memref<128xi32, #tpu.memory_space<hbm>>
        %dma_wait3A_199 = arith.constant 0 : i32
        %dma_wait3A_200 = tpu.memref_slice %arg7[%dma_wait3A_188, %dma_wait3A_199] : memref<2x128xi32, #tpu.memory_space<vmem>> -> memref<1x128xi32, #tpu.memory_space<vmem>>
        %dma_wait3A_201 = tpu.memref_squeeze %dma_wait3A_200 : memref<1x128xi32, #tpu.memory_space<vmem>> -> memref<128xi32, #tpu.memory_space<vmem>>
        %dma_wait3A_202 = arith.constant 0 : i32
        %dma_wait3A_203 = arith.constant 0 : i32
        %dma_wait3A_204 = tpu.memref_slice %arg4[%add3A, %dma_wait3A_202, %dma_wait3A_203] : memref<32x79x128xi32, #tpu.memory_space<hbm>> -> memref<1x79x128xi32, #tpu.memory_space<hbm>>
        %dma_wait3A_205 = tpu.memref_squeeze %dma_wait3A_204 : memref<1x79x128xi32, #tpu.memory_space<hbm>> -> memref<79x128xi32, #tpu.memory_space<hbm>>
        %dma_wait3A_206 = arith.constant 0 : i32
        %dma_wait3A_207 = tpu.memref_slice %dma_wait3A_205[%scan3A_146, %dma_wait3A_206] : memref<79x128xi32, #tpu.memory_space<hbm>> -> memref<1x128xi32, #tpu.memory_space<hbm>>
        %dma_wait3A_208 = tpu.memref_squeeze %dma_wait3A_207 : memref<1x128xi32, #tpu.memory_space<hbm>> -> memref<128xi32, #tpu.memory_space<hbm>>
        tpu.wait_dma2 semaphore(%arg13 : memref<!tpu.dma_semaphore, #tpu.memory_space<semaphore_mem>>) src(%dma_wait3A_208 : memref<128xi32, #tpu.memory_space<hbm>>) dst(%dma_wait3A_201 : memref<128xi32, #tpu.memory_space<vmem>>)
        %run_scoped3A = arith.constant 0 : i32
        "tpu.region"() ({
          %run_scoped3A_216 = tpu.sem_alloc : memref<!tpu.dma_semaphore, #tpu.memory_space<semaphore_mem>>
          %dma_start3A_217 = arith.constant 0 : i32
          %dma_start3A_218 = tpu.memref_slice %arg7[%run_scoped3A, %dma_start3A_217] : memref<2x128xi32, #tpu.memory_space<vmem>> -> memref<1x128xi32, #tpu.memory_space<vmem>>
          %dma_start3A_219 = tpu.memref_squeeze %dma_start3A_218 : memref<1x128xi32, #tpu.memory_space<vmem>> -> memref<128xi32, #tpu.memory_space<vmem>>
          %dma_start3A_220 = arith.constant 0 : i32
          %dma_start3A_221 = arith.constant 0 : i32
          %dma_start3A_222 = tpu.memref_slice %arg10[%dma_start3A_220, %dma_start3A_221] : memref<10112x128xf32, #tpu.memory_space<vmem_shared>> -> memref<10112x128xf32, #tpu.memory_space<vmem_shared>>
          tpu.enqueue_indirect_dma source(%arg8 : memref<128x128xf32, #tpu.memory_space<vmem>>) target(%dma_start3A_222 : memref<10112x128xf32, #tpu.memory_space<vmem_shared>>) offsets(%dma_start3A_219 : memref<128xi32, #tpu.memory_space<vmem>>) semaphore(%run_scoped3A_216 : memref<!tpu.dma_semaphore, #tpu.memory_space<semaphore_mem>>) {add = true}
          %dma_wait3A_223 = arith.constant 0 : i32
          %dma_wait3A_224 = tpu.memref_slice %arg7[%run_scoped3A, %dma_wait3A_223] : memref<2x128xi32, #tpu.memory_space<vmem>> -> memref<1x128xi32, #tpu.memory_space<vmem>>
          %dma_wait3A_225 = tpu.memref_squeeze %dma_wait3A_224 : memref<1x128xi32, #tpu.memory_space<vmem>> -> memref<128xi32, #tpu.memory_space<vmem>>
          %dma_wait3A_226 = arith.constant 0 : i32
          %dma_wait3A_227 = arith.constant 0 : i32
          %dma_wait3A_228 = tpu.memref_slice %arg10[%dma_wait3A_226, %dma_wait3A_227] : memref<10112x128xf32, #tpu.memory_space<vmem_shared>> -> memref<10112x128xf32, #tpu.memory_space<vmem_shared>>
          tpu.wait_indirect_dma semaphore(%run_scoped3A_216 : memref<!tpu.dma_semaphore, #tpu.memory_space<semaphore_mem>>) src(%arg8 : memref<128x128xf32, #tpu.memory_space<vmem>>) dst(%dma_wait3A_228 : memref<10112x128xf32, #tpu.memory_space<vmem_shared>>)
          tpu.yield
        }) : () -> ()
        %add3A_209 = arith.constant 2 : i32
        %add3A_210 = arith.addi %scan3A_146, %add3A_209 : i32
        %lt3A_211 = arith.constant 79 : i32
        %lt3A_212 = arith.cmpi slt, %add3A_210, %lt3A_211 : i32
        %convert_element_type3A_213 = arith.extui %lt3A_212 : i1 to i32
        %cond3A_214 = arith.constant 0 : i32
        %cond3A_215 = arith.cmpi ne, %convert_element_type3A_213, %cond3A_214 : i32
        scf.if %cond3A_215 {
          %add3A_216 = arith.constant 2 : i32
          %add3A_217 = arith.addi %scan3A_146, %add3A_216 : i32
          %dma_start3A_218 = arith.constant 0 : i32
          %dma_start3A_219 = tpu.memref_slice %arg6[%add3A_217, %dma_start3A_218] : memref<79x128xi32, #tpu.memory_space<vmem>> -> memref<1x128xi32, #tpu.memory_space<vmem>>
          %dma_start3A_220 = tpu.memref_squeeze %dma_start3A_219 : memref<1x128xi32, #tpu.memory_space<vmem>> -> memref<128xi32, #tpu.memory_space<vmem>>
          %dma_start3A_221 = arith.constant 0 : i32
          %dma_start3A_222 = arith.constant 0 : i32
          %dma_start3A_223 = tpu.memref_slice %arg2[%dma_start3A_221, %dma_start3A_222] : memref<10000x128xf32, #tpu.memory_space<hbm>> -> memref<10000x128xf32, #tpu.memory_space<hbm>>
          tpu.enqueue_indirect_dma source(%dma_start3A_223 : memref<10000x128xf32, #tpu.memory_space<hbm>>) target(%arg8 : memref<128x128xf32, #tpu.memory_space<vmem>>) offsets(%dma_start3A_220 : memref<128xi32, #tpu.memory_space<vmem>>) semaphore(%arg11 : memref<!tpu.dma_semaphore, #tpu.memory_space<semaphore_mem>>)
          %dma_start3A_224 = arith.constant 0 : i32
          %dma_start3A_225 = arith.constant 0 : i32
          %dma_start3A_226 = tpu.memref_slice %arg7[%dma_start3A_224, %dma_start3A_225] : memref<2x128xi32, #tpu.memory_space<vmem>> -> memref<1x128xi32, #tpu.memory_space<vmem>>
          %dma_start3A_227 = tpu.memref_squeeze %dma_start3A_226 : memref<1x128xi32, #tpu.memory_space<vmem>> -> memref<128xi32, #tpu.memory_space<vmem>>
          %dma_start3A_228 = arith.constant 0 : i32
          %dma_start3A_229 = arith.constant 0 : i32
          %dma_start3A_230 = tpu.memref_slice %arg4[%add3A, %dma_start3A_228, %dma_start3A_229] : memref<32x79x128xi32, #tpu.memory_space<hbm>> -> memref<1x79x128xi32, #tpu.memory_space<hbm>>
          %dma_start3A_231 = tpu.memref_squeeze %dma_start3A_230 : memref<1x79x128xi32, #tpu.memory_space<hbm>> -> memref<79x128xi32, #tpu.memory_space<hbm>>
          %dma_start3A_232 = arith.constant 0 : i32
          %dma_start3A_233 = tpu.memref_slice %dma_start3A_231[%add3A_217, %dma_start3A_232] : memref<79x128xi32, #tpu.memory_space<hbm>> -> memref<1x128xi32, #tpu.memory_space<hbm>>
          %dma_start3A_234 = tpu.memref_squeeze %dma_start3A_233 : memref<1x128xi32, #tpu.memory_space<hbm>> -> memref<128xi32, #tpu.memory_space<hbm>>
          %dma_start3A_235 = arith.constant 0 : i32
          %dma_start3A_236 = tpu.memref_slice %arg7[%dma_start3A_224, %dma_start3A_235] : memref<2x128xi32, #tpu.memory_space<vmem>> -> memref<1x128xi32, #tpu.memory_space<vmem>>
          %dma_start3A_237 = tpu.memref_squeeze %dma_start3A_236 : memref<1x128xi32, #tpu.memory_space<vmem>> -> memref<128xi32, #tpu.memory_space<vmem>>
          %dma_start3A_238 = arith.constant 0 : i32
          %dma_start3A_239 = arith.constant 0 : i32
          %dma_start3A_240 = tpu.memref_slice %arg4[%add3A, %dma_start3A_238, %dma_start3A_239] : memref<32x79x128xi32, #tpu.memory_space<hbm>> -> memref<1x79x128xi32, #tpu.memory_space<hbm>>
          %dma_start3A_241 = tpu.memref_squeeze %dma_start3A_240 : memref<1x79x128xi32, #tpu.memory_space<hbm>> -> memref<79x128xi32, #tpu.memory_space<hbm>>
          %dma_start3A_242 = arith.constant 0 : i32
          %dma_start3A_243 = tpu.memref_slice %dma_start3A_241[%add3A_217, %dma_start3A_242] : memref<79x128xi32, #tpu.memory_space<hbm>> -> memref<1x128xi32, #tpu.memory_space<hbm>>
          %dma_start3A_244 = tpu.memref_squeeze %dma_start3A_243 : memref<1x128xi32, #tpu.memory_space<hbm>> -> memref<128xi32, #tpu.memory_space<hbm>>
          tpu.enqueue_dma source(%dma_start3A_244 : memref<128xi32, #tpu.memory_space<hbm>>) target(%dma_start3A_237 : memref<128xi32, #tpu.memory_space<vmem>>) target_semaphore(%arg13 : memref<!tpu.dma_semaphore, #tpu.memory_space<semaphore_mem>>)
        } else {
        }
      } else {
      }
      %jit3A_160 = arith.constant 2 : i32
      %eq3A_161 = arith.constant 0 : i32
      %eq3A_162 = arith.cmpi eq, %jit3A_160, %eq3A_161 : i32
      %jit3A_163 = arith.constant 1 : i32
      %select_n3A_164 = arith.select %eq3A_162, %jit3A_163, %jit3A_160 : i32
      %rem3A_165 = arith.remsi %scan3A_146, %select_n3A_164 : i32
      %ne3A_166 = arith.constant 0 : i32
      %ne3A_167 = arith.cmpi ne, %rem3A_165, %ne3A_166 : i32
      %lt3A_168 = arith.constant 0 : i32
      %lt3A_169 = arith.cmpi slt, %rem3A_165, %lt3A_168 : i32
      %lt3A_170 = arith.constant 0 : i32
      %lt3A_171 = arith.cmpi slt, %select_n3A_164, %lt3A_170 : i32
      %ne3A_172 = arith.xori %lt3A_169, %lt3A_171 : i1
      %and3A_173 = arith.andi %ne3A_172, %ne3A_167 : i1
      %add3A_174 = arith.addi %rem3A_165, %select_n3A_164 : i32
      %select_n3A_175 = arith.select %and3A_173, %add3A_174, %rem3A_165 : i32
      %eq3A_176 = arith.constant 1 : i32
      %eq3A_177 = arith.cmpi eq, %select_n3A_175, %eq3A_176 : i32
      %convert_element_type3A_178 = arith.extui %eq3A_177 : i1 to i32
      %cond3A_179 = arith.constant 0 : i32
      %cond3A_180 = arith.cmpi ne, %convert_element_type3A_178, %cond3A_179 : i32
      scf.if %cond3A_180 {
        %dma_wait3A_182 = arith.constant 0 : i32
        %dma_wait3A_183 = tpu.memref_slice %arg6[%scan3A_146, %dma_wait3A_182] : memref<79x128xi32, #tpu.memory_space<vmem>> -> memref<1x128xi32, #tpu.memory_space<vmem>>
        %dma_wait3A_184 = tpu.memref_squeeze %dma_wait3A_183 : memref<1x128xi32, #tpu.memory_space<vmem>> -> memref<128xi32, #tpu.memory_space<vmem>>
        %dma_wait3A_185 = arith.constant 0 : i32
        %dma_wait3A_186 = arith.constant 0 : i32
        %dma_wait3A_187 = tpu.memref_slice %arg2[%dma_wait3A_185, %dma_wait3A_186] : memref<10000x128xf32, #tpu.memory_space<hbm>> -> memref<10000x128xf32, #tpu.memory_space<hbm>>
        tpu.wait_indirect_dma semaphore(%arg12 : memref<!tpu.dma_semaphore, #tpu.memory_space<semaphore_mem>>) src(%dma_wait3A_187 : memref<10000x128xf32, #tpu.memory_space<hbm>>) dst(%arg9 : memref<128x128xf32, #tpu.memory_space<vmem>>)
        %dma_wait3A_188 = arith.constant 1 : i32
        %dma_wait3A_189 = arith.constant 0 : i32
        %dma_wait3A_190 = tpu.memref_slice %arg7[%dma_wait3A_188, %dma_wait3A_189] : memref<2x128xi32, #tpu.memory_space<vmem>> -> memref<1x128xi32, #tpu.memory_space<vmem>>
        %dma_wait3A_191 = tpu.memref_squeeze %dma_wait3A_190 : memref<1x128xi32, #tpu.memory_space<vmem>> -> memref<128xi32, #tpu.memory_space<vmem>>
        %dma_wait3A_192 = arith.constant 0 : i32
        %dma_wait3A_193 = arith.constant 0 : i32
        %dma_wait3A_194 = tpu.memref_slice %arg4[%add3A, %dma_wait3A_192, %dma_wait3A_193] : memref<32x79x128xi32, #tpu.memory_space<hbm>> -> memref<1x79x128xi32, #tpu.memory_space<hbm>>
        %dma_wait3A_195 = tpu.memref_squeeze %dma_wait3A_194 : memref<1x79x128xi32, #tpu.memory_space<hbm>> -> memref<79x128xi32, #tpu.memory_space<hbm>>
        %dma_wait3A_196 = arith.constant 0 : i32
        %dma_wait3A_197 = tpu.memref_slice %dma_wait3A_195[%scan3A_146, %dma_wait3A_196] : memref<79x128xi32, #tpu.memory_space<hbm>> -> memref<1x128xi32, #tpu.memory_space<hbm>>
        %dma_wait3A_198 = tpu.memref_squeeze %dma_wait3A_197 : memref<1x128xi32, #tpu.memory_space<hbm>> -> memref<128xi32, #tpu.memory_space<hbm>>
        %dma_wait3A_199 = arith.constant 0 : i32
        %dma_wait3A_200 = tpu.memref_slice %arg7[%dma_wait3A_188, %dma_wait3A_199] : memref<2x128xi32, #tpu.memory_space<vmem>> -> memref<1x128xi32, #tpu.memory_space<vmem>>
        %dma_wait3A_201 = tpu.memref_squeeze %dma_wait3A_200 : memref<1x128xi32, #tpu.memory_space<vmem>> -> memref<128xi32, #tpu.memory_space<vmem>>
        %dma_wait3A_202 = arith.constant 0 : i32
        %dma_wait3A_203 = arith.constant 0 : i32
        %dma_wait3A_204 = tpu.memref_slice %arg4[%add3A, %dma_wait3A_202, %dma_wait3A_203] : memref<32x79x128xi32, #tpu.memory_space<hbm>> -> memref<1x79x128xi32, #tpu.memory_space<hbm>>
        %dma_wait3A_205 = tpu.memref_squeeze %dma_wait3A_204 : memref<1x79x128xi32, #tpu.memory_space<hbm>> -> memref<79x128xi32, #tpu.memory_space<hbm>>
        %dma_wait3A_206 = arith.constant 0 : i32
        %dma_wait3A_207 = tpu.memref_slice %dma_wait3A_205[%scan3A_146, %dma_wait3A_206] : memref<79x128xi32, #tpu.memory_space<hbm>> -> memref<1x128xi32, #tpu.memory_space<hbm>>
        %dma_wait3A_208 = tpu.memref_squeeze %dma_wait3A_207 : memref<1x128xi32, #tpu.memory_space<hbm>> -> memref<128xi32, #tpu.memory_space<hbm>>
        tpu.wait_dma2 semaphore(%arg14 : memref<!tpu.dma_semaphore, #tpu.memory_space<semaphore_mem>>) src(%dma_wait3A_208 : memref<128xi32, #tpu.memory_space<hbm>>) dst(%dma_wait3A_201 : memref<128xi32, #tpu.memory_space<vmem>>)
        %run_scoped3A = arith.constant 1 : i32
        "tpu.region"() ({
          %run_scoped3A_216 = tpu.sem_alloc : memref<!tpu.dma_semaphore, #tpu.memory_space<semaphore_mem>>
          %dma_start3A_217 = arith.constant 0 : i32
          %dma_start3A_218 = tpu.memref_slice %arg7[%run_scoped3A, %dma_start3A_217] : memref<2x128xi32, #tpu.memory_space<vmem>> -> memref<1x128xi32, #tpu.memory_space<vmem>>
          %dma_start3A_219 = tpu.memref_squeeze %dma_start3A_218 : memref<1x128xi32, #tpu.memory_space<vmem>> -> memref<128xi32, #tpu.memory_space<vmem>>
          %dma_start3A_220 = arith.constant 0 : i32
          %dma_start3A_221 = arith.constant 0 : i32
          %dma_start3A_222 = tpu.memref_slice %arg10[%dma_start3A_220, %dma_start3A_221] : memref<10112x128xf32, #tpu.memory_space<vmem_shared>> -> memref<10112x128xf32, #tpu.memory_space<vmem_shared>>
          tpu.enqueue_indirect_dma source(%arg9 : memref<128x128xf32, #tpu.memory_space<vmem>>) target(%dma_start3A_222 : memref<10112x128xf32, #tpu.memory_space<vmem_shared>>) offsets(%dma_start3A_219 : memref<128xi32, #tpu.memory_space<vmem>>) semaphore(%run_scoped3A_216 : memref<!tpu.dma_semaphore, #tpu.memory_space<semaphore_mem>>) {add = true}
          %dma_wait3A_223 = arith.constant 0 : i32
          %dma_wait3A_224 = tpu.memref_slice %arg7[%run_scoped3A, %dma_wait3A_223] : memref<2x128xi32, #tpu.memory_space<vmem>> -> memref<1x128xi32, #tpu.memory_space<vmem>>
          %dma_wait3A_225 = tpu.memref_squeeze %dma_wait3A_224 : memref<1x128xi32, #tpu.memory_space<vmem>> -> memref<128xi32, #tpu.memory_space<vmem>>
          %dma_wait3A_226 = arith.constant 0 : i32
          %dma_wait3A_227 = arith.constant 0 : i32
          %dma_wait3A_228 = tpu.memref_slice %arg10[%dma_wait3A_226, %dma_wait3A_227] : memref<10112x128xf32, #tpu.memory_space<vmem_shared>> -> memref<10112x128xf32, #tpu.memory_space<vmem_shared>>
          tpu.wait_indirect_dma semaphore(%run_scoped3A_216 : memref<!tpu.dma_semaphore, #tpu.memory_space<semaphore_mem>>) src(%arg9 : memref<128x128xf32, #tpu.memory_space<vmem>>) dst(%dma_wait3A_228 : memref<10112x128xf32, #tpu.memory_space<vmem_shared>>)
          tpu.yield
        }) : () -> ()
        %add3A_209 = arith.constant 2 : i32
        %add3A_210 = arith.addi %scan3A_146, %add3A_209 : i32
        %lt3A_211 = arith.constant 79 : i32
        %lt3A_212 = arith.cmpi slt, %add3A_210, %lt3A_211 : i32
        %convert_element_type3A_213 = arith.extui %lt3A_212 : i1 to i32
        %cond3A_214 = arith.constant 0 : i32
        %cond3A_215 = arith.cmpi ne, %convert_element_type3A_213, %cond3A_214 : i32
        scf.if %cond3A_215 {
          %add3A_216 = arith.constant 2 : i32
          %add3A_217 = arith.addi %scan3A_146, %add3A_216 : i32
          %dma_start3A_218 = arith.constant 0 : i32
          %dma_start3A_219 = tpu.memref_slice %arg6[%add3A_217, %dma_start3A_218] : memref<79x128xi32, #tpu.memory_space<vmem>> -> memref<1x128xi32, #tpu.memory_space<vmem>>
          %dma_start3A_220 = tpu.memref_squeeze %dma_start3A_219 : memref<1x128xi32, #tpu.memory_space<vmem>> -> memref<128xi32, #tpu.memory_space<vmem>>
          %dma_start3A_221 = arith.constant 0 : i32
          %dma_start3A_222 = arith.constant 0 : i32
          %dma_start3A_223 = tpu.memref_slice %arg2[%dma_start3A_221, %dma_start3A_222] : memref<10000x128xf32, #tpu.memory_space<hbm>> -> memref<10000x128xf32, #tpu.memory_space<hbm>>
          tpu.enqueue_indirect_dma source(%dma_start3A_223 : memref<10000x128xf32, #tpu.memory_space<hbm>>) target(%arg9 : memref<128x128xf32, #tpu.memory_space<vmem>>) offsets(%dma_start3A_220 : memref<128xi32, #tpu.memory_space<vmem>>) semaphore(%arg12 : memref<!tpu.dma_semaphore, #tpu.memory_space<semaphore_mem>>)
          %dma_start3A_224 = arith.constant 1 : i32
          %dma_start3A_225 = arith.constant 0 : i32
          %dma_start3A_226 = tpu.memref_slice %arg7[%dma_start3A_224, %dma_start3A_225] : memref<2x128xi32, #tpu.memory_space<vmem>> -> memref<1x128xi32, #tpu.memory_space<vmem>>
          %dma_start3A_227 = tpu.memref_squeeze %dma_start3A_226 : memref<1x128xi32, #tpu.memory_space<vmem>> -> memref<128xi32, #tpu.memory_space<vmem>>
          %dma_start3A_228 = arith.constant 0 : i32
          %dma_start3A_229 = arith.constant 0 : i32
          %dma_start3A_230 = tpu.memref_slice %arg4[%add3A, %dma_start3A_228, %dma_start3A_229] : memref<32x79x128xi32, #tpu.memory_space<hbm>> -> memref<1x79x128xi32, #tpu.memory_space<hbm>>
          %dma_start3A_231 = tpu.memref_squeeze %dma_start3A_230 : memref<1x79x128xi32, #tpu.memory_space<hbm>> -> memref<79x128xi32, #tpu.memory_space<hbm>>
          %dma_start3A_232 = arith.constant 0 : i32
          %dma_start3A_233 = tpu.memref_slice %dma_start3A_231[%add3A_217, %dma_start3A_232] : memref<79x128xi32, #tpu.memory_space<hbm>> -> memref<1x128xi32, #tpu.memory_space<hbm>>
          %dma_start3A_234 = tpu.memref_squeeze %dma_start3A_233 : memref<1x128xi32, #tpu.memory_space<hbm>> -> memref<128xi32, #tpu.memory_space<hbm>>
          %dma_start3A_235 = arith.constant 0 : i32
          %dma_start3A_236 = tpu.memref_slice %arg7[%dma_start3A_224, %dma_start3A_235] : memref<2x128xi32, #tpu.memory_space<vmem>> -> memref<1x128xi32, #tpu.memory_space<vmem>>
          %dma_start3A_237 = tpu.memref_squeeze %dma_start3A_236 : memref<1x128xi32, #tpu.memory_space<vmem>> -> memref<128xi32, #tpu.memory_space<vmem>>
          %dma_start3A_238 = arith.constant 0 : i32
          %dma_start3A_239 = arith.constant 0 : i32
          %dma_start3A_240 = tpu.memref_slice %arg4[%add3A, %dma_start3A_238, %dma_start3A_239] : memref<32x79x128xi32, #tpu.memory_space<hbm>> -> memref<1x79x128xi32, #tpu.memory_space<hbm>>
          %dma_start3A_241 = tpu.memref_squeeze %dma_start3A_240 : memref<1x79x128xi32, #tpu.memory_space<hbm>> -> memref<79x128xi32, #tpu.memory_space<hbm>>
          %dma_start3A_242 = arith.constant 0 : i32
          %dma_start3A_243 = tpu.memref_slice %dma_start3A_241[%add3A_217, %dma_start3A_242] : memref<79x128xi32, #tpu.memory_space<hbm>> -> memref<1x128xi32, #tpu.memory_space<hbm>>
          %dma_start3A_244 = tpu.memref_squeeze %dma_start3A_243 : memref<1x128xi32, #tpu.memory_space<hbm>> -> memref<128xi32, #tpu.memory_space<hbm>>
          tpu.enqueue_dma source(%dma_start3A_244 : memref<128xi32, #tpu.memory_space<hbm>>) target(%dma_start3A_237 : memref<128xi32, #tpu.memory_space<vmem>>) target_semaphore(%arg14 : memref<!tpu.dma_semaphore, #tpu.memory_space<semaphore_mem>>)
        } else {
        }
      } else {
      }
      %scan3A_181 = arith.constant 0 : i32
      scf.yield %scan3A_181 : i32
    }
    %scan3A_144 = arith.constant 79 : i32
    %barrier3A_145 = arith.constant 0 : index
    tpu.barrier barrier_id(%barrier3A_145)
    "tpu.region"() ({
      %run_scoped3A = tpu.sem_alloc : memref<!tpu.dma_semaphore, #tpu.memory_space<semaphore_mem>>
      %dma_start3A_146 = arith.constant 0 : i32
      %dma_start3A_147 = arith.constant 0 : i32
      %dma_start3A_148 = tpu.memref_slice %arg5[%arg0, %dma_start3A_146, %dma_start3A_147] : memref<2x10112x128xf32, #tpu.memory_space<hbm>> -> memref<1x10112x128xf32, #tpu.memory_space<hbm>>
      %dma_start3A_149 = tpu.memref_squeeze %dma_start3A_148 : memref<1x10112x128xf32, #tpu.memory_space<hbm>> -> memref<10112x128xf32, #tpu.memory_space<hbm>>
      %dma_start3A_150 = arith.constant 0 : i32
      %dma_start3A_151 = tpu.memref_slice %dma_start3A_149[%mul3A_37, %dma_start3A_150] : memref<10112x128xf32, #tpu.memory_space<hbm>> -> memref<632x128xf32, #tpu.memory_space<hbm>>
      %dma_start3A_152 = arith.constant 0 : i32
      %dma_start3A_153 = tpu.memref_slice %arg10[%mul3A_37, %dma_start3A_152] : memref<10112x128xf32, #tpu.memory_space<vmem_shared>> -> memref<632x128xf32, #tpu.memory_space<vmem_shared>>
      tpu.enqueue_dma source(%dma_start3A_153 : memref<632x128xf32, #tpu.memory_space<vmem_shared>>) target(%dma_start3A_151 : memref<632x128xf32, #tpu.memory_space<hbm>>) target_semaphore(%run_scoped3A : memref<!tpu.dma_semaphore, #tpu.memory_space<semaphore_mem>>)
      %dma_wait3A_154 = arith.constant 0 : i32
      %dma_wait3A_155 = arith.constant 0 : i32
      %dma_wait3A_156 = tpu.memref_slice %arg5[%arg0, %dma_wait3A_154, %dma_wait3A_155] : memref<2x10112x128xf32, #tpu.memory_space<hbm>> -> memref<1x10112x128xf32, #tpu.memory_space<hbm>>
      %dma_wait3A_157 = tpu.memref_squeeze %dma_wait3A_156 : memref<1x10112x128xf32, #tpu.memory_space<hbm>> -> memref<10112x128xf32, #tpu.memory_space<hbm>>
      %dma_wait3A_158 = arith.constant 0 : i32
      %dma_wait3A_159 = tpu.memref_slice %dma_wait3A_157[%mul3A_37, %dma_wait3A_158] : memref<10112x128xf32, #tpu.memory_space<hbm>> -> memref<632x128xf32, #tpu.memory_space<hbm>>
      %dma_wait3A_160 = arith.constant 0 : i32
      %dma_wait3A_161 = tpu.memref_slice %arg10[%mul3A_37, %dma_wait3A_160] : memref<10112x128xf32, #tpu.memory_space<vmem_shared>> -> memref<632x128xf32, #tpu.memory_space<vmem_shared>>
      tpu.wait_dma2 semaphore(%run_scoped3A : memref<!tpu.dma_semaphore, #tpu.memory_space<semaphore_mem>>) src(%dma_wait3A_161 : memref<632x128xf32, #tpu.memory_space<vmem_shared>>) dst(%dma_wait3A_159 : memref<632x128xf32, #tpu.memory_space<hbm>>)
      tpu.yield
    }) : () -> ()
    return
  }
}

#map = affine_map<(d0, d1) -> (0, 0)>
#map1 = affine_map<(d0, d1) -> (0, 0, 0)>
module attributes {stable_mosaic.version = 14 : i64} {
  func.func @_agg_kernel(%arg0: i32, %arg1: i32, %arg2: memref<10000x128xf32, #tpu.memory_space<hbm>>, %arg3: memref<32x79x128xi32, #tpu.memory_space<hbm>>, %arg4: memref<32x79x128xi32, #tpu.memory_space<hbm>>, %arg5: memref<2x10112x128xf32, #tpu.memory_space<hbm>>, %arg6: memref<79x128xi32, #tpu.memory_space<vmem>>, %arg7: memref<2x128xi32, #tpu.memory_space<vmem>>, %arg8: memref<128x128xf32, #tpu.memory_space<vmem>>, %arg9: memref<128x128xf32, #tpu.memory_space<vmem>>, %arg10: memref<10112x128xf32, #tpu.memory_space<vmem_shared>>, %arg11: memref<!tpu.dma_semaphore, #tpu.memory_space<semaphore_mem>>, %arg12: memref<!tpu.dma_semaphore, #tpu.memory_space<semaphore_mem>>, %arg13: memref<!tpu.dma_semaphore, #tpu.memory_space<semaphore_mem>>, %arg14: memref<!tpu.dma_semaphore, #tpu.memory_space<semaphore_mem>>, %arg15: memref<!tpu.dma_semaphore, #tpu.memory_space<semaphore_mem>>) attributes {dimension_semantics = [#tpu.dimension_semantics<core_parallel>, #tpu.dimension_semantics<subcore_parallel>], iteration_bounds = array<i64: 2, 16>, scalar_prefetch = 0 : i64, scratch_operands = 10 : i64, tpu.core_type = #tpu.core_type<sc_vector_subcore>, window_params = [{transform_indices = #map}, {transform_indices = #map1}, {transform_indices = #map1}, {transform_indices = #map1}]} {
    %mul3A = arith.constant 2 : i32
    %mul3A_0 = arith.muli %arg1, %mul3A : i32
    %add3A = arith.addi %mul3A_0, %arg0 : i32
    "tpu.region"() ({
      %run_scoped3A = tpu.sem_alloc : memref<!tpu.dma_semaphore, #tpu.memory_space<semaphore_mem>>
      %dma_start3A_146 = arith.constant 0 : i32
      %dma_start3A_147 = arith.constant 0 : i32
      %dma_start3A_148 = tpu.memref_slice %arg3[%add3A, %dma_start3A_146, %dma_start3A_147] : memref<32x79x128xi32, #tpu.memory_space<hbm>> -> memref<1x79x128xi32, #tpu.memory_space<hbm>>
      %dma_start3A_149 = tpu.memref_squeeze %dma_start3A_148 : memref<1x79x128xi32, #tpu.memory_space<hbm>> -> memref<79x128xi32, #tpu.memory_space<hbm>>
      %dma_start3A_150 = arith.constant 0 : i32
      %dma_start3A_151 = arith.constant 0 : i32
      %dma_start3A_152 = tpu.memref_slice %arg3[%add3A, %dma_start3A_150, %dma_start3A_151] : memref<32x79x128xi32, #tpu.memory_space<hbm>> -> memref<1x79x128xi32, #tpu.memory_space<hbm>>
      %dma_start3A_153 = tpu.memref_squeeze %dma_start3A_152 : memref<1x79x128xi32, #tpu.memory_space<hbm>> -> memref<79x128xi32, #tpu.memory_space<hbm>>
      tpu.enqueue_dma source(%dma_start3A_153 : memref<79x128xi32, #tpu.memory_space<hbm>>) target(%arg6 : memref<79x128xi32, #tpu.memory_space<vmem>>) target_semaphore(%run_scoped3A : memref<!tpu.dma_semaphore, #tpu.memory_space<semaphore_mem>>)
      %dma_wait3A_154 = arith.constant 0 : i32
      %dma_wait3A_155 = arith.constant 0 : i32
      %dma_wait3A_156 = tpu.memref_slice %arg3[%add3A, %dma_wait3A_154, %dma_wait3A_155] : memref<32x79x128xi32, #tpu.memory_space<hbm>> -> memref<1x79x128xi32, #tpu.memory_space<hbm>>
      %dma_wait3A_157 = tpu.memref_squeeze %dma_wait3A_156 : memref<1x79x128xi32, #tpu.memory_space<hbm>> -> memref<79x128xi32, #tpu.memory_space<hbm>>
      %dma_wait3A_158 = arith.constant 0 : i32
      %dma_wait3A_159 = arith.constant 0 : i32
      %dma_wait3A_160 = tpu.memref_slice %arg3[%add3A, %dma_wait3A_158, %dma_wait3A_159] : memref<32x79x128xi32, #tpu.memory_space<hbm>> -> memref<1x79x128xi32, #tpu.memory_space<hbm>>
      %dma_wait3A_161 = tpu.memref_squeeze %dma_wait3A_160 : memref<1x79x128xi32, #tpu.memory_space<hbm>> -> memref<79x128xi32, #tpu.memory_space<hbm>>
      tpu.wait_dma2 semaphore(%run_scoped3A : memref<!tpu.dma_semaphore, #tpu.memory_space<semaphore_mem>>) src(%dma_wait3A_161 : memref<79x128xi32, #tpu.memory_space<hbm>>) dst(%arg6 : memref<79x128xi32, #tpu.memory_space<vmem>>)
      tpu.yield
    }) : () -> ()
    %dma_start3A = arith.constant 0 : i32
    %dma_start3A_1 = arith.constant 0 : i32
    %dma_start3A_2 = tpu.memref_slice %arg6[%dma_start3A, %dma_start3A_1] : memref<79x128xi32, #tpu.memory_space<vmem>> -> memref<1x128xi32, #tpu.memory_space<vmem>>
    %dma_start3A_3 = tpu.memref_squeeze %dma_start3A_2 : memref<1x128xi32, #tpu.memory_space<vmem>> -> memref<128xi32, #tpu.memory_space<vmem>>
    %dma_start3A_4 = arith.constant 0 : i32
    %dma_start3A_5 = arith.constant 0 : i32
    %dma_start3A_6 = tpu.memref_slice %arg2[%dma_start3A_4, %dma_start3A_5] : memref<10000x128xf32, #tpu.memory_space<hbm>> -> memref<10000x128xf32, #tpu.memory_space<hbm>>
    tpu.enqueue_indirect_dma source(%dma_start3A_6 : memref<10000x128xf32, #tpu.memory_space<hbm>>) target(%arg8 : memref<128x128xf32, #tpu.memory_space<vmem>>) offsets(%dma_start3A_3 : memref<128xi32, #tpu.memory_space<vmem>>) semaphore(%arg11 : memref<!tpu.dma_semaphore, #tpu.memory_space<semaphore_mem>>)
    %dma_start3A_7 = arith.constant 0 : i32
    %dma_start3A_8 = arith.constant 0 : i32
    %dma_start3A_9 = arith.constant 0 : i32
    %dma_start3A_10 = tpu.memref_slice %arg7[%dma_start3A_8, %dma_start3A_9] : memref<2x128xi32, #tpu.memory_space<vmem>> -> memref<1x128xi32, #tpu.memory_space<vmem>>
    %dma_start3A_11 = tpu.memref_squeeze %dma_start3A_10 : memref<1x128xi32, #tpu.memory_space<vmem>> -> memref<128xi32, #tpu.memory_space<vmem>>
    %dma_start3A_12 = arith.constant 0 : i32
    %dma_start3A_13 = arith.constant 0 : i32
    %dma_start3A_14 = tpu.memref_slice %arg4[%add3A, %dma_start3A_12, %dma_start3A_13] : memref<32x79x128xi32, #tpu.memory_space<hbm>> -> memref<1x79x128xi32, #tpu.memory_space<hbm>>
    %dma_start3A_15 = tpu.memref_squeeze %dma_start3A_14 : memref<1x79x128xi32, #tpu.memory_space<hbm>> -> memref<79x128xi32, #tpu.memory_space<hbm>>
    %dma_start3A_16 = arith.constant 0 : i32
    %dma_start3A_17 = tpu.memref_slice %dma_start3A_15[%dma_start3A_7, %dma_start3A_16] : memref<79x128xi32, #tpu.memory_space<hbm>> -> memref<1x128xi32, #tpu.memory_space<hbm>>
    %dma_start3A_18 = tpu.memref_squeeze %dma_start3A_17 : memref<1x128xi32, #tpu.memory_space<hbm>> -> memref<128xi32, #tpu.memory_space<hbm>>
    %dma_start3A_19 = arith.constant 0 : i32
    %dma_start3A_20 = tpu.memref_slice %arg7[%dma_start3A_8, %dma_start3A_19] : memref<2x128xi32, #tpu.memory_space<vmem>> -> memref<1x128xi32, #tpu.memory_space<vmem>>
    %dma_start3A_21 = tpu.memref_squeeze %dma_start3A_20 : memref<1x128xi32, #tpu.memory_space<vmem>> -> memref<128xi32, #tpu.memory_space<vmem>>
    %dma_start3A_22 = arith.constant 0 : i32
    %dma_start3A_23 = arith.constant 0 : i32
    %dma_start3A_24 = tpu.memref_slice %arg4[%add3A, %dma_start3A_22, %dma_start3A_23] : memref<32x79x128xi32, #tpu.memory_space<hbm>> -> memref<1x79x128xi32, #tpu.memory_space<hbm>>
    %dma_start3A_25 = tpu.memref_squeeze %dma_start3A_24 : memref<1x79x128xi32, #tpu.memory_space<hbm>> -> memref<79x128xi32, #tpu.memory_space<hbm>>
    %dma_start3A_26 = arith.constant 0 : i32
    %dma_start3A_27 = tpu.memref_slice %dma_start3A_25[%dma_start3A_7, %dma_start3A_26] : memref<79x128xi32, #tpu.memory_space<hbm>> -> memref<1x128xi32, #tpu.memory_space<hbm>>
    %dma_start3A_28 = tpu.memref_squeeze %dma_start3A_27 : memref<1x128xi32, #tpu.memory_space<hbm>> -> memref<128xi32, #tpu.memory_space<hbm>>
    tpu.enqueue_dma source(%dma_start3A_28 : memref<128xi32, #tpu.memory_space<hbm>>) target(%dma_start3A_21 : memref<128xi32, #tpu.memory_space<vmem>>) target_semaphore(%arg13 : memref<!tpu.dma_semaphore, #tpu.memory_space<semaphore_mem>>)
    %broadcast_in_dim3A = arith.constant 0.000000e+00 : f32
    %broadcast_in_dim3A_29 = vector.broadcast %broadcast_in_dim3A : f32 to vector<16xf32>
    %scan3A = arith.constant 0 : i32
    %scan3A_30 = arith.constant 0 : i32
    %scan3A_31 = arith.constant 1024 : i32
    %scan3A_32 = arith.addi %scan3A_30, %scan3A_31 : i32
    %scan3A_33 = arith.constant 1 : i32
    %scan3A_34 = scf.for %scan3A_146 = %scan3A_30 to %scan3A_32 step %scan3A_33 iter_args(%scan3A_147 = %scan3A) -> (i32)  : i32 {
      %jit3A = arith.constant 8 : i32
      %div3A = arith.divsi %scan3A_146, %jit3A : i32
      %sign3A = arith.constant 0 : i32
      %sign3A_148 = arith.cmpi sgt, %scan3A_146, %sign3A : i32
      %sign3A_149 = arith.extui %sign3A_148 : i1 to i32
      %sign3A_150 = arith.constant 0 : i32
      %sign3A_151 = arith.cmpi slt, %scan3A_146, %sign3A_150 : i32
      %sign3A_152 = arith.extui %sign3A_151 : i1 to i32
      %sign3A_153 = arith.subi %sign3A_149, %sign3A_152 : i32
      %sign3A_154 = arith.constant 0 : i32
      %sign3A_155 = arith.cmpi sgt, %jit3A, %sign3A_154 : i32
      %sign3A_156 = arith.extui %sign3A_155 : i1 to i32
      %sign3A_157 = arith.constant 0 : i32
      %sign3A_158 = arith.cmpi slt, %jit3A, %sign3A_157 : i32
      %sign3A_159 = arith.extui %sign3A_158 : i1 to i32
      %sign3A_160 = arith.subi %sign3A_156, %sign3A_159 : i32
      %ne3A = arith.cmpi ne, %sign3A_153, %sign3A_160 : i32
      %rem3A = arith.remsi %scan3A_146, %jit3A : i32
      %ne3A_161 = arith.constant 0 : i32
      %ne3A_162 = arith.cmpi ne, %rem3A, %ne3A_161 : i32
      %and3A = arith.andi %ne3A, %ne3A_162 : i1
      %sub3A = arith.constant 1 : i32
      %sub3A_163 = arith.subi %div3A, %sub3A : i32
      %select_n3A = arith.select %and3A, %sub3A_163, %div3A : i32
      %jit3A_164 = arith.constant 8 : i32
      %eq3A = arith.constant 0 : i32
      %eq3A_165 = arith.cmpi eq, %jit3A_164, %eq3A : i32
      %jit3A_166 = arith.constant 1 : i32
      %select_n3A_167 = arith.select %eq3A_165, %jit3A_166, %jit3A_164 : i32
      %rem3A_168 = arith.remsi %scan3A_146, %select_n3A_167 : i32
      %ne3A_169 = arith.constant 0 : i32
      %ne3A_170 = arith.cmpi ne, %rem3A_168, %ne3A_169 : i32
      %lt3A = arith.constant 0 : i32
      %lt3A_171 = arith.cmpi slt, %rem3A_168, %lt3A : i32
      %lt3A_172 = arith.constant 0 : i32
      %lt3A_173 = arith.cmpi slt, %select_n3A_167, %lt3A_172 : i32
      %ne3A_174 = arith.xori %lt3A_171, %lt3A_173 : i1
      %and3A_175 = arith.andi %ne3A_174, %ne3A_170 : i1
      %add3A_176 = arith.addi %rem3A_168, %select_n3A_167 : i32
      %select_n3A_177 = arith.select %and3A_175, %add3A_176, %rem3A_168 : i32
      %mul3A_178 = arith.constant 16 : i32
      %mul3A_179 = arith.muli %select_n3A_177, %mul3A_178 : i32
      %swap3A = arith.index_cast %select_n3A : i32 to index
      %swap3A_180 = arith.index_cast %mul3A_179 : i32 to index
      %swap3A_181 = tpu.vector_load %arg9[%swap3A, %swap3A_180] {strides = array<i32>} : memref<128x128xf32, #tpu.memory_space<vmem>>, vector<1x16xf32>,
      %swap3A_182 = vector.shape_cast %swap3A_181 : vector<1x16xf32> to vector<16xf32>
      %swap3A_183 = vector.shape_cast %broadcast_in_dim3A_29 : vector<16xf32> to vector<1x16xf32>
      tpu.vector_store %arg9[%swap3A, %swap3A_180], %swap3A_183 {strides = array<i32>} : memref<128x128xf32, #tpu.memory_space<vmem>>, vector<1x16xf32>,
      %scan3A_184 = arith.constant 0 : i32
      scf.yield %scan3A_184 : i32
    }
    %scan3A_35 = arith.constant 1024 : i32
    %mul3A_36 = arith.constant 632 : i32
    %mul3A_37 = arith.muli %arg1, %mul3A_36 : i32
    %add3A_38 = arith.constant 0 : i32
    %add3A_39 = arith.addi %mul3A_37, %add3A_38 : i32
    %dma_start3A_40 = arith.constant 0 : i32
    %dma_start3A_41 = tpu.memref_slice %arg10[%add3A_39, %dma_start3A_40] : memref<10112x128xf32, #tpu.memory_space<vmem_shared>> -> memref<128x128xf32, #tpu.memory_space<vmem_shared>>
    %dma_start3A_42 = arith.constant 0 : i32
    %dma_start3A_43 = tpu.memref_slice %arg10[%add3A_39, %dma_start3A_42] : memref<10112x128xf32, #tpu.memory_space<vmem_shared>> -> memref<128x128xf32, #tpu.memory_space<vmem_shared>>
    tpu.enqueue_dma source(%arg9 : memref<128x128xf32, #tpu.memory_space<vmem>>) target(%dma_start3A_43 : memref<128x128xf32, #tpu.memory_space<vmem_shared>>) target_semaphore(%arg15 : memref<!tpu.dma_semaphore, #tpu.memory_space<semaphore_mem>>)
    %add3A_44 = arith.constant 128 : i32
    %add3A_45 = arith.addi %mul3A_37, %add3A_44 : i32
    %dma_start3A_46 = arith.constant 0 : i32
    %dma_start3A_47 = tpu.memref_slice %arg10[%add3A_45, %dma_start3A_46] : memref<10112x128xf32, #tpu.memory_space<vmem_shared>> -> memref<128x128xf32, #tpu.memory_space<vmem_shared>>
    %dma_start3A_48 = arith.constant 0 : i32
    %dma_start3A_49 = tpu.memref_slice %arg10[%add3A_45, %dma_start3A_48] : memref<10112x128xf32, #tpu.memory_space<vmem_shared>> -> memref<128x128xf32, #tpu.memory_space<vmem_shared>>
    tpu.enqueue_dma source(%arg9 : memref<128x128xf32, #tpu.memory_space<vmem>>) target(%dma_start3A_49 : memref<128x128xf32, #tpu.memory_space<vmem_shared>>) target_semaphore(%arg15 : memref<!tpu.dma_semaphore, #tpu.memory_space<semaphore_mem>>)
    %add3A_50 = arith.constant 256 : i32
    %add3A_51 = arith.addi %mul3A_37, %add3A_50 : i32
    %dma_start3A_52 = arith.constant 0 : i32
    %dma_start3A_53 = tpu.memref_slice %arg10[%add3A_51, %dma_start3A_52] : memref<10112x128xf32, #tpu.memory_space<vmem_shared>> -> memref<128x128xf32, #tpu.memory_space<vmem_shared>>
    %dma_start3A_54 = arith.constant 0 : i32
    %dma_start3A_55 = tpu.memref_slice %arg10[%add3A_51, %dma_start3A_54] : memref<10112x128xf32, #tpu.memory_space<vmem_shared>> -> memref<128x128xf32, #tpu.memory_space<vmem_shared>>
    tpu.enqueue_dma source(%arg9 : memref<128x128xf32, #tpu.memory_space<vmem>>) target(%dma_start3A_55 : memref<128x128xf32, #tpu.memory_space<vmem_shared>>) target_semaphore(%arg15 : memref<!tpu.dma_semaphore, #tpu.memory_space<semaphore_mem>>)
    %add3A_56 = arith.constant 384 : i32
    %add3A_57 = arith.addi %mul3A_37, %add3A_56 : i32
    %dma_start3A_58 = arith.constant 0 : i32
    %dma_start3A_59 = tpu.memref_slice %arg10[%add3A_57, %dma_start3A_58] : memref<10112x128xf32, #tpu.memory_space<vmem_shared>> -> memref<128x128xf32, #tpu.memory_space<vmem_shared>>
    %dma_start3A_60 = arith.constant 0 : i32
    %dma_start3A_61 = tpu.memref_slice %arg10[%add3A_57, %dma_start3A_60] : memref<10112x128xf32, #tpu.memory_space<vmem_shared>> -> memref<128x128xf32, #tpu.memory_space<vmem_shared>>
    tpu.enqueue_dma source(%arg9 : memref<128x128xf32, #tpu.memory_space<vmem>>) target(%dma_start3A_61 : memref<128x128xf32, #tpu.memory_space<vmem_shared>>) target_semaphore(%arg15 : memref<!tpu.dma_semaphore, #tpu.memory_space<semaphore_mem>>)
    %add3A_62 = arith.constant 512 : i32
    %add3A_63 = arith.addi %mul3A_37, %add3A_62 : i32
    %dma_start3A_64 = arith.constant 0 : i32
    %dma_start3A_65 = arith.constant 0 : i32
    %dma_start3A_66 = tpu.memref_slice %arg9[%dma_start3A_64, %dma_start3A_65] : memref<128x128xf32, #tpu.memory_space<vmem>> -> memref<120x128xf32, #tpu.memory_space<vmem>>
    %dma_start3A_67 = arith.constant 0 : i32
    %dma_start3A_68 = tpu.memref_slice %arg10[%add3A_63, %dma_start3A_67] : memref<10112x128xf32, #tpu.memory_space<vmem_shared>> -> memref<120x128xf32, #tpu.memory_space<vmem_shared>>
    %dma_start3A_69 = arith.constant 0 : i32
    %dma_start3A_70 = tpu.memref_slice %arg10[%add3A_63, %dma_start3A_69] : memref<10112x128xf32, #tpu.memory_space<vmem_shared>> -> memref<120x128xf32, #tpu.memory_space<vmem_shared>>
    %dma_start3A_71 = arith.constant 0 : i32
    %dma_start3A_72 = arith.constant 0 : i32
    %dma_start3A_73 = tpu.memref_slice %arg9[%dma_start3A_71, %dma_start3A_72] : memref<128x128xf32, #tpu.memory_space<vmem>> -> memref<120x128xf32, #tpu.memory_space<vmem>>
    tpu.enqueue_dma source(%dma_start3A_73 : memref<120x128xf32, #tpu.memory_space<vmem>>) target(%dma_start3A_70 : memref<120x128xf32, #tpu.memory_space<vmem_shared>>) target_semaphore(%arg15 : memref<!tpu.dma_semaphore, #tpu.memory_space<semaphore_mem>>)
    %add3A_74 = arith.constant 0 : i32
    %add3A_75 = arith.addi %mul3A_37, %add3A_74 : i32
    %dma_wait3A = arith.constant 0 : i32
    %dma_wait3A_76 = tpu.memref_slice %arg10[%add3A_75, %dma_wait3A] : memref<10112x128xf32, #tpu.memory_space<vmem_shared>> -> memref<128x128xf32, #tpu.memory_space<vmem_shared>>
    %dma_wait3A_77 = arith.constant 0 : i32
    %dma_wait3A_78 = tpu.memref_slice %arg10[%add3A_75, %dma_wait3A_77] : memref<10112x128xf32, #tpu.memory_space<vmem_shared>> -> memref<128x128xf32, #tpu.memory_space<vmem_shared>>
    tpu.wait_dma2 semaphore(%arg15 : memref<!tpu.dma_semaphore, #tpu.memory_space<semaphore_mem>>) src(%arg9 : memref<128x128xf32, #tpu.memory_space<vmem>>) dst(%dma_wait3A_78 : memref<128x128xf32, #tpu.memory_space<vmem_shared>>)
    %add3A_79 = arith.constant 128 : i32
    %add3A_80 = arith.addi %mul3A_37, %add3A_79 : i32
    %dma_wait3A_81 = arith.constant 0 : i32
    %dma_wait3A_82 = tpu.memref_slice %arg10[%add3A_80, %dma_wait3A_81] : memref<10112x128xf32, #tpu.memory_space<vmem_shared>> -> memref<128x128xf32, #tpu.memory_space<vmem_shared>>
    %dma_wait3A_83 = arith.constant 0 : i32
    %dma_wait3A_84 = tpu.memref_slice %arg10[%add3A_80, %dma_wait3A_83] : memref<10112x128xf32, #tpu.memory_space<vmem_shared>> -> memref<128x128xf32, #tpu.memory_space<vmem_shared>>
    tpu.wait_dma2 semaphore(%arg15 : memref<!tpu.dma_semaphore, #tpu.memory_space<semaphore_mem>>) src(%arg9 : memref<128x128xf32, #tpu.memory_space<vmem>>) dst(%dma_wait3A_84 : memref<128x128xf32, #tpu.memory_space<vmem_shared>>)
    %add3A_85 = arith.constant 256 : i32
    %add3A_86 = arith.addi %mul3A_37, %add3A_85 : i32
    %dma_wait3A_87 = arith.constant 0 : i32
    %dma_wait3A_88 = tpu.memref_slice %arg10[%add3A_86, %dma_wait3A_87] : memref<10112x128xf32, #tpu.memory_space<vmem_shared>> -> memref<128x128xf32, #tpu.memory_space<vmem_shared>>
    %dma_wait3A_89 = arith.constant 0 : i32
    %dma_wait3A_90 = tpu.memref_slice %arg10[%add3A_86, %dma_wait3A_89] : memref<10112x128xf32, #tpu.memory_space<vmem_shared>> -> memref<128x128xf32, #tpu.memory_space<vmem_shared>>
    tpu.wait_dma2 semaphore(%arg15 : memref<!tpu.dma_semaphore, #tpu.memory_space<semaphore_mem>>) src(%arg9 : memref<128x128xf32, #tpu.memory_space<vmem>>) dst(%dma_wait3A_90 : memref<128x128xf32, #tpu.memory_space<vmem_shared>>)
    %add3A_91 = arith.constant 384 : i32
    %add3A_92 = arith.addi %mul3A_37, %add3A_91 : i32
    %dma_wait3A_93 = arith.constant 0 : i32
    %dma_wait3A_94 = tpu.memref_slice %arg10[%add3A_92, %dma_wait3A_93] : memref<10112x128xf32, #tpu.memory_space<vmem_shared>> -> memref<128x128xf32, #tpu.memory_space<vmem_shared>>
    %dma_wait3A_95 = arith.constant 0 : i32
    %dma_wait3A_96 = tpu.memref_slice %arg10[%add3A_92, %dma_wait3A_95] : memref<10112x128xf32, #tpu.memory_space<vmem_shared>> -> memref<128x128xf32, #tpu.memory_space<vmem_shared>>
    tpu.wait_dma2 semaphore(%arg15 : memref<!tpu.dma_semaphore, #tpu.memory_space<semaphore_mem>>) src(%arg9 : memref<128x128xf32, #tpu.memory_space<vmem>>) dst(%dma_wait3A_96 : memref<128x128xf32, #tpu.memory_space<vmem_shared>>)
    %add3A_97 = arith.constant 512 : i32
    %add3A_98 = arith.addi %mul3A_37, %add3A_97 : i32
    %dma_wait3A_99 = arith.constant 0 : i32
    %dma_wait3A_100 = arith.constant 0 : i32
    %dma_wait3A_101 = tpu.memref_slice %arg9[%dma_wait3A_99, %dma_wait3A_100] : memref<128x128xf32, #tpu.memory_space<vmem>> -> memref<120x128xf32, #tpu.memory_space<vmem>>
    %dma_wait3A_102 = arith.constant 0 : i32
    %dma_wait3A_103 = tpu.memref_slice %arg10[%add3A_98, %dma_wait3A_102] : memref<10112x128xf32, #tpu.memory_space<vmem_shared>> -> memref<120x128xf32, #tpu.memory_space<vmem_shared>>
    %dma_wait3A_104 = arith.constant 0 : i32
    %dma_wait3A_105 = tpu.memref_slice %arg10[%add3A_98, %dma_wait3A_104] : memref<10112x128xf32, #tpu.memory_space<vmem_shared>> -> memref<120x128xf32, #tpu.memory_space<vmem_shared>>
    %dma_wait3A_106 = arith.constant 0 : i32
    %dma_wait3A_107 = arith.constant 0 : i32
    %dma_wait3A_108 = tpu.memref_slice %arg9[%dma_wait3A_106, %dma_wait3A_107] : memref<128x128xf32, #tpu.memory_space<vmem>> -> memref<120x128xf32, #tpu.memory_space<vmem>>
    tpu.wait_dma2 semaphore(%arg15 : memref<!tpu.dma_semaphore, #tpu.memory_space<semaphore_mem>>) src(%dma_wait3A_108 : memref<120x128xf32, #tpu.memory_space<vmem>>) dst(%dma_wait3A_105 : memref<120x128xf32, #tpu.memory_space<vmem_shared>>)
    %dma_start3A_109 = arith.constant 1 : i32
    %dma_start3A_110 = arith.constant 0 : i32
    %dma_start3A_111 = tpu.memref_slice %arg6[%dma_start3A_109, %dma_start3A_110] : memref<79x128xi32, #tpu.memory_space<vmem>> -> memref<1x128xi32, #tpu.memory_space<vmem>>
    %dma_start3A_112 = tpu.memref_squeeze %dma_start3A_111 : memref<1x128xi32, #tpu.memory_space<vmem>> -> memref<128xi32, #tpu.memory_space<vmem>>
    %dma_start3A_113 = arith.constant 0 : i32
    %dma_start3A_114 = arith.constant 0 : i32
    %dma_start3A_115 = tpu.memref_slice %arg2[%dma_start3A_113, %dma_start3A_114] : memref<10000x128xf32, #tpu.memory_space<hbm>> -> memref<10000x128xf32, #tpu.memory_space<hbm>>
    tpu.enqueue_indirect_dma source(%dma_start3A_115 : memref<10000x128xf32, #tpu.memory_space<hbm>>) target(%arg9 : memref<128x128xf32, #tpu.memory_space<vmem>>) offsets(%dma_start3A_112 : memref<128xi32, #tpu.memory_space<vmem>>) semaphore(%arg12 : memref<!tpu.dma_semaphore, #tpu.memory_space<semaphore_mem>>)
    %dma_start3A_116 = arith.constant 1 : i32
    %dma_start3A_117 = arith.constant 1 : i32
    %dma_start3A_118 = arith.constant 0 : i32
    %dma_start3A_119 = tpu.memref_slice %arg7[%dma_start3A_117, %dma_start3A_118] : memref<2x128xi32, #tpu.memory_space<vmem>> -> memref<1x128xi32, #tpu.memory_space<vmem>>
    %dma_start3A_120 = tpu.memref_squeeze %dma_start3A_119 : memref<1x128xi32, #tpu.memory_space<vmem>> -> memref<128xi32, #tpu.memory_space<vmem>>
    %dma_start3A_121 = arith.constant 0 : i32
    %dma_start3A_122 = arith.constant 0 : i32
    %dma_start3A_123 = tpu.memref_slice %arg4[%add3A, %dma_start3A_121, %dma_start3A_122] : memref<32x79x128xi32, #tpu.memory_space<hbm>> -> memref<1x79x128xi32, #tpu.memory_space<hbm>>
    %dma_start3A_124 = tpu.memref_squeeze %dma_start3A_123 : memref<1x79x128xi32, #tpu.memory_space<hbm>> -> memref<79x128xi32, #tpu.memory_space<hbm>>
    %dma_start3A_125 = arith.constant 0 : i32
    %dma_start3A_126 = tpu.memref_slice %dma_start3A_124[%dma_start3A_116, %dma_start3A_125] : memref<79x128xi32, #tpu.memory_space<hbm>> -> memref<1x128xi32, #tpu.memory_space<hbm>>
    %dma_start3A_127 = tpu.memref_squeeze %dma_start3A_126 : memref<1x128xi32, #tpu.memory_space<hbm>> -> memref<128xi32, #tpu.memory_space<hbm>>
    %dma_start3A_128 = arith.constant 0 : i32
    %dma_start3A_129 = tpu.memref_slice %arg7[%dma_start3A_117, %dma_start3A_128] : memref<2x128xi32, #tpu.memory_space<vmem>> -> memref<1x128xi32, #tpu.memory_space<vmem>>
    %dma_start3A_130 = tpu.memref_squeeze %dma_start3A_129 : memref<1x128xi32, #tpu.memory_space<vmem>> -> memref<128xi32, #tpu.memory_space<vmem>>
    %dma_start3A_131 = arith.constant 0 : i32
    %dma_start3A_132 = arith.constant 0 : i32
    %dma_start3A_133 = tpu.memref_slice %arg4[%add3A, %dma_start3A_131, %dma_start3A_132] : memref<32x79x128xi32, #tpu.memory_space<hbm>> -> memref<1x79x128xi32, #tpu.memory_space<hbm>>
    %dma_start3A_134 = tpu.memref_squeeze %dma_start3A_133 : memref<1x79x128xi32, #tpu.memory_space<hbm>> -> memref<79x128xi32, #tpu.memory_space<hbm>>
    %dma_start3A_135 = arith.constant 0 : i32
    %dma_start3A_136 = tpu.memref_slice %dma_start3A_134[%dma_start3A_116, %dma_start3A_135] : memref<79x128xi32, #tpu.memory_space<hbm>> -> memref<1x128xi32, #tpu.memory_space<hbm>>
    %dma_start3A_137 = tpu.memref_squeeze %dma_start3A_136 : memref<1x128xi32, #tpu.memory_space<hbm>> -> memref<128xi32, #tpu.memory_space<hbm>>
    tpu.enqueue_dma source(%dma_start3A_137 : memref<128xi32, #tpu.memory_space<hbm>>) target(%dma_start3A_130 : memref<128xi32, #tpu.memory_space<vmem>>) target_semaphore(%arg14 : memref<!tpu.dma_semaphore, #tpu.memory_space<semaphore_mem>>)
    %barrier3A = arith.constant 0 : index
    tpu.barrier barrier_id(%barrier3A)
    %scan3A_138 = arith.constant 0 : i32
    %scan3A_139 = arith.constant 0 : i32
    %scan3A_140 = arith.constant 79 : i32
    %scan3A_141 = arith.addi %scan3A_139, %scan3A_140 : i32
    %scan3A_142 = arith.constant 1 : i32
    %scan3A_143 = scf.for %scan3A_146 = %scan3A_139 to %scan3A_141 step %scan3A_142 iter_args(%scan3A_147 = %scan3A_138) -> (i32)  : i32 {
      %jit3A = arith.constant 2 : i32
      %eq3A = arith.constant 0 : i32
      %eq3A_148 = arith.cmpi eq, %jit3A, %eq3A : i32
      %jit3A_149 = arith.constant 1 : i32
      %select_n3A = arith.select %eq3A_148, %jit3A_149, %jit3A : i32
      %rem3A = arith.remsi %scan3A_146, %select_n3A : i32
      %ne3A = arith.constant 0 : i32
      %ne3A_150 = arith.cmpi ne, %rem3A, %ne3A : i32
      %lt3A = arith.constant 0 : i32
      %lt3A_151 = arith.cmpi slt, %rem3A, %lt3A : i32
      %lt3A_152 = arith.constant 0 : i32
      %lt3A_153 = arith.cmpi slt, %select_n3A, %lt3A_152 : i32
      %ne3A_154 = arith.xori %lt3A_151, %lt3A_153 : i1
      %and3A = arith.andi %ne3A_154, %ne3A_150 : i1
      %add3A_155 = arith.addi %rem3A, %select_n3A : i32
      %select_n3A_156 = arith.select %and3A, %add3A_155, %rem3A : i32
      %eq3A_157 = arith.constant 0 : i32
      %eq3A_158 = arith.cmpi eq, %select_n3A_156, %eq3A_157 : i32
      %convert_element_type3A = arith.extui %eq3A_158 : i1 to i32
      %cond3A = arith.constant 0 : i32
      %cond3A_159 = arith.cmpi ne, %convert_element_type3A, %cond3A : i32
      scf.if %cond3A_159 {
        %dma_wait3A_182 = arith.constant 0 : i32
        %dma_wait3A_183 = tpu.memref_slice %arg6[%scan3A_146, %dma_wait3A_182] : memref<79x128xi32, #tpu.memory_space<vmem>> -> memref<1x128xi32, #tpu.memory_space<vmem>>
        %dma_wait3A_184 = tpu.memref_squeeze %dma_wait3A_183 : memref<1x128xi32, #tpu.memory_space<vmem>> -> memref<128xi32, #tpu.memory_space<vmem>>
        %dma_wait3A_185 = arith.constant 0 : i32
        %dma_wait3A_186 = arith.constant 0 : i32
        %dma_wait3A_187 = tpu.memref_slice %arg2[%dma_wait3A_185, %dma_wait3A_186] : memref<10000x128xf32, #tpu.memory_space<hbm>> -> memref<10000x128xf32, #tpu.memory_space<hbm>>
        tpu.wait_indirect_dma semaphore(%arg11 : memref<!tpu.dma_semaphore, #tpu.memory_space<semaphore_mem>>) src(%dma_wait3A_187 : memref<10000x128xf32, #tpu.memory_space<hbm>>) dst(%arg8 : memref<128x128xf32, #tpu.memory_space<vmem>>)
        %dma_wait3A_188 = arith.constant 0 : i32
        %dma_wait3A_189 = arith.constant 0 : i32
        %dma_wait3A_190 = tpu.memref_slice %arg7[%dma_wait3A_188, %dma_wait3A_189] : memref<2x128xi32, #tpu.memory_space<vmem>> -> memref<1x128xi32, #tpu.memory_space<vmem>>
        %dma_wait3A_191 = tpu.memref_squeeze %dma_wait3A_190 : memref<1x128xi32, #tpu.memory_space<vmem>> -> memref<128xi32, #tpu.memory_space<vmem>>
        %dma_wait3A_192 = arith.constant 0 : i32
        %dma_wait3A_193 = arith.constant 0 : i32
        %dma_wait3A_194 = tpu.memref_slice %arg4[%add3A, %dma_wait3A_192, %dma_wait3A_193] : memref<32x79x128xi32, #tpu.memory_space<hbm>> -> memref<1x79x128xi32, #tpu.memory_space<hbm>>
        %dma_wait3A_195 = tpu.memref_squeeze %dma_wait3A_194 : memref<1x79x128xi32, #tpu.memory_space<hbm>> -> memref<79x128xi32, #tpu.memory_space<hbm>>
        %dma_wait3A_196 = arith.constant 0 : i32
        %dma_wait3A_197 = tpu.memref_slice %dma_wait3A_195[%scan3A_146, %dma_wait3A_196] : memref<79x128xi32, #tpu.memory_space<hbm>> -> memref<1x128xi32, #tpu.memory_space<hbm>>
        %dma_wait3A_198 = tpu.memref_squeeze %dma_wait3A_197 : memref<1x128xi32, #tpu.memory_space<hbm>> -> memref<128xi32, #tpu.memory_space<hbm>>
        %dma_wait3A_199 = arith.constant 0 : i32
        %dma_wait3A_200 = tpu.memref_slice %arg7[%dma_wait3A_188, %dma_wait3A_199] : memref<2x128xi32, #tpu.memory_space<vmem>> -> memref<1x128xi32, #tpu.memory_space<vmem>>
        %dma_wait3A_201 = tpu.memref_squeeze %dma_wait3A_200 : memref<1x128xi32, #tpu.memory_space<vmem>> -> memref<128xi32, #tpu.memory_space<vmem>>
        %dma_wait3A_202 = arith.constant 0 : i32
        %dma_wait3A_203 = arith.constant 0 : i32
        %dma_wait3A_204 = tpu.memref_slice %arg4[%add3A, %dma_wait3A_202, %dma_wait3A_203] : memref<32x79x128xi32, #tpu.memory_space<hbm>> -> memref<1x79x128xi32, #tpu.memory_space<hbm>>
        %dma_wait3A_205 = tpu.memref_squeeze %dma_wait3A_204 : memref<1x79x128xi32, #tpu.memory_space<hbm>> -> memref<79x128xi32, #tpu.memory_space<hbm>>
        %dma_wait3A_206 = arith.constant 0 : i32
        %dma_wait3A_207 = tpu.memref_slice %dma_wait3A_205[%scan3A_146, %dma_wait3A_206] : memref<79x128xi32, #tpu.memory_space<hbm>> -> memref<1x128xi32, #tpu.memory_space<hbm>>
        %dma_wait3A_208 = tpu.memref_squeeze %dma_wait3A_207 : memref<1x128xi32, #tpu.memory_space<hbm>> -> memref<128xi32, #tpu.memory_space<hbm>>
        tpu.wait_dma2 semaphore(%arg13 : memref<!tpu.dma_semaphore, #tpu.memory_space<semaphore_mem>>) src(%dma_wait3A_208 : memref<128xi32, #tpu.memory_space<hbm>>) dst(%dma_wait3A_201 : memref<128xi32, #tpu.memory_space<vmem>>)
        %run_scoped3A = arith.constant 0 : i32
        "tpu.region"() ({
          %run_scoped3A_216 = tpu.sem_alloc : memref<!tpu.dma_semaphore, #tpu.memory_space<semaphore_mem>>
          %dma_start3A_217 = arith.constant 0 : i32
          %dma_start3A_218 = tpu.memref_slice %arg7[%run_scoped3A, %dma_start3A_217] : memref<2x128xi32, #tpu.memory_space<vmem>> -> memref<1x128xi32, #tpu.memory_space<vmem>>
          %dma_start3A_219 = tpu.memref_squeeze %dma_start3A_218 : memref<1x128xi32, #tpu.memory_space<vmem>> -> memref<128xi32, #tpu.memory_space<vmem>>
          %dma_start3A_220 = arith.constant 0 : i32
          %dma_start3A_221 = arith.constant 0 : i32
          %dma_start3A_222 = tpu.memref_slice %arg10[%dma_start3A_220, %dma_start3A_221] : memref<10112x128xf32, #tpu.memory_space<vmem_shared>> -> memref<10112x128xf32, #tpu.memory_space<vmem_shared>>
          tpu.enqueue_indirect_dma source(%arg8 : memref<128x128xf32, #tpu.memory_space<vmem>>) target(%dma_start3A_222 : memref<10112x128xf32, #tpu.memory_space<vmem_shared>>) offsets(%dma_start3A_219 : memref<128xi32, #tpu.memory_space<vmem>>) semaphore(%run_scoped3A_216 : memref<!tpu.dma_semaphore, #tpu.memory_space<semaphore_mem>>) {add = true}
          %dma_wait3A_223 = arith.constant 0 : i32
          %dma_wait3A_224 = tpu.memref_slice %arg7[%run_scoped3A, %dma_wait3A_223] : memref<2x128xi32, #tpu.memory_space<vmem>> -> memref<1x128xi32, #tpu.memory_space<vmem>>
          %dma_wait3A_225 = tpu.memref_squeeze %dma_wait3A_224 : memref<1x128xi32, #tpu.memory_space<vmem>> -> memref<128xi32, #tpu.memory_space<vmem>>
          %dma_wait3A_226 = arith.constant 0 : i32
          %dma_wait3A_227 = arith.constant 0 : i32
          %dma_wait3A_228 = tpu.memref_slice %arg10[%dma_wait3A_226, %dma_wait3A_227] : memref<10112x128xf32, #tpu.memory_space<vmem_shared>> -> memref<10112x128xf32, #tpu.memory_space<vmem_shared>>
          tpu.wait_indirect_dma semaphore(%run_scoped3A_216 : memref<!tpu.dma_semaphore, #tpu.memory_space<semaphore_mem>>) src(%arg8 : memref<128x128xf32, #tpu.memory_space<vmem>>) dst(%dma_wait3A_228 : memref<10112x128xf32, #tpu.memory_space<vmem_shared>>)
          tpu.yield
        }) : () -> ()
        %add3A_209 = arith.constant 2 : i32
        %add3A_210 = arith.addi %scan3A_146, %add3A_209 : i32
        %lt3A_211 = arith.constant 79 : i32
        %lt3A_212 = arith.cmpi slt, %add3A_210, %lt3A_211 : i32
        %convert_element_type3A_213 = arith.extui %lt3A_212 : i1 to i32
        %cond3A_214 = arith.constant 0 : i32
        %cond3A_215 = arith.cmpi ne, %convert_element_type3A_213, %cond3A_214 : i32
        scf.if %cond3A_215 {
          %add3A_216 = arith.constant 2 : i32
          %add3A_217 = arith.addi %scan3A_146, %add3A_216 : i32
          %dma_start3A_218 = arith.constant 0 : i32
          %dma_start3A_219 = tpu.memref_slice %arg6[%add3A_217, %dma_start3A_218] : memref<79x128xi32, #tpu.memory_space<vmem>> -> memref<1x128xi32, #tpu.memory_space<vmem>>
          %dma_start3A_220 = tpu.memref_squeeze %dma_start3A_219 : memref<1x128xi32, #tpu.memory_space<vmem>> -> memref<128xi32, #tpu.memory_space<vmem>>
          %dma_start3A_221 = arith.constant 0 : i32
          %dma_start3A_222 = arith.constant 0 : i32
          %dma_start3A_223 = tpu.memref_slice %arg2[%dma_start3A_221, %dma_start3A_222] : memref<10000x128xf32, #tpu.memory_space<hbm>> -> memref<10000x128xf32, #tpu.memory_space<hbm>>
          tpu.enqueue_indirect_dma source(%dma_start3A_223 : memref<10000x128xf32, #tpu.memory_space<hbm>>) target(%arg8 : memref<128x128xf32, #tpu.memory_space<vmem>>) offsets(%dma_start3A_220 : memref<128xi32, #tpu.memory_space<vmem>>) semaphore(%arg11 : memref<!tpu.dma_semaphore, #tpu.memory_space<semaphore_mem>>)
          %dma_start3A_224 = arith.constant 0 : i32
          %dma_start3A_225 = arith.constant 0 : i32
          %dma_start3A_226 = tpu.memref_slice %arg7[%dma_start3A_224, %dma_start3A_225] : memref<2x128xi32, #tpu.memory_space<vmem>> -> memref<1x128xi32, #tpu.memory_space<vmem>>
          %dma_start3A_227 = tpu.memref_squeeze %dma_start3A_226 : memref<1x128xi32, #tpu.memory_space<vmem>> -> memref<128xi32, #tpu.memory_space<vmem>>
          %dma_start3A_228 = arith.constant 0 : i32
          %dma_start3A_229 = arith.constant 0 : i32
          %dma_start3A_230 = tpu.memref_slice %arg4[%add3A, %dma_start3A_228, %dma_start3A_229] : memref<32x79x128xi32, #tpu.memory_space<hbm>> -> memref<1x79x128xi32, #tpu.memory_space<hbm>>
          %dma_start3A_231 = tpu.memref_squeeze %dma_start3A_230 : memref<1x79x128xi32, #tpu.memory_space<hbm>> -> memref<79x128xi32, #tpu.memory_space<hbm>>
          %dma_start3A_232 = arith.constant 0 : i32
          %dma_start3A_233 = tpu.memref_slice %dma_start3A_231[%add3A_217, %dma_start3A_232] : memref<79x128xi32, #tpu.memory_space<hbm>> -> memref<1x128xi32, #tpu.memory_space<hbm>>
          %dma_start3A_234 = tpu.memref_squeeze %dma_start3A_233 : memref<1x128xi32, #tpu.memory_space<hbm>> -> memref<128xi32, #tpu.memory_space<hbm>>
          %dma_start3A_235 = arith.constant 0 : i32
          %dma_start3A_236 = tpu.memref_slice %arg7[%dma_start3A_224, %dma_start3A_235] : memref<2x128xi32, #tpu.memory_space<vmem>> -> memref<1x128xi32, #tpu.memory_space<vmem>>
          %dma_start3A_237 = tpu.memref_squeeze %dma_start3A_236 : memref<1x128xi32, #tpu.memory_space<vmem>> -> memref<128xi32, #tpu.memory_space<vmem>>
          %dma_start3A_238 = arith.constant 0 : i32
          %dma_start3A_239 = arith.constant 0 : i32
          %dma_start3A_240 = tpu.memref_slice %arg4[%add3A, %dma_start3A_238, %dma_start3A_239] : memref<32x79x128xi32, #tpu.memory_space<hbm>> -> memref<1x79x128xi32, #tpu.memory_space<hbm>>
          %dma_start3A_241 = tpu.memref_squeeze %dma_start3A_240 : memref<1x79x128xi32, #tpu.memory_space<hbm>> -> memref<79x128xi32, #tpu.memory_space<hbm>>
          %dma_start3A_242 = arith.constant 0 : i32
          %dma_start3A_243 = tpu.memref_slice %dma_start3A_241[%add3A_217, %dma_start3A_242] : memref<79x128xi32, #tpu.memory_space<hbm>> -> memref<1x128xi32, #tpu.memory_space<hbm>>
          %dma_start3A_244 = tpu.memref_squeeze %dma_start3A_243 : memref<1x128xi32, #tpu.memory_space<hbm>> -> memref<128xi32, #tpu.memory_space<hbm>>
          tpu.enqueue_dma source(%dma_start3A_244 : memref<128xi32, #tpu.memory_space<hbm>>) target(%dma_start3A_237 : memref<128xi32, #tpu.memory_space<vmem>>) target_semaphore(%arg13 : memref<!tpu.dma_semaphore, #tpu.memory_space<semaphore_mem>>)
        } else {
        }
      } else {
      }
      %jit3A_160 = arith.constant 2 : i32
      %eq3A_161 = arith.constant 0 : i32
      %eq3A_162 = arith.cmpi eq, %jit3A_160, %eq3A_161 : i32
      %jit3A_163 = arith.constant 1 : i32
      %select_n3A_164 = arith.select %eq3A_162, %jit3A_163, %jit3A_160 : i32
      %rem3A_165 = arith.remsi %scan3A_146, %select_n3A_164 : i32
      %ne3A_166 = arith.constant 0 : i32
      %ne3A_167 = arith.cmpi ne, %rem3A_165, %ne3A_166 : i32
      %lt3A_168 = arith.constant 0 : i32
      %lt3A_169 = arith.cmpi slt, %rem3A_165, %lt3A_168 : i32
      %lt3A_170 = arith.constant 0 : i32
      %lt3A_171 = arith.cmpi slt, %select_n3A_164, %lt3A_170 : i32
      %ne3A_172 = arith.xori %lt3A_169, %lt3A_171 : i1
      %and3A_173 = arith.andi %ne3A_172, %ne3A_167 : i1
      %add3A_174 = arith.addi %rem3A_165, %select_n3A_164 : i32
      %select_n3A_175 = arith.select %and3A_173, %add3A_174, %rem3A_165 : i32
      %eq3A_176 = arith.constant 1 : i32
      %eq3A_177 = arith.cmpi eq, %select_n3A_175, %eq3A_176 : i32
      %convert_element_type3A_178 = arith.extui %eq3A_177 : i1 to i32
      %cond3A_179 = arith.constant 0 : i32
      %cond3A_180 = arith.cmpi ne, %convert_element_type3A_178, %cond3A_179 : i32
      scf.if %cond3A_180 {
        %dma_wait3A_182 = arith.constant 0 : i32
        %dma_wait3A_183 = tpu.memref_slice %arg6[%scan3A_146, %dma_wait3A_182] : memref<79x128xi32, #tpu.memory_space<vmem>> -> memref<1x128xi32, #tpu.memory_space<vmem>>
        %dma_wait3A_184 = tpu.memref_squeeze %dma_wait3A_183 : memref<1x128xi32, #tpu.memory_space<vmem>> -> memref<128xi32, #tpu.memory_space<vmem>>
        %dma_wait3A_185 = arith.constant 0 : i32
        %dma_wait3A_186 = arith.constant 0 : i32
        %dma_wait3A_187 = tpu.memref_slice %arg2[%dma_wait3A_185, %dma_wait3A_186] : memref<10000x128xf32, #tpu.memory_space<hbm>> -> memref<10000x128xf32, #tpu.memory_space<hbm>>
        tpu.wait_indirect_dma semaphore(%arg12 : memref<!tpu.dma_semaphore, #tpu.memory_space<semaphore_mem>>) src(%dma_wait3A_187 : memref<10000x128xf32, #tpu.memory_space<hbm>>) dst(%arg9 : memref<128x128xf32, #tpu.memory_space<vmem>>)
        %dma_wait3A_188 = arith.constant 1 : i32
        %dma_wait3A_189 = arith.constant 0 : i32
        %dma_wait3A_190 = tpu.memref_slice %arg7[%dma_wait3A_188, %dma_wait3A_189] : memref<2x128xi32, #tpu.memory_space<vmem>> -> memref<1x128xi32, #tpu.memory_space<vmem>>
        %dma_wait3A_191 = tpu.memref_squeeze %dma_wait3A_190 : memref<1x128xi32, #tpu.memory_space<vmem>> -> memref<128xi32, #tpu.memory_space<vmem>>
        %dma_wait3A_192 = arith.constant 0 : i32
        %dma_wait3A_193 = arith.constant 0 : i32
        %dma_wait3A_194 = tpu.memref_slice %arg4[%add3A, %dma_wait3A_192, %dma_wait3A_193] : memref<32x79x128xi32, #tpu.memory_space<hbm>> -> memref<1x79x128xi32, #tpu.memory_space<hbm>>
        %dma_wait3A_195 = tpu.memref_squeeze %dma_wait3A_194 : memref<1x79x128xi32, #tpu.memory_space<hbm>> -> memref<79x128xi32, #tpu.memory_space<hbm>>
        %dma_wait3A_196 = arith.constant 0 : i32
        %dma_wait3A_197 = tpu.memref_slice %dma_wait3A_195[%scan3A_146, %dma_wait3A_196] : memref<79x128xi32, #tpu.memory_space<hbm>> -> memref<1x128xi32, #tpu.memory_space<hbm>>
        %dma_wait3A_198 = tpu.memref_squeeze %dma_wait3A_197 : memref<1x128xi32, #tpu.memory_space<hbm>> -> memref<128xi32, #tpu.memory_space<hbm>>
        %dma_wait3A_199 = arith.constant 0 : i32
        %dma_wait3A_200 = tpu.memref_slice %arg7[%dma_wait3A_188, %dma_wait3A_199] : memref<2x128xi32, #tpu.memory_space<vmem>> -> memref<1x128xi32, #tpu.memory_space<vmem>>
        %dma_wait3A_201 = tpu.memref_squeeze %dma_wait3A_200 : memref<1x128xi32, #tpu.memory_space<vmem>> -> memref<128xi32, #tpu.memory_space<vmem>>
        %dma_wait3A_202 = arith.constant 0 : i32
        %dma_wait3A_203 = arith.constant 0 : i32
        %dma_wait3A_204 = tpu.memref_slice %arg4[%add3A, %dma_wait3A_202, %dma_wait3A_203] : memref<32x79x128xi32, #tpu.memory_space<hbm>> -> memref<1x79x128xi32, #tpu.memory_space<hbm>>
        %dma_wait3A_205 = tpu.memref_squeeze %dma_wait3A_204 : memref<1x79x128xi32, #tpu.memory_space<hbm>> -> memref<79x128xi32, #tpu.memory_space<hbm>>
        %dma_wait3A_206 = arith.constant 0 : i32
        %dma_wait3A_207 = tpu.memref_slice %dma_wait3A_205[%scan3A_146, %dma_wait3A_206] : memref<79x128xi32, #tpu.memory_space<hbm>> -> memref<1x128xi32, #tpu.memory_space<hbm>>
        %dma_wait3A_208 = tpu.memref_squeeze %dma_wait3A_207 : memref<1x128xi32, #tpu.memory_space<hbm>> -> memref<128xi32, #tpu.memory_space<hbm>>
        tpu.wait_dma2 semaphore(%arg14 : memref<!tpu.dma_semaphore, #tpu.memory_space<semaphore_mem>>) src(%dma_wait3A_208 : memref<128xi32, #tpu.memory_space<hbm>>) dst(%dma_wait3A_201 : memref<128xi32, #tpu.memory_space<vmem>>)
        %run_scoped3A = arith.constant 1 : i32
        "tpu.region"() ({
          %run_scoped3A_216 = tpu.sem_alloc : memref<!tpu.dma_semaphore, #tpu.memory_space<semaphore_mem>>
          %dma_start3A_217 = arith.constant 0 : i32
          %dma_start3A_218 = tpu.memref_slice %arg7[%run_scoped3A, %dma_start3A_217] : memref<2x128xi32, #tpu.memory_space<vmem>> -> memref<1x128xi32, #tpu.memory_space<vmem>>
          %dma_start3A_219 = tpu.memref_squeeze %dma_start3A_218 : memref<1x128xi32, #tpu.memory_space<vmem>> -> memref<128xi32, #tpu.memory_space<vmem>>
          %dma_start3A_220 = arith.constant 0 : i32
          %dma_start3A_221 = arith.constant 0 : i32
          %dma_start3A_222 = tpu.memref_slice %arg10[%dma_start3A_220, %dma_start3A_221] : memref<10112x128xf32, #tpu.memory_space<vmem_shared>> -> memref<10112x128xf32, #tpu.memory_space<vmem_shared>>
          tpu.enqueue_indirect_dma source(%arg9 : memref<128x128xf32, #tpu.memory_space<vmem>>) target(%dma_start3A_222 : memref<10112x128xf32, #tpu.memory_space<vmem_shared>>) offsets(%dma_start3A_219 : memref<128xi32, #tpu.memory_space<vmem>>) semaphore(%run_scoped3A_216 : memref<!tpu.dma_semaphore, #tpu.memory_space<semaphore_mem>>) {add = true}
          %dma_wait3A_223 = arith.constant 0 : i32
          %dma_wait3A_224 = tpu.memref_slice %arg7[%run_scoped3A, %dma_wait3A_223] : memref<2x128xi32, #tpu.memory_space<vmem>> -> memref<1x128xi32, #tpu.memory_space<vmem>>
          %dma_wait3A_225 = tpu.memref_squeeze %dma_wait3A_224 : memref<1x128xi32, #tpu.memory_space<vmem>> -> memref<128xi32, #tpu.memory_space<vmem>>
          %dma_wait3A_226 = arith.constant 0 : i32
          %dma_wait3A_227 = arith.constant 0 : i32
          %dma_wait3A_228 = tpu.memref_slice %arg10[%dma_wait3A_226, %dma_wait3A_227] : memref<10112x128xf32, #tpu.memory_space<vmem_shared>> -> memref<10112x128xf32, #tpu.memory_space<vmem_shared>>
          tpu.wait_indirect_dma semaphore(%run_scoped3A_216 : memref<!tpu.dma_semaphore, #tpu.memory_space<semaphore_mem>>) src(%arg9 : memref<128x128xf32, #tpu.memory_space<vmem>>) dst(%dma_wait3A_228 : memref<10112x128xf32, #tpu.memory_space<vmem_shared>>)
          tpu.yield
        }) : () -> ()
        %add3A_209 = arith.constant 2 : i32
        %add3A_210 = arith.addi %scan3A_146, %add3A_209 : i32
        %lt3A_211 = arith.constant 79 : i32
        %lt3A_212 = arith.cmpi slt, %add3A_210, %lt3A_211 : i32
        %convert_element_type3A_213 = arith.extui %lt3A_212 : i1 to i32
        %cond3A_214 = arith.constant 0 : i32
        %cond3A_215 = arith.cmpi ne, %convert_element_type3A_213, %cond3A_214 : i32
        scf.if %cond3A_215 {
          %add3A_216 = arith.constant 2 : i32
          %add3A_217 = arith.addi %scan3A_146, %add3A_216 : i32
          %dma_start3A_218 = arith.constant 0 : i32
          %dma_start3A_219 = tpu.memref_slice %arg6[%add3A_217, %dma_start3A_218] : memref<79x128xi32, #tpu.memory_space<vmem>> -> memref<1x128xi32, #tpu.memory_space<vmem>>
          %dma_start3A_220 = tpu.memref_squeeze %dma_start3A_219 : memref<1x128xi32, #tpu.memory_space<vmem>> -> memref<128xi32, #tpu.memory_space<vmem>>
          %dma_start3A_221 = arith.constant 0 : i32
          %dma_start3A_222 = arith.constant 0 : i32
          %dma_start3A_223 = tpu.memref_slice %arg2[%dma_start3A_221, %dma_start3A_222] : memref<10000x128xf32, #tpu.memory_space<hbm>> -> memref<10000x128xf32, #tpu.memory_space<hbm>>
          tpu.enqueue_indirect_dma source(%dma_start3A_223 : memref<10000x128xf32, #tpu.memory_space<hbm>>) target(%arg9 : memref<128x128xf32, #tpu.memory_space<vmem>>) offsets(%dma_start3A_220 : memref<128xi32, #tpu.memory_space<vmem>>) semaphore(%arg12 : memref<!tpu.dma_semaphore, #tpu.memory_space<semaphore_mem>>)
          %dma_start3A_224 = arith.constant 1 : i32
          %dma_start3A_225 = arith.constant 0 : i32
          %dma_start3A_226 = tpu.memref_slice %arg7[%dma_start3A_224, %dma_start3A_225] : memref<2x128xi32, #tpu.memory_space<vmem>> -> memref<1x128xi32, #tpu.memory_space<vmem>>
          %dma_start3A_227 = tpu.memref_squeeze %dma_start3A_226 : memref<1x128xi32, #tpu.memory_space<vmem>> -> memref<128xi32, #tpu.memory_space<vmem>>
          %dma_start3A_228 = arith.constant 0 : i32
          %dma_start3A_229 = arith.constant 0 : i32
          %dma_start3A_230 = tpu.memref_slice %arg4[%add3A, %dma_start3A_228, %dma_start3A_229] : memref<32x79x128xi32, #tpu.memory_space<hbm>> -> memref<1x79x128xi32, #tpu.memory_space<hbm>>
          %dma_start3A_231 = tpu.memref_squeeze %dma_start3A_230 : memref<1x79x128xi32, #tpu.memory_space<hbm>> -> memref<79x128xi32, #tpu.memory_space<hbm>>
          %dma_start3A_232 = arith.constant 0 : i32
          %dma_start3A_233 = tpu.memref_slice %dma_start3A_231[%add3A_217, %dma_start3A_232] : memref<79x128xi32, #tpu.memory_space<hbm>> -> memref<1x128xi32, #tpu.memory_space<hbm>>
          %dma_start3A_234 = tpu.memref_squeeze %dma_start3A_233 : memref<1x128xi32, #tpu.memory_space<hbm>> -> memref<128xi32, #tpu.memory_space<hbm>>
          %dma_start3A_235 = arith.constant 0 : i32
          %dma_start3A_236 = tpu.memref_slice %arg7[%dma_start3A_224, %dma_start3A_235] : memref<2x128xi32, #tpu.memory_space<vmem>> -> memref<1x128xi32, #tpu.memory_space<vmem>>
          %dma_start3A_237 = tpu.memref_squeeze %dma_start3A_236 : memref<1x128xi32, #tpu.memory_space<vmem>> -> memref<128xi32, #tpu.memory_space<vmem>>
          %dma_start3A_238 = arith.constant 0 : i32
          %dma_start3A_239 = arith.constant 0 : i32
          %dma_start3A_240 = tpu.memref_slice %arg4[%add3A, %dma_start3A_238, %dma_start3A_239] : memref<32x79x128xi32, #tpu.memory_space<hbm>> -> memref<1x79x128xi32, #tpu.memory_space<hbm>>
          %dma_start3A_241 = tpu.memref_squeeze %dma_start3A_240 : memref<1x79x128xi32, #tpu.memory_space<hbm>> -> memref<79x128xi32, #tpu.memory_space<hbm>>
          %dma_start3A_242 = arith.constant 0 : i32
          %dma_start3A_243 = tpu.memref_slice %dma_start3A_241[%add3A_217, %dma_start3A_242] : memref<79x128xi32, #tpu.memory_space<hbm>> -> memref<1x128xi32, #tpu.memory_space<hbm>>
          %dma_start3A_244 = tpu.memref_squeeze %dma_start3A_243 : memref<1x128xi32, #tpu.memory_space<hbm>> -> memref<128xi32, #tpu.memory_space<hbm>>
          tpu.enqueue_dma source(%dma_start3A_244 : memref<128xi32, #tpu.memory_space<hbm>>) target(%dma_start3A_237 : memref<128xi32, #tpu.memory_space<vmem>>) target_semaphore(%arg14 : memref<!tpu.dma_semaphore, #tpu.memory_space<semaphore_mem>>)
        } else {
        }
      } else {
      }
      %scan3A_181 = arith.constant 0 : i32
      scf.yield %scan3A_181 : i32
    }
    %scan3A_144 = arith.constant 79 : i32
    %barrier3A_145 = arith.constant 0 : index
    tpu.barrier barrier_id(%barrier3A_145)
    "tpu.region"() ({
      %run_scoped3A = tpu.sem_alloc : memref<!tpu.dma_semaphore, #tpu.memory_space<semaphore_mem>>
      %dma_start3A_146 = arith.constant 0 : i32
      %dma_start3A_147 = arith.constant 0 : i32
      %dma_start3A_148 = tpu.memref_slice %arg5[%arg0, %dma_start3A_146, %dma_start3A_147] : memref<2x10112x128xf32, #tpu.memory_space<hbm>> -> memref<1x10112x128xf32, #tpu.memory_space<hbm>>
      %dma_start3A_149 = tpu.memref_squeeze %dma_start3A_148 : memref<1x10112x128xf32, #tpu.memory_space<hbm>> -> memref<10112x128xf32, #tpu.memory_space<hbm>>
      %dma_start3A_150 = arith.constant 0 : i32
      %dma_start3A_151 = tpu.memref_slice %dma_start3A_149[%mul3A_37, %dma_start3A_150] : memref<10112x128xf32, #tpu.memory_space<hbm>> -> memref<632x128xf32, #tpu.memory_space<hbm>>
      %dma_start3A_152 = arith.constant 0 : i32
      %dma_start3A_153 = tpu.memref_slice %arg10[%mul3A_37, %dma_start3A_152] : memref<10112x128xf32, #tpu.memory_space<vmem_shared>> -> memref<632x128xf32, #tpu.memory_space<vmem_shared>>
      tpu.enqueue_dma source(%dma_start3A_153 : memref<632x128xf32, #tpu.memory_space<vmem_shared>>) target(%dma_start3A_151 : memref<632x128xf32, #tpu.memory_space<hbm>>) target_semaphore(%run_scoped3A : memref<!tpu.dma_semaphore, #tpu.memory_space<semaphore_mem>>)
      %dma_wait3A_154 = arith.constant 0 : i32
      %dma_wait3A_155 = arith.constant 0 : i32
      %dma_wait3A_156 = tpu.memref_slice %arg5[%arg0, %dma_wait3A_154, %dma_wait3A_155] : memref<2x10112x128xf32, #tpu.memory_space<hbm>> -> memref<1x10112x128xf32, #tpu.memory_space<hbm>>
      %dma_wait3A_157 = tpu.memref_squeeze %dma_wait3A_156 : memref<1x10112x128xf32, #tpu.memory_space<hbm>> -> memref<10112x128xf32, #tpu.memory_space<hbm>>
      %dma_wait3A_158 = arith.constant 0 : i32
      %dma_wait3A_159 = tpu.memref_slice %dma_wait3A_157[%mul3A_37, %dma_wait3A_158] : memref<10112x128xf32, #tpu.memory_space<hbm>> -> memref<632x128xf32, #tpu.memory_space<hbm>>
      %dma_wait3A_160 = arith.constant 0 : i32
      %dma_wait3A_161 = tpu.memref_slice %arg10[%mul3A_37, %dma_wait3A_160] : memref<10112x128xf32, #tpu.memory_space<vmem_shared>> -> memref<632x128xf32, #tpu.memory_space<vmem_shared>>
      tpu.wait_dma2 semaphore(%run_scoped3A : memref<!tpu.dma_semaphore, #tpu.memory_space<semaphore_mem>>) src(%dma_wait3A_161 : memref<632x128xf32, #tpu.memory_space<vmem_shared>>) dst(%dma_wait3A_159 : memref<632x128xf32, #tpu.memory_space<hbm>>)
      tpu.yield
    }) : () -> ()
    return
  }
}

#map = affine_map<(d0, d1) -> (0, 0)>
#map1 = affine_map<(d0, d1) -> (0, 0, 0)>
module attributes {stable_mosaic.version = 14 : i64} {
  func.func @_agg_kernel(%arg0: i32, %arg1: i32, %arg2: memref<10000x128xf32, #tpu.memory_space<hbm>>, %arg3: memref<32x79x128xi32, #tpu.memory_space<hbm>>, %arg4: memref<32x79x128xi32, #tpu.memory_space<hbm>>, %arg5: memref<2x10112x128xf32, #tpu.memory_space<hbm>>, %arg6: memref<79x128xi32, #tpu.memory_space<vmem>>, %arg7: memref<2x128xi32, #tpu.memory_space<vmem>>, %arg8: memref<128x128xf32, #tpu.memory_space<vmem>>, %arg9: memref<128x128xf32, #tpu.memory_space<vmem>>, %arg10: memref<10112x128xf32, #tpu.memory_space<vmem_shared>>, %arg11: memref<!tpu.dma_semaphore, #tpu.memory_space<semaphore_mem>>, %arg12: memref<!tpu.dma_semaphore, #tpu.memory_space<semaphore_mem>>, %arg13: memref<!tpu.dma_semaphore, #tpu.memory_space<semaphore_mem>>, %arg14: memref<!tpu.dma_semaphore, #tpu.memory_space<semaphore_mem>>, %arg15: memref<!tpu.dma_semaphore, #tpu.memory_space<semaphore_mem>>) attributes {dimension_semantics = [#tpu.dimension_semantics<core_parallel>, #tpu.dimension_semantics<subcore_parallel>], iteration_bounds = array<i64: 2, 16>, scalar_prefetch = 0 : i64, scratch_operands = 10 : i64, tpu.core_type = #tpu.core_type<sc_vector_subcore>, window_params = [{transform_indices = #map}, {transform_indices = #map1}, {transform_indices = #map1}, {transform_indices = #map1}]} {
    %mul3A = arith.constant 2 : i32
    %mul3A_0 = arith.muli %arg1, %mul3A : i32
    %add3A = arith.addi %mul3A_0, %arg0 : i32
    "tpu.region"() ({
      %run_scoped3A = tpu.sem_alloc : memref<!tpu.dma_semaphore, #tpu.memory_space<semaphore_mem>>
      %dma_start3A_146 = arith.constant 0 : i32
      %dma_start3A_147 = arith.constant 0 : i32
      %dma_start3A_148 = tpu.memref_slice %arg3[%add3A, %dma_start3A_146, %dma_start3A_147] : memref<32x79x128xi32, #tpu.memory_space<hbm>> -> memref<1x79x128xi32, #tpu.memory_space<hbm>>
      %dma_start3A_149 = tpu.memref_squeeze %dma_start3A_148 : memref<1x79x128xi32, #tpu.memory_space<hbm>> -> memref<79x128xi32, #tpu.memory_space<hbm>>
      %dma_start3A_150 = arith.constant 0 : i32
      %dma_start3A_151 = arith.constant 0 : i32
      %dma_start3A_152 = tpu.memref_slice %arg3[%add3A, %dma_start3A_150, %dma_start3A_151] : memref<32x79x128xi32, #tpu.memory_space<hbm>> -> memref<1x79x128xi32, #tpu.memory_space<hbm>>
      %dma_start3A_153 = tpu.memref_squeeze %dma_start3A_152 : memref<1x79x128xi32, #tpu.memory_space<hbm>> -> memref<79x128xi32, #tpu.memory_space<hbm>>
      tpu.enqueue_dma source(%dma_start3A_153 : memref<79x128xi32, #tpu.memory_space<hbm>>) target(%arg6 : memref<79x128xi32, #tpu.memory_space<vmem>>) target_semaphore(%run_scoped3A : memref<!tpu.dma_semaphore, #tpu.memory_space<semaphore_mem>>)
      %dma_wait3A_154 = arith.constant 0 : i32
      %dma_wait3A_155 = arith.constant 0 : i32
      %dma_wait3A_156 = tpu.memref_slice %arg3[%add3A, %dma_wait3A_154, %dma_wait3A_155] : memref<32x79x128xi32, #tpu.memory_space<hbm>> -> memref<1x79x128xi32, #tpu.memory_space<hbm>>
      %dma_wait3A_157 = tpu.memref_squeeze %dma_wait3A_156 : memref<1x79x128xi32, #tpu.memory_space<hbm>> -> memref<79x128xi32, #tpu.memory_space<hbm>>
      %dma_wait3A_158 = arith.constant 0 : i32
      %dma_wait3A_159 = arith.constant 0 : i32
      %dma_wait3A_160 = tpu.memref_slice %arg3[%add3A, %dma_wait3A_158, %dma_wait3A_159] : memref<32x79x128xi32, #tpu.memory_space<hbm>> -> memref<1x79x128xi32, #tpu.memory_space<hbm>>
      %dma_wait3A_161 = tpu.memref_squeeze %dma_wait3A_160 : memref<1x79x128xi32, #tpu.memory_space<hbm>> -> memref<79x128xi32, #tpu.memory_space<hbm>>
      tpu.wait_dma2 semaphore(%run_scoped3A : memref<!tpu.dma_semaphore, #tpu.memory_space<semaphore_mem>>) src(%dma_wait3A_161 : memref<79x128xi32, #tpu.memory_space<hbm>>) dst(%arg6 : memref<79x128xi32, #tpu.memory_space<vmem>>)
      tpu.yield
    }) : () -> ()
    %dma_start3A = arith.constant 0 : i32
    %dma_start3A_1 = arith.constant 0 : i32
    %dma_start3A_2 = tpu.memref_slice %arg6[%dma_start3A, %dma_start3A_1] : memref<79x128xi32, #tpu.memory_space<vmem>> -> memref<1x128xi32, #tpu.memory_space<vmem>>
    %dma_start3A_3 = tpu.memref_squeeze %dma_start3A_2 : memref<1x128xi32, #tpu.memory_space<vmem>> -> memref<128xi32, #tpu.memory_space<vmem>>
    %dma_start3A_4 = arith.constant 0 : i32
    %dma_start3A_5 = arith.constant 0 : i32
    %dma_start3A_6 = tpu.memref_slice %arg2[%dma_start3A_4, %dma_start3A_5] : memref<10000x128xf32, #tpu.memory_space<hbm>> -> memref<10000x128xf32, #tpu.memory_space<hbm>>
    tpu.enqueue_indirect_dma source(%dma_start3A_6 : memref<10000x128xf32, #tpu.memory_space<hbm>>) target(%arg8 : memref<128x128xf32, #tpu.memory_space<vmem>>) offsets(%dma_start3A_3 : memref<128xi32, #tpu.memory_space<vmem>>) semaphore(%arg11 : memref<!tpu.dma_semaphore, #tpu.memory_space<semaphore_mem>>)
    %dma_start3A_7 = arith.constant 0 : i32
    %dma_start3A_8 = arith.constant 0 : i32
    %dma_start3A_9 = arith.constant 0 : i32
    %dma_start3A_10 = tpu.memref_slice %arg7[%dma_start3A_8, %dma_start3A_9] : memref<2x128xi32, #tpu.memory_space<vmem>> -> memref<1x128xi32, #tpu.memory_space<vmem>>
    %dma_start3A_11 = tpu.memref_squeeze %dma_start3A_10 : memref<1x128xi32, #tpu.memory_space<vmem>> -> memref<128xi32, #tpu.memory_space<vmem>>
    %dma_start3A_12 = arith.constant 0 : i32
    %dma_start3A_13 = arith.constant 0 : i32
    %dma_start3A_14 = tpu.memref_slice %arg4[%add3A, %dma_start3A_12, %dma_start3A_13] : memref<32x79x128xi32, #tpu.memory_space<hbm>> -> memref<1x79x128xi32, #tpu.memory_space<hbm>>
    %dma_start3A_15 = tpu.memref_squeeze %dma_start3A_14 : memref<1x79x128xi32, #tpu.memory_space<hbm>> -> memref<79x128xi32, #tpu.memory_space<hbm>>
    %dma_start3A_16 = arith.constant 0 : i32
    %dma_start3A_17 = tpu.memref_slice %dma_start3A_15[%dma_start3A_7, %dma_start3A_16] : memref<79x128xi32, #tpu.memory_space<hbm>> -> memref<1x128xi32, #tpu.memory_space<hbm>>
    %dma_start3A_18 = tpu.memref_squeeze %dma_start3A_17 : memref<1x128xi32, #tpu.memory_space<hbm>> -> memref<128xi32, #tpu.memory_space<hbm>>
    %dma_start3A_19 = arith.constant 0 : i32
    %dma_start3A_20 = tpu.memref_slice %arg7[%dma_start3A_8, %dma_start3A_19] : memref<2x128xi32, #tpu.memory_space<vmem>> -> memref<1x128xi32, #tpu.memory_space<vmem>>
    %dma_start3A_21 = tpu.memref_squeeze %dma_start3A_20 : memref<1x128xi32, #tpu.memory_space<vmem>> -> memref<128xi32, #tpu.memory_space<vmem>>
    %dma_start3A_22 = arith.constant 0 : i32
    %dma_start3A_23 = arith.constant 0 : i32
    %dma_start3A_24 = tpu.memref_slice %arg4[%add3A, %dma_start3A_22, %dma_start3A_23] : memref<32x79x128xi32, #tpu.memory_space<hbm>> -> memref<1x79x128xi32, #tpu.memory_space<hbm>>
    %dma_start3A_25 = tpu.memref_squeeze %dma_start3A_24 : memref<1x79x128xi32, #tpu.memory_space<hbm>> -> memref<79x128xi32, #tpu.memory_space<hbm>>
    %dma_start3A_26 = arith.constant 0 : i32
    %dma_start3A_27 = tpu.memref_slice %dma_start3A_25[%dma_start3A_7, %dma_start3A_26] : memref<79x128xi32, #tpu.memory_space<hbm>> -> memref<1x128xi32, #tpu.memory_space<hbm>>
    %dma_start3A_28 = tpu.memref_squeeze %dma_start3A_27 : memref<1x128xi32, #tpu.memory_space<hbm>> -> memref<128xi32, #tpu.memory_space<hbm>>
    tpu.enqueue_dma source(%dma_start3A_28 : memref<128xi32, #tpu.memory_space<hbm>>) target(%dma_start3A_21 : memref<128xi32, #tpu.memory_space<vmem>>) target_semaphore(%arg13 : memref<!tpu.dma_semaphore, #tpu.memory_space<semaphore_mem>>)
    %broadcast_in_dim3A = arith.constant 0.000000e+00 : f32
    %broadcast_in_dim3A_29 = vector.broadcast %broadcast_in_dim3A : f32 to vector<16xf32>
    %scan3A = arith.constant 0 : i32
    %scan3A_30 = arith.constant 0 : i32
    %scan3A_31 = arith.constant 1024 : i32
    %scan3A_32 = arith.addi %scan3A_30, %scan3A_31 : i32
    %scan3A_33 = arith.constant 1 : i32
    %scan3A_34 = scf.for %scan3A_146 = %scan3A_30 to %scan3A_32 step %scan3A_33 iter_args(%scan3A_147 = %scan3A) -> (i32)  : i32 {
      %jit3A = arith.constant 8 : i32
      %div3A = arith.divsi %scan3A_146, %jit3A : i32
      %sign3A = arith.constant 0 : i32
      %sign3A_148 = arith.cmpi sgt, %scan3A_146, %sign3A : i32
      %sign3A_149 = arith.extui %sign3A_148 : i1 to i32
      %sign3A_150 = arith.constant 0 : i32
      %sign3A_151 = arith.cmpi slt, %scan3A_146, %sign3A_150 : i32
      %sign3A_152 = arith.extui %sign3A_151 : i1 to i32
      %sign3A_153 = arith.subi %sign3A_149, %sign3A_152 : i32
      %sign3A_154 = arith.constant 0 : i32
      %sign3A_155 = arith.cmpi sgt, %jit3A, %sign3A_154 : i32
      %sign3A_156 = arith.extui %sign3A_155 : i1 to i32
      %sign3A_157 = arith.constant 0 : i32
      %sign3A_158 = arith.cmpi slt, %jit3A, %sign3A_157 : i32
      %sign3A_159 = arith.extui %sign3A_158 : i1 to i32
      %sign3A_160 = arith.subi %sign3A_156, %sign3A_159 : i32
      %ne3A = arith.cmpi ne, %sign3A_153, %sign3A_160 : i32
      %rem3A = arith.remsi %scan3A_146, %jit3A : i32
      %ne3A_161 = arith.constant 0 : i32
      %ne3A_162 = arith.cmpi ne, %rem3A, %ne3A_161 : i32
      %and3A = arith.andi %ne3A, %ne3A_162 : i1
      %sub3A = arith.constant 1 : i32
      %sub3A_163 = arith.subi %div3A, %sub3A : i32
      %select_n3A = arith.select %and3A, %sub3A_163, %div3A : i32
      %jit3A_164 = arith.constant 8 : i32
      %eq3A = arith.constant 0 : i32
      %eq3A_165 = arith.cmpi eq, %jit3A_164, %eq3A : i32
      %jit3A_166 = arith.constant 1 : i32
      %select_n3A_167 = arith.select %eq3A_165, %jit3A_166, %jit3A_164 : i32
      %rem3A_168 = arith.remsi %scan3A_146, %select_n3A_167 : i32
      %ne3A_169 = arith.constant 0 : i32
      %ne3A_170 = arith.cmpi ne, %rem3A_168, %ne3A_169 : i32
      %lt3A = arith.constant 0 : i32
      %lt3A_171 = arith.cmpi slt, %rem3A_168, %lt3A : i32
      %lt3A_172 = arith.constant 0 : i32
      %lt3A_173 = arith.cmpi slt, %select_n3A_167, %lt3A_172 : i32
      %ne3A_174 = arith.xori %lt3A_171, %lt3A_173 : i1
      %and3A_175 = arith.andi %ne3A_174, %ne3A_170 : i1
      %add3A_176 = arith.addi %rem3A_168, %select_n3A_167 : i32
      %select_n3A_177 = arith.select %and3A_175, %add3A_176, %rem3A_168 : i32
      %mul3A_178 = arith.constant 16 : i32
      %mul3A_179 = arith.muli %select_n3A_177, %mul3A_178 : i32
      %swap3A = arith.index_cast %select_n3A : i32 to index
      %swap3A_180 = arith.index_cast %mul3A_179 : i32 to index
      %swap3A_181 = tpu.vector_load %arg9[%swap3A, %swap3A_180] {strides = array<i32>} : memref<128x128xf32, #tpu.memory_space<vmem>>, vector<1x16xf32>,
      %swap3A_182 = vector.shape_cast %swap3A_181 : vector<1x16xf32> to vector<16xf32>
      %swap3A_183 = vector.shape_cast %broadcast_in_dim3A_29 : vector<16xf32> to vector<1x16xf32>
      tpu.vector_store %arg9[%swap3A, %swap3A_180], %swap3A_183 {strides = array<i32>} : memref<128x128xf32, #tpu.memory_space<vmem>>, vector<1x16xf32>,
      %scan3A_184 = arith.constant 0 : i32
      scf.yield %scan3A_184 : i32
    }
    %scan3A_35 = arith.constant 1024 : i32
    %mul3A_36 = arith.constant 632 : i32
    %mul3A_37 = arith.muli %arg1, %mul3A_36 : i32
    %add3A_38 = arith.constant 0 : i32
    %add3A_39 = arith.addi %mul3A_37, %add3A_38 : i32
    %dma_start3A_40 = arith.constant 0 : i32
    %dma_start3A_41 = tpu.memref_slice %arg10[%add3A_39, %dma_start3A_40] : memref<10112x128xf32, #tpu.memory_space<vmem_shared>> -> memref<128x128xf32, #tpu.memory_space<vmem_shared>>
    %dma_start3A_42 = arith.constant 0 : i32
    %dma_start3A_43 = tpu.memref_slice %arg10[%add3A_39, %dma_start3A_42] : memref<10112x128xf32, #tpu.memory_space<vmem_shared>> -> memref<128x128xf32, #tpu.memory_space<vmem_shared>>
    tpu.enqueue_dma source(%arg9 : memref<128x128xf32, #tpu.memory_space<vmem>>) target(%dma_start3A_43 : memref<128x128xf32, #tpu.memory_space<vmem_shared>>) target_semaphore(%arg15 : memref<!tpu.dma_semaphore, #tpu.memory_space<semaphore_mem>>)
    %add3A_44 = arith.constant 128 : i32
    %add3A_45 = arith.addi %mul3A_37, %add3A_44 : i32
    %dma_start3A_46 = arith.constant 0 : i32
    %dma_start3A_47 = tpu.memref_slice %arg10[%add3A_45, %dma_start3A_46] : memref<10112x128xf32, #tpu.memory_space<vmem_shared>> -> memref<128x128xf32, #tpu.memory_space<vmem_shared>>
    %dma_start3A_48 = arith.constant 0 : i32
    %dma_start3A_49 = tpu.memref_slice %arg10[%add3A_45, %dma_start3A_48] : memref<10112x128xf32, #tpu.memory_space<vmem_shared>> -> memref<128x128xf32, #tpu.memory_space<vmem_shared>>
    tpu.enqueue_dma source(%arg9 : memref<128x128xf32, #tpu.memory_space<vmem>>) target(%dma_start3A_49 : memref<128x128xf32, #tpu.memory_space<vmem_shared>>) target_semaphore(%arg15 : memref<!tpu.dma_semaphore, #tpu.memory_space<semaphore_mem>>)
    %add3A_50 = arith.constant 256 : i32
    %add3A_51 = arith.addi %mul3A_37, %add3A_50 : i32
    %dma_start3A_52 = arith.constant 0 : i32
    %dma_start3A_53 = tpu.memref_slice %arg10[%add3A_51, %dma_start3A_52] : memref<10112x128xf32, #tpu.memory_space<vmem_shared>> -> memref<128x128xf32, #tpu.memory_space<vmem_shared>>
    %dma_start3A_54 = arith.constant 0 : i32
    %dma_start3A_55 = tpu.memref_slice %arg10[%add3A_51, %dma_start3A_54] : memref<10112x128xf32, #tpu.memory_space<vmem_shared>> -> memref<128x128xf32, #tpu.memory_space<vmem_shared>>
    tpu.enqueue_dma source(%arg9 : memref<128x128xf32, #tpu.memory_space<vmem>>) target(%dma_start3A_55 : memref<128x128xf32, #tpu.memory_space<vmem_shared>>) target_semaphore(%arg15 : memref<!tpu.dma_semaphore, #tpu.memory_space<semaphore_mem>>)
    %add3A_56 = arith.constant 384 : i32
    %add3A_57 = arith.addi %mul3A_37, %add3A_56 : i32
    %dma_start3A_58 = arith.constant 0 : i32
    %dma_start3A_59 = tpu.memref_slice %arg10[%add3A_57, %dma_start3A_58] : memref<10112x128xf32, #tpu.memory_space<vmem_shared>> -> memref<128x128xf32, #tpu.memory_space<vmem_shared>>
    %dma_start3A_60 = arith.constant 0 : i32
    %dma_start3A_61 = tpu.memref_slice %arg10[%add3A_57, %dma_start3A_60] : memref<10112x128xf32, #tpu.memory_space<vmem_shared>> -> memref<128x128xf32, #tpu.memory_space<vmem_shared>>
    tpu.enqueue_dma source(%arg9 : memref<128x128xf32, #tpu.memory_space<vmem>>) target(%dma_start3A_61 : memref<128x128xf32, #tpu.memory_space<vmem_shared>>) target_semaphore(%arg15 : memref<!tpu.dma_semaphore, #tpu.memory_space<semaphore_mem>>)
    %add3A_62 = arith.constant 512 : i32
    %add3A_63 = arith.addi %mul3A_37, %add3A_62 : i32
    %dma_start3A_64 = arith.constant 0 : i32
    %dma_start3A_65 = arith.constant 0 : i32
    %dma_start3A_66 = tpu.memref_slice %arg9[%dma_start3A_64, %dma_start3A_65] : memref<128x128xf32, #tpu.memory_space<vmem>> -> memref<120x128xf32, #tpu.memory_space<vmem>>
    %dma_start3A_67 = arith.constant 0 : i32
    %dma_start3A_68 = tpu.memref_slice %arg10[%add3A_63, %dma_start3A_67] : memref<10112x128xf32, #tpu.memory_space<vmem_shared>> -> memref<120x128xf32, #tpu.memory_space<vmem_shared>>
    %dma_start3A_69 = arith.constant 0 : i32
    %dma_start3A_70 = tpu.memref_slice %arg10[%add3A_63, %dma_start3A_69] : memref<10112x128xf32, #tpu.memory_space<vmem_shared>> -> memref<120x128xf32, #tpu.memory_space<vmem_shared>>
    %dma_start3A_71 = arith.constant 0 : i32
    %dma_start3A_72 = arith.constant 0 : i32
    %dma_start3A_73 = tpu.memref_slice %arg9[%dma_start3A_71, %dma_start3A_72] : memref<128x128xf32, #tpu.memory_space<vmem>> -> memref<120x128xf32, #tpu.memory_space<vmem>>
    tpu.enqueue_dma source(%dma_start3A_73 : memref<120x128xf32, #tpu.memory_space<vmem>>) target(%dma_start3A_70 : memref<120x128xf32, #tpu.memory_space<vmem_shared>>) target_semaphore(%arg15 : memref<!tpu.dma_semaphore, #tpu.memory_space<semaphore_mem>>)
    %add3A_74 = arith.constant 0 : i32
    %add3A_75 = arith.addi %mul3A_37, %add3A_74 : i32
    %dma_wait3A = arith.constant 0 : i32
    %dma_wait3A_76 = tpu.memref_slice %arg10[%add3A_75, %dma_wait3A] : memref<10112x128xf32, #tpu.memory_space<vmem_shared>> -> memref<128x128xf32, #tpu.memory_space<vmem_shared>>
    %dma_wait3A_77 = arith.constant 0 : i32
    %dma_wait3A_78 = tpu.memref_slice %arg10[%add3A_75, %dma_wait3A_77] : memref<10112x128xf32, #tpu.memory_space<vmem_shared>> -> memref<128x128xf32, #tpu.memory_space<vmem_shared>>
    tpu.wait_dma2 semaphore(%arg15 : memref<!tpu.dma_semaphore, #tpu.memory_space<semaphore_mem>>) src(%arg9 : memref<128x128xf32, #tpu.memory_space<vmem>>) dst(%dma_wait3A_78 : memref<128x128xf32, #tpu.memory_space<vmem_shared>>)
    %add3A_79 = arith.constant 128 : i32
    %add3A_80 = arith.addi %mul3A_37, %add3A_79 : i32
    %dma_wait3A_81 = arith.constant 0 : i32
    %dma_wait3A_82 = tpu.memref_slice %arg10[%add3A_80, %dma_wait3A_81] : memref<10112x128xf32, #tpu.memory_space<vmem_shared>> -> memref<128x128xf32, #tpu.memory_space<vmem_shared>>
    %dma_wait3A_83 = arith.constant 0 : i32
    %dma_wait3A_84 = tpu.memref_slice %arg10[%add3A_80, %dma_wait3A_83] : memref<10112x128xf32, #tpu.memory_space<vmem_shared>> -> memref<128x128xf32, #tpu.memory_space<vmem_shared>>
    tpu.wait_dma2 semaphore(%arg15 : memref<!tpu.dma_semaphore, #tpu.memory_space<semaphore_mem>>) src(%arg9 : memref<128x128xf32, #tpu.memory_space<vmem>>) dst(%dma_wait3A_84 : memref<128x128xf32, #tpu.memory_space<vmem_shared>>)
    %add3A_85 = arith.constant 256 : i32
    %add3A_86 = arith.addi %mul3A_37, %add3A_85 : i32
    %dma_wait3A_87 = arith.constant 0 : i32
    %dma_wait3A_88 = tpu.memref_slice %arg10[%add3A_86, %dma_wait3A_87] : memref<10112x128xf32, #tpu.memory_space<vmem_shared>> -> memref<128x128xf32, #tpu.memory_space<vmem_shared>>
    %dma_wait3A_89 = arith.constant 0 : i32
    %dma_wait3A_90 = tpu.memref_slice %arg10[%add3A_86, %dma_wait3A_89] : memref<10112x128xf32, #tpu.memory_space<vmem_shared>> -> memref<128x128xf32, #tpu.memory_space<vmem_shared>>
    tpu.wait_dma2 semaphore(%arg15 : memref<!tpu.dma_semaphore, #tpu.memory_space<semaphore_mem>>) src(%arg9 : memref<128x128xf32, #tpu.memory_space<vmem>>) dst(%dma_wait3A_90 : memref<128x128xf32, #tpu.memory_space<vmem_shared>>)
    %add3A_91 = arith.constant 384 : i32
    %add3A_92 = arith.addi %mul3A_37, %add3A_91 : i32
    %dma_wait3A_93 = arith.constant 0 : i32
    %dma_wait3A_94 = tpu.memref_slice %arg10[%add3A_92, %dma_wait3A_93] : memref<10112x128xf32, #tpu.memory_space<vmem_shared>> -> memref<128x128xf32, #tpu.memory_space<vmem_shared>>
    %dma_wait3A_95 = arith.constant 0 : i32
    %dma_wait3A_96 = tpu.memref_slice %arg10[%add3A_92, %dma_wait3A_95] : memref<10112x128xf32, #tpu.memory_space<vmem_shared>> -> memref<128x128xf32, #tpu.memory_space<vmem_shared>>
    tpu.wait_dma2 semaphore(%arg15 : memref<!tpu.dma_semaphore, #tpu.memory_space<semaphore_mem>>) src(%arg9 : memref<128x128xf32, #tpu.memory_space<vmem>>) dst(%dma_wait3A_96 : memref<128x128xf32, #tpu.memory_space<vmem_shared>>)
    %add3A_97 = arith.constant 512 : i32
    %add3A_98 = arith.addi %mul3A_37, %add3A_97 : i32
    %dma_wait3A_99 = arith.constant 0 : i32
    %dma_wait3A_100 = arith.constant 0 : i32
    %dma_wait3A_101 = tpu.memref_slice %arg9[%dma_wait3A_99, %dma_wait3A_100] : memref<128x128xf32, #tpu.memory_space<vmem>> -> memref<120x128xf32, #tpu.memory_space<vmem>>
    %dma_wait3A_102 = arith.constant 0 : i32
    %dma_wait3A_103 = tpu.memref_slice %arg10[%add3A_98, %dma_wait3A_102] : memref<10112x128xf32, #tpu.memory_space<vmem_shared>> -> memref<120x128xf32, #tpu.memory_space<vmem_shared>>
    %dma_wait3A_104 = arith.constant 0 : i32
    %dma_wait3A_105 = tpu.memref_slice %arg10[%add3A_98, %dma_wait3A_104] : memref<10112x128xf32, #tpu.memory_space<vmem_shared>> -> memref<120x128xf32, #tpu.memory_space<vmem_shared>>
    %dma_wait3A_106 = arith.constant 0 : i32
    %dma_wait3A_107 = arith.constant 0 : i32
    %dma_wait3A_108 = tpu.memref_slice %arg9[%dma_wait3A_106, %dma_wait3A_107] : memref<128x128xf32, #tpu.memory_space<vmem>> -> memref<120x128xf32, #tpu.memory_space<vmem>>
    tpu.wait_dma2 semaphore(%arg15 : memref<!tpu.dma_semaphore, #tpu.memory_space<semaphore_mem>>) src(%dma_wait3A_108 : memref<120x128xf32, #tpu.memory_space<vmem>>) dst(%dma_wait3A_105 : memref<120x128xf32, #tpu.memory_space<vmem_shared>>)
    %dma_start3A_109 = arith.constant 1 : i32
    %dma_start3A_110 = arith.constant 0 : i32
    %dma_start3A_111 = tpu.memref_slice %arg6[%dma_start3A_109, %dma_start3A_110] : memref<79x128xi32, #tpu.memory_space<vmem>> -> memref<1x128xi32, #tpu.memory_space<vmem>>
    %dma_start3A_112 = tpu.memref_squeeze %dma_start3A_111 : memref<1x128xi32, #tpu.memory_space<vmem>> -> memref<128xi32, #tpu.memory_space<vmem>>
    %dma_start3A_113 = arith.constant 0 : i32
    %dma_start3A_114 = arith.constant 0 : i32
    %dma_start3A_115 = tpu.memref_slice %arg2[%dma_start3A_113, %dma_start3A_114] : memref<10000x128xf32, #tpu.memory_space<hbm>> -> memref<10000x128xf32, #tpu.memory_space<hbm>>
    tpu.enqueue_indirect_dma source(%dma_start3A_115 : memref<10000x128xf32, #tpu.memory_space<hbm>>) target(%arg9 : memref<128x128xf32, #tpu.memory_space<vmem>>) offsets(%dma_start3A_112 : memref<128xi32, #tpu.memory_space<vmem>>) semaphore(%arg12 : memref<!tpu.dma_semaphore, #tpu.memory_space<semaphore_mem>>)
    %dma_start3A_116 = arith.constant 1 : i32
    %dma_start3A_117 = arith.constant 1 : i32
    %dma_start3A_118 = arith.constant 0 : i32
    %dma_start3A_119 = tpu.memref_slice %arg7[%dma_start3A_117, %dma_start3A_118] : memref<2x128xi32, #tpu.memory_space<vmem>> -> memref<1x128xi32, #tpu.memory_space<vmem>>
    %dma_start3A_120 = tpu.memref_squeeze %dma_start3A_119 : memref<1x128xi32, #tpu.memory_space<vmem>> -> memref<128xi32, #tpu.memory_space<vmem>>
    %dma_start3A_121 = arith.constant 0 : i32
    %dma_start3A_122 = arith.constant 0 : i32
    %dma_start3A_123 = tpu.memref_slice %arg4[%add3A, %dma_start3A_121, %dma_start3A_122] : memref<32x79x128xi32, #tpu.memory_space<hbm>> -> memref<1x79x128xi32, #tpu.memory_space<hbm>>
    %dma_start3A_124 = tpu.memref_squeeze %dma_start3A_123 : memref<1x79x128xi32, #tpu.memory_space<hbm>> -> memref<79x128xi32, #tpu.memory_space<hbm>>
    %dma_start3A_125 = arith.constant 0 : i32
    %dma_start3A_126 = tpu.memref_slice %dma_start3A_124[%dma_start3A_116, %dma_start3A_125] : memref<79x128xi32, #tpu.memory_space<hbm>> -> memref<1x128xi32, #tpu.memory_space<hbm>>
    %dma_start3A_127 = tpu.memref_squeeze %dma_start3A_126 : memref<1x128xi32, #tpu.memory_space<hbm>> -> memref<128xi32, #tpu.memory_space<hbm>>
    %dma_start3A_128 = arith.constant 0 : i32
    %dma_start3A_129 = tpu.memref_slice %arg7[%dma_start3A_117, %dma_start3A_128] : memref<2x128xi32, #tpu.memory_space<vmem>> -> memref<1x128xi32, #tpu.memory_space<vmem>>
    %dma_start3A_130 = tpu.memref_squeeze %dma_start3A_129 : memref<1x128xi32, #tpu.memory_space<vmem>> -> memref<128xi32, #tpu.memory_space<vmem>>
    %dma_start3A_131 = arith.constant 0 : i32
    %dma_start3A_132 = arith.constant 0 : i32
    %dma_start3A_133 = tpu.memref_slice %arg4[%add3A, %dma_start3A_131, %dma_start3A_132] : memref<32x79x128xi32, #tpu.memory_space<hbm>> -> memref<1x79x128xi32, #tpu.memory_space<hbm>>
    %dma_start3A_134 = tpu.memref_squeeze %dma_start3A_133 : memref<1x79x128xi32, #tpu.memory_space<hbm>> -> memref<79x128xi32, #tpu.memory_space<hbm>>
    %dma_start3A_135 = arith.constant 0 : i32
    %dma_start3A_136 = tpu.memref_slice %dma_start3A_134[%dma_start3A_116, %dma_start3A_135] : memref<79x128xi32, #tpu.memory_space<hbm>> -> memref<1x128xi32, #tpu.memory_space<hbm>>
    %dma_start3A_137 = tpu.memref_squeeze %dma_start3A_136 : memref<1x128xi32, #tpu.memory_space<hbm>> -> memref<128xi32, #tpu.memory_space<hbm>>
    tpu.enqueue_dma source(%dma_start3A_137 : memref<128xi32, #tpu.memory_space<hbm>>) target(%dma_start3A_130 : memref<128xi32, #tpu.memory_space<vmem>>) target_semaphore(%arg14 : memref<!tpu.dma_semaphore, #tpu.memory_space<semaphore_mem>>)
    %barrier3A = arith.constant 0 : index
    tpu.barrier barrier_id(%barrier3A)
    %scan3A_138 = arith.constant 0 : i32
    %scan3A_139 = arith.constant 0 : i32
    %scan3A_140 = arith.constant 79 : i32
    %scan3A_141 = arith.addi %scan3A_139, %scan3A_140 : i32
    %scan3A_142 = arith.constant 1 : i32
    %scan3A_143 = scf.for %scan3A_146 = %scan3A_139 to %scan3A_141 step %scan3A_142 iter_args(%scan3A_147 = %scan3A_138) -> (i32)  : i32 {
      %jit3A = arith.constant 2 : i32
      %eq3A = arith.constant 0 : i32
      %eq3A_148 = arith.cmpi eq, %jit3A, %eq3A : i32
      %jit3A_149 = arith.constant 1 : i32
      %select_n3A = arith.select %eq3A_148, %jit3A_149, %jit3A : i32
      %rem3A = arith.remsi %scan3A_146, %select_n3A : i32
      %ne3A = arith.constant 0 : i32
      %ne3A_150 = arith.cmpi ne, %rem3A, %ne3A : i32
      %lt3A = arith.constant 0 : i32
      %lt3A_151 = arith.cmpi slt, %rem3A, %lt3A : i32
      %lt3A_152 = arith.constant 0 : i32
      %lt3A_153 = arith.cmpi slt, %select_n3A, %lt3A_152 : i32
      %ne3A_154 = arith.xori %lt3A_151, %lt3A_153 : i1
      %and3A = arith.andi %ne3A_154, %ne3A_150 : i1
      %add3A_155 = arith.addi %rem3A, %select_n3A : i32
      %select_n3A_156 = arith.select %and3A, %add3A_155, %rem3A : i32
      %eq3A_157 = arith.constant 0 : i32
      %eq3A_158 = arith.cmpi eq, %select_n3A_156, %eq3A_157 : i32
      %convert_element_type3A = arith.extui %eq3A_158 : i1 to i32
      %cond3A = arith.constant 0 : i32
      %cond3A_159 = arith.cmpi ne, %convert_element_type3A, %cond3A : i32
      scf.if %cond3A_159 {
        %dma_wait3A_182 = arith.constant 0 : i32
        %dma_wait3A_183 = tpu.memref_slice %arg6[%scan3A_146, %dma_wait3A_182] : memref<79x128xi32, #tpu.memory_space<vmem>> -> memref<1x128xi32, #tpu.memory_space<vmem>>
        %dma_wait3A_184 = tpu.memref_squeeze %dma_wait3A_183 : memref<1x128xi32, #tpu.memory_space<vmem>> -> memref<128xi32, #tpu.memory_space<vmem>>
        %dma_wait3A_185 = arith.constant 0 : i32
        %dma_wait3A_186 = arith.constant 0 : i32
        %dma_wait3A_187 = tpu.memref_slice %arg2[%dma_wait3A_185, %dma_wait3A_186] : memref<10000x128xf32, #tpu.memory_space<hbm>> -> memref<10000x128xf32, #tpu.memory_space<hbm>>
        tpu.wait_indirect_dma semaphore(%arg11 : memref<!tpu.dma_semaphore, #tpu.memory_space<semaphore_mem>>) src(%dma_wait3A_187 : memref<10000x128xf32, #tpu.memory_space<hbm>>) dst(%arg8 : memref<128x128xf32, #tpu.memory_space<vmem>>)
        %dma_wait3A_188 = arith.constant 0 : i32
        %dma_wait3A_189 = arith.constant 0 : i32
        %dma_wait3A_190 = tpu.memref_slice %arg7[%dma_wait3A_188, %dma_wait3A_189] : memref<2x128xi32, #tpu.memory_space<vmem>> -> memref<1x128xi32, #tpu.memory_space<vmem>>
        %dma_wait3A_191 = tpu.memref_squeeze %dma_wait3A_190 : memref<1x128xi32, #tpu.memory_space<vmem>> -> memref<128xi32, #tpu.memory_space<vmem>>
        %dma_wait3A_192 = arith.constant 0 : i32
        %dma_wait3A_193 = arith.constant 0 : i32
        %dma_wait3A_194 = tpu.memref_slice %arg4[%add3A, %dma_wait3A_192, %dma_wait3A_193] : memref<32x79x128xi32, #tpu.memory_space<hbm>> -> memref<1x79x128xi32, #tpu.memory_space<hbm>>
        %dma_wait3A_195 = tpu.memref_squeeze %dma_wait3A_194 : memref<1x79x128xi32, #tpu.memory_space<hbm>> -> memref<79x128xi32, #tpu.memory_space<hbm>>
        %dma_wait3A_196 = arith.constant 0 : i32
        %dma_wait3A_197 = tpu.memref_slice %dma_wait3A_195[%scan3A_146, %dma_wait3A_196] : memref<79x128xi32, #tpu.memory_space<hbm>> -> memref<1x128xi32, #tpu.memory_space<hbm>>
        %dma_wait3A_198 = tpu.memref_squeeze %dma_wait3A_197 : memref<1x128xi32, #tpu.memory_space<hbm>> -> memref<128xi32, #tpu.memory_space<hbm>>
        %dma_wait3A_199 = arith.constant 0 : i32
        %dma_wait3A_200 = tpu.memref_slice %arg7[%dma_wait3A_188, %dma_wait3A_199] : memref<2x128xi32, #tpu.memory_space<vmem>> -> memref<1x128xi32, #tpu.memory_space<vmem>>
        %dma_wait3A_201 = tpu.memref_squeeze %dma_wait3A_200 : memref<1x128xi32, #tpu.memory_space<vmem>> -> memref<128xi32, #tpu.memory_space<vmem>>
        %dma_wait3A_202 = arith.constant 0 : i32
        %dma_wait3A_203 = arith.constant 0 : i32
        %dma_wait3A_204 = tpu.memref_slice %arg4[%add3A, %dma_wait3A_202, %dma_wait3A_203] : memref<32x79x128xi32, #tpu.memory_space<hbm>> -> memref<1x79x128xi32, #tpu.memory_space<hbm>>
        %dma_wait3A_205 = tpu.memref_squeeze %dma_wait3A_204 : memref<1x79x128xi32, #tpu.memory_space<hbm>> -> memref<79x128xi32, #tpu.memory_space<hbm>>
        %dma_wait3A_206 = arith.constant 0 : i32
        %dma_wait3A_207 = tpu.memref_slice %dma_wait3A_205[%scan3A_146, %dma_wait3A_206] : memref<79x128xi32, #tpu.memory_space<hbm>> -> memref<1x128xi32, #tpu.memory_space<hbm>>
        %dma_wait3A_208 = tpu.memref_squeeze %dma_wait3A_207 : memref<1x128xi32, #tpu.memory_space<hbm>> -> memref<128xi32, #tpu.memory_space<hbm>>
        tpu.wait_dma2 semaphore(%arg13 : memref<!tpu.dma_semaphore, #tpu.memory_space<semaphore_mem>>) src(%dma_wait3A_208 : memref<128xi32, #tpu.memory_space<hbm>>) dst(%dma_wait3A_201 : memref<128xi32, #tpu.memory_space<vmem>>)
        %run_scoped3A = arith.constant 0 : i32
        "tpu.region"() ({
          %run_scoped3A_216 = tpu.sem_alloc : memref<!tpu.dma_semaphore, #tpu.memory_space<semaphore_mem>>
          %dma_start3A_217 = arith.constant 0 : i32
          %dma_start3A_218 = tpu.memref_slice %arg7[%run_scoped3A, %dma_start3A_217] : memref<2x128xi32, #tpu.memory_space<vmem>> -> memref<1x128xi32, #tpu.memory_space<vmem>>
          %dma_start3A_219 = tpu.memref_squeeze %dma_start3A_218 : memref<1x128xi32, #tpu.memory_space<vmem>> -> memref<128xi32, #tpu.memory_space<vmem>>
          %dma_start3A_220 = arith.constant 0 : i32
          %dma_start3A_221 = arith.constant 0 : i32
          %dma_start3A_222 = tpu.memref_slice %arg10[%dma_start3A_220, %dma_start3A_221] : memref<10112x128xf32, #tpu.memory_space<vmem_shared>> -> memref<10112x128xf32, #tpu.memory_space<vmem_shared>>
          tpu.enqueue_indirect_dma source(%arg8 : memref<128x128xf32, #tpu.memory_space<vmem>>) target(%dma_start3A_222 : memref<10112x128xf32, #tpu.memory_space<vmem_shared>>) offsets(%dma_start3A_219 : memref<128xi32, #tpu.memory_space<vmem>>) semaphore(%run_scoped3A_216 : memref<!tpu.dma_semaphore, #tpu.memory_space<semaphore_mem>>) {add = true}
          %dma_wait3A_223 = arith.constant 0 : i32
          %dma_wait3A_224 = tpu.memref_slice %arg7[%run_scoped3A, %dma_wait3A_223] : memref<2x128xi32, #tpu.memory_space<vmem>> -> memref<1x128xi32, #tpu.memory_space<vmem>>
          %dma_wait3A_225 = tpu.memref_squeeze %dma_wait3A_224 : memref<1x128xi32, #tpu.memory_space<vmem>> -> memref<128xi32, #tpu.memory_space<vmem>>
          %dma_wait3A_226 = arith.constant 0 : i32
          %dma_wait3A_227 = arith.constant 0 : i32
          %dma_wait3A_228 = tpu.memref_slice %arg10[%dma_wait3A_226, %dma_wait3A_227] : memref<10112x128xf32, #tpu.memory_space<vmem_shared>> -> memref<10112x128xf32, #tpu.memory_space<vmem_shared>>
          tpu.wait_indirect_dma semaphore(%run_scoped3A_216 : memref<!tpu.dma_semaphore, #tpu.memory_space<semaphore_mem>>) src(%arg8 : memref<128x128xf32, #tpu.memory_space<vmem>>) dst(%dma_wait3A_228 : memref<10112x128xf32, #tpu.memory_space<vmem_shared>>)
          tpu.yield
        }) : () -> ()
        %add3A_209 = arith.constant 2 : i32
        %add3A_210 = arith.addi %scan3A_146, %add3A_209 : i32
        %lt3A_211 = arith.constant 79 : i32
        %lt3A_212 = arith.cmpi slt, %add3A_210, %lt3A_211 : i32
        %convert_element_type3A_213 = arith.extui %lt3A_212 : i1 to i32
        %cond3A_214 = arith.constant 0 : i32
        %cond3A_215 = arith.cmpi ne, %convert_element_type3A_213, %cond3A_214 : i32
        scf.if %cond3A_215 {
          %add3A_216 = arith.constant 2 : i32
          %add3A_217 = arith.addi %scan3A_146, %add3A_216 : i32
          %dma_start3A_218 = arith.constant 0 : i32
          %dma_start3A_219 = tpu.memref_slice %arg6[%add3A_217, %dma_start3A_218] : memref<79x128xi32, #tpu.memory_space<vmem>> -> memref<1x128xi32, #tpu.memory_space<vmem>>
          %dma_start3A_220 = tpu.memref_squeeze %dma_start3A_219 : memref<1x128xi32, #tpu.memory_space<vmem>> -> memref<128xi32, #tpu.memory_space<vmem>>
          %dma_start3A_221 = arith.constant 0 : i32
          %dma_start3A_222 = arith.constant 0 : i32
          %dma_start3A_223 = tpu.memref_slice %arg2[%dma_start3A_221, %dma_start3A_222] : memref<10000x128xf32, #tpu.memory_space<hbm>> -> memref<10000x128xf32, #tpu.memory_space<hbm>>
          tpu.enqueue_indirect_dma source(%dma_start3A_223 : memref<10000x128xf32, #tpu.memory_space<hbm>>) target(%arg8 : memref<128x128xf32, #tpu.memory_space<vmem>>) offsets(%dma_start3A_220 : memref<128xi32, #tpu.memory_space<vmem>>) semaphore(%arg11 : memref<!tpu.dma_semaphore, #tpu.memory_space<semaphore_mem>>)
          %dma_start3A_224 = arith.constant 0 : i32
          %dma_start3A_225 = arith.constant 0 : i32
          %dma_start3A_226 = tpu.memref_slice %arg7[%dma_start3A_224, %dma_start3A_225] : memref<2x128xi32, #tpu.memory_space<vmem>> -> memref<1x128xi32, #tpu.memory_space<vmem>>
          %dma_start3A_227 = tpu.memref_squeeze %dma_start3A_226 : memref<1x128xi32, #tpu.memory_space<vmem>> -> memref<128xi32, #tpu.memory_space<vmem>>
          %dma_start3A_228 = arith.constant 0 : i32
          %dma_start3A_229 = arith.constant 0 : i32
          %dma_start3A_230 = tpu.memref_slice %arg4[%add3A, %dma_start3A_228, %dma_start3A_229] : memref<32x79x128xi32, #tpu.memory_space<hbm>> -> memref<1x79x128xi32, #tpu.memory_space<hbm>>
          %dma_start3A_231 = tpu.memref_squeeze %dma_start3A_230 : memref<1x79x128xi32, #tpu.memory_space<hbm>> -> memref<79x128xi32, #tpu.memory_space<hbm>>
          %dma_start3A_232 = arith.constant 0 : i32
          %dma_start3A_233 = tpu.memref_slice %dma_start3A_231[%add3A_217, %dma_start3A_232] : memref<79x128xi32, #tpu.memory_space<hbm>> -> memref<1x128xi32, #tpu.memory_space<hbm>>
          %dma_start3A_234 = tpu.memref_squeeze %dma_start3A_233 : memref<1x128xi32, #tpu.memory_space<hbm>> -> memref<128xi32, #tpu.memory_space<hbm>>
          %dma_start3A_235 = arith.constant 0 : i32
          %dma_start3A_236 = tpu.memref_slice %arg7[%dma_start3A_224, %dma_start3A_235] : memref<2x128xi32, #tpu.memory_space<vmem>> -> memref<1x128xi32, #tpu.memory_space<vmem>>
          %dma_start3A_237 = tpu.memref_squeeze %dma_start3A_236 : memref<1x128xi32, #tpu.memory_space<vmem>> -> memref<128xi32, #tpu.memory_space<vmem>>
          %dma_start3A_238 = arith.constant 0 : i32
          %dma_start3A_239 = arith.constant 0 : i32
          %dma_start3A_240 = tpu.memref_slice %arg4[%add3A, %dma_start3A_238, %dma_start3A_239] : memref<32x79x128xi32, #tpu.memory_space<hbm>> -> memref<1x79x128xi32, #tpu.memory_space<hbm>>
          %dma_start3A_241 = tpu.memref_squeeze %dma_start3A_240 : memref<1x79x128xi32, #tpu.memory_space<hbm>> -> memref<79x128xi32, #tpu.memory_space<hbm>>
          %dma_start3A_242 = arith.constant 0 : i32
          %dma_start3A_243 = tpu.memref_slice %dma_start3A_241[%add3A_217, %dma_start3A_242] : memref<79x128xi32, #tpu.memory_space<hbm>> -> memref<1x128xi32, #tpu.memory_space<hbm>>
          %dma_start3A_244 = tpu.memref_squeeze %dma_start3A_243 : memref<1x128xi32, #tpu.memory_space<hbm>> -> memref<128xi32, #tpu.memory_space<hbm>>
          tpu.enqueue_dma source(%dma_start3A_244 : memref<128xi32, #tpu.memory_space<hbm>>) target(%dma_start3A_237 : memref<128xi32, #tpu.memory_space<vmem>>) target_semaphore(%arg13 : memref<!tpu.dma_semaphore, #tpu.memory_space<semaphore_mem>>)
        } else {
        }
      } else {
      }
      %jit3A_160 = arith.constant 2 : i32
      %eq3A_161 = arith.constant 0 : i32
      %eq3A_162 = arith.cmpi eq, %jit3A_160, %eq3A_161 : i32
      %jit3A_163 = arith.constant 1 : i32
      %select_n3A_164 = arith.select %eq3A_162, %jit3A_163, %jit3A_160 : i32
      %rem3A_165 = arith.remsi %scan3A_146, %select_n3A_164 : i32
      %ne3A_166 = arith.constant 0 : i32
      %ne3A_167 = arith.cmpi ne, %rem3A_165, %ne3A_166 : i32
      %lt3A_168 = arith.constant 0 : i32
      %lt3A_169 = arith.cmpi slt, %rem3A_165, %lt3A_168 : i32
      %lt3A_170 = arith.constant 0 : i32
      %lt3A_171 = arith.cmpi slt, %select_n3A_164, %lt3A_170 : i32
      %ne3A_172 = arith.xori %lt3A_169, %lt3A_171 : i1
      %and3A_173 = arith.andi %ne3A_172, %ne3A_167 : i1
      %add3A_174 = arith.addi %rem3A_165, %select_n3A_164 : i32
      %select_n3A_175 = arith.select %and3A_173, %add3A_174, %rem3A_165 : i32
      %eq3A_176 = arith.constant 1 : i32
      %eq3A_177 = arith.cmpi eq, %select_n3A_175, %eq3A_176 : i32
      %convert_element_type3A_178 = arith.extui %eq3A_177 : i1 to i32
      %cond3A_179 = arith.constant 0 : i32
      %cond3A_180 = arith.cmpi ne, %convert_element_type3A_178, %cond3A_179 : i32
      scf.if %cond3A_180 {
        %dma_wait3A_182 = arith.constant 0 : i32
        %dma_wait3A_183 = tpu.memref_slice %arg6[%scan3A_146, %dma_wait3A_182] : memref<79x128xi32, #tpu.memory_space<vmem>> -> memref<1x128xi32, #tpu.memory_space<vmem>>
        %dma_wait3A_184 = tpu.memref_squeeze %dma_wait3A_183 : memref<1x128xi32, #tpu.memory_space<vmem>> -> memref<128xi32, #tpu.memory_space<vmem>>
        %dma_wait3A_185 = arith.constant 0 : i32
        %dma_wait3A_186 = arith.constant 0 : i32
        %dma_wait3A_187 = tpu.memref_slice %arg2[%dma_wait3A_185, %dma_wait3A_186] : memref<10000x128xf32, #tpu.memory_space<hbm>> -> memref<10000x128xf32, #tpu.memory_space<hbm>>
        tpu.wait_indirect_dma semaphore(%arg12 : memref<!tpu.dma_semaphore, #tpu.memory_space<semaphore_mem>>) src(%dma_wait3A_187 : memref<10000x128xf32, #tpu.memory_space<hbm>>) dst(%arg9 : memref<128x128xf32, #tpu.memory_space<vmem>>)
        %dma_wait3A_188 = arith.constant 1 : i32
        %dma_wait3A_189 = arith.constant 0 : i32
        %dma_wait3A_190 = tpu.memref_slice %arg7[%dma_wait3A_188, %dma_wait3A_189] : memref<2x128xi32, #tpu.memory_space<vmem>> -> memref<1x128xi32, #tpu.memory_space<vmem>>
        %dma_wait3A_191 = tpu.memref_squeeze %dma_wait3A_190 : memref<1x128xi32, #tpu.memory_space<vmem>> -> memref<128xi32, #tpu.memory_space<vmem>>
        %dma_wait3A_192 = arith.constant 0 : i32
        %dma_wait3A_193 = arith.constant 0 : i32
        %dma_wait3A_194 = tpu.memref_slice %arg4[%add3A, %dma_wait3A_192, %dma_wait3A_193] : memref<32x79x128xi32, #tpu.memory_space<hbm>> -> memref<1x79x128xi32, #tpu.memory_space<hbm>>
        %dma_wait3A_195 = tpu.memref_squeeze %dma_wait3A_194 : memref<1x79x128xi32, #tpu.memory_space<hbm>> -> memref<79x128xi32, #tpu.memory_space<hbm>>
        %dma_wait3A_196 = arith.constant 0 : i32
        %dma_wait3A_197 = tpu.memref_slice %dma_wait3A_195[%scan3A_146, %dma_wait3A_196] : memref<79x128xi32, #tpu.memory_space<hbm>> -> memref<1x128xi32, #tpu.memory_space<hbm>>
        %dma_wait3A_198 = tpu.memref_squeeze %dma_wait3A_197 : memref<1x128xi32, #tpu.memory_space<hbm>> -> memref<128xi32, #tpu.memory_space<hbm>>
        %dma_wait3A_199 = arith.constant 0 : i32
        %dma_wait3A_200 = tpu.memref_slice %arg7[%dma_wait3A_188, %dma_wait3A_199] : memref<2x128xi32, #tpu.memory_space<vmem>> -> memref<1x128xi32, #tpu.memory_space<vmem>>
        %dma_wait3A_201 = tpu.memref_squeeze %dma_wait3A_200 : memref<1x128xi32, #tpu.memory_space<vmem>> -> memref<128xi32, #tpu.memory_space<vmem>>
        %dma_wait3A_202 = arith.constant 0 : i32
        %dma_wait3A_203 = arith.constant 0 : i32
        %dma_wait3A_204 = tpu.memref_slice %arg4[%add3A, %dma_wait3A_202, %dma_wait3A_203] : memref<32x79x128xi32, #tpu.memory_space<hbm>> -> memref<1x79x128xi32, #tpu.memory_space<hbm>>
        %dma_wait3A_205 = tpu.memref_squeeze %dma_wait3A_204 : memref<1x79x128xi32, #tpu.memory_space<hbm>> -> memref<79x128xi32, #tpu.memory_space<hbm>>
        %dma_wait3A_206 = arith.constant 0 : i32
        %dma_wait3A_207 = tpu.memref_slice %dma_wait3A_205[%scan3A_146, %dma_wait3A_206] : memref<79x128xi32, #tpu.memory_space<hbm>> -> memref<1x128xi32, #tpu.memory_space<hbm>>
        %dma_wait3A_208 = tpu.memref_squeeze %dma_wait3A_207 : memref<1x128xi32, #tpu.memory_space<hbm>> -> memref<128xi32, #tpu.memory_space<hbm>>
        tpu.wait_dma2 semaphore(%arg14 : memref<!tpu.dma_semaphore, #tpu.memory_space<semaphore_mem>>) src(%dma_wait3A_208 : memref<128xi32, #tpu.memory_space<hbm>>) dst(%dma_wait3A_201 : memref<128xi32, #tpu.memory_space<vmem>>)
        %run_scoped3A = arith.constant 1 : i32
        "tpu.region"() ({
          %run_scoped3A_216 = tpu.sem_alloc : memref<!tpu.dma_semaphore, #tpu.memory_space<semaphore_mem>>
          %dma_start3A_217 = arith.constant 0 : i32
          %dma_start3A_218 = tpu.memref_slice %arg7[%run_scoped3A, %dma_start3A_217] : memref<2x128xi32, #tpu.memory_space<vmem>> -> memref<1x128xi32, #tpu.memory_space<vmem>>
          %dma_start3A_219 = tpu.memref_squeeze %dma_start3A_218 : memref<1x128xi32, #tpu.memory_space<vmem>> -> memref<128xi32, #tpu.memory_space<vmem>>
          %dma_start3A_220 = arith.constant 0 : i32
          %dma_start3A_221 = arith.constant 0 : i32
          %dma_start3A_222 = tpu.memref_slice %arg10[%dma_start3A_220, %dma_start3A_221] : memref<10112x128xf32, #tpu.memory_space<vmem_shared>> -> memref<10112x128xf32, #tpu.memory_space<vmem_shared>>
          tpu.enqueue_indirect_dma source(%arg9 : memref<128x128xf32, #tpu.memory_space<vmem>>) target(%dma_start3A_222 : memref<10112x128xf32, #tpu.memory_space<vmem_shared>>) offsets(%dma_start3A_219 : memref<128xi32, #tpu.memory_space<vmem>>) semaphore(%run_scoped3A_216 : memref<!tpu.dma_semaphore, #tpu.memory_space<semaphore_mem>>) {add = true}
          %dma_wait3A_223 = arith.constant 0 : i32
          %dma_wait3A_224 = tpu.memref_slice %arg7[%run_scoped3A, %dma_wait3A_223] : memref<2x128xi32, #tpu.memory_space<vmem>> -> memref<1x128xi32, #tpu.memory_space<vmem>>
          %dma_wait3A_225 = tpu.memref_squeeze %dma_wait3A_224 : memref<1x128xi32, #tpu.memory_space<vmem>> -> memref<128xi32, #tpu.memory_space<vmem>>
          %dma_wait3A_226 = arith.constant 0 : i32
          %dma_wait3A_227 = arith.constant 0 : i32
          %dma_wait3A_228 = tpu.memref_slice %arg10[%dma_wait3A_226, %dma_wait3A_227] : memref<10112x128xf32, #tpu.memory_space<vmem_shared>> -> memref<10112x128xf32, #tpu.memory_space<vmem_shared>>
          tpu.wait_indirect_dma semaphore(%run_scoped3A_216 : memref<!tpu.dma_semaphore, #tpu.memory_space<semaphore_mem>>) src(%arg9 : memref<128x128xf32, #tpu.memory_space<vmem>>) dst(%dma_wait3A_228 : memref<10112x128xf32, #tpu.memory_space<vmem_shared>>)
          tpu.yield
        }) : () -> ()
        %add3A_209 = arith.constant 2 : i32
        %add3A_210 = arith.addi %scan3A_146, %add3A_209 : i32
        %lt3A_211 = arith.constant 79 : i32
        %lt3A_212 = arith.cmpi slt, %add3A_210, %lt3A_211 : i32
        %convert_element_type3A_213 = arith.extui %lt3A_212 : i1 to i32
        %cond3A_214 = arith.constant 0 : i32
        %cond3A_215 = arith.cmpi ne, %convert_element_type3A_213, %cond3A_214 : i32
        scf.if %cond3A_215 {
          %add3A_216 = arith.constant 2 : i32
          %add3A_217 = arith.addi %scan3A_146, %add3A_216 : i32
          %dma_start3A_218 = arith.constant 0 : i32
          %dma_start3A_219 = tpu.memref_slice %arg6[%add3A_217, %dma_start3A_218] : memref<79x128xi32, #tpu.memory_space<vmem>> -> memref<1x128xi32, #tpu.memory_space<vmem>>
          %dma_start3A_220 = tpu.memref_squeeze %dma_start3A_219 : memref<1x128xi32, #tpu.memory_space<vmem>> -> memref<128xi32, #tpu.memory_space<vmem>>
          %dma_start3A_221 = arith.constant 0 : i32
          %dma_start3A_222 = arith.constant 0 : i32
          %dma_start3A_223 = tpu.memref_slice %arg2[%dma_start3A_221, %dma_start3A_222] : memref<10000x128xf32, #tpu.memory_space<hbm>> -> memref<10000x128xf32, #tpu.memory_space<hbm>>
          tpu.enqueue_indirect_dma source(%dma_start3A_223 : memref<10000x128xf32, #tpu.memory_space<hbm>>) target(%arg9 : memref<128x128xf32, #tpu.memory_space<vmem>>) offsets(%dma_start3A_220 : memref<128xi32, #tpu.memory_space<vmem>>) semaphore(%arg12 : memref<!tpu.dma_semaphore, #tpu.memory_space<semaphore_mem>>)
          %dma_start3A_224 = arith.constant 1 : i32
          %dma_start3A_225 = arith.constant 0 : i32
          %dma_start3A_226 = tpu.memref_slice %arg7[%dma_start3A_224, %dma_start3A_225] : memref<2x128xi32, #tpu.memory_space<vmem>> -> memref<1x128xi32, #tpu.memory_space<vmem>>
          %dma_start3A_227 = tpu.memref_squeeze %dma_start3A_226 : memref<1x128xi32, #tpu.memory_space<vmem>> -> memref<128xi32, #tpu.memory_space<vmem>>
          %dma_start3A_228 = arith.constant 0 : i32
          %dma_start3A_229 = arith.constant 0 : i32
          %dma_start3A_230 = tpu.memref_slice %arg4[%add3A, %dma_start3A_228, %dma_start3A_229] : memref<32x79x128xi32, #tpu.memory_space<hbm>> -> memref<1x79x128xi32, #tpu.memory_space<hbm>>
          %dma_start3A_231 = tpu.memref_squeeze %dma_start3A_230 : memref<1x79x128xi32, #tpu.memory_space<hbm>> -> memref<79x128xi32, #tpu.memory_space<hbm>>
          %dma_start3A_232 = arith.constant 0 : i32
          %dma_start3A_233 = tpu.memref_slice %dma_start3A_231[%add3A_217, %dma_start3A_232] : memref<79x128xi32, #tpu.memory_space<hbm>> -> memref<1x128xi32, #tpu.memory_space<hbm>>
          %dma_start3A_234 = tpu.memref_squeeze %dma_start3A_233 : memref<1x128xi32, #tpu.memory_space<hbm>> -> memref<128xi32, #tpu.memory_space<hbm>>
          %dma_start3A_235 = arith.constant 0 : i32
          %dma_start3A_236 = tpu.memref_slice %arg7[%dma_start3A_224, %dma_start3A_235] : memref<2x128xi32, #tpu.memory_space<vmem>> -> memref<1x128xi32, #tpu.memory_space<vmem>>
          %dma_start3A_237 = tpu.memref_squeeze %dma_start3A_236 : memref<1x128xi32, #tpu.memory_space<vmem>> -> memref<128xi32, #tpu.memory_space<vmem>>
          %dma_start3A_238 = arith.constant 0 : i32
          %dma_start3A_239 = arith.constant 0 : i32
          %dma_start3A_240 = tpu.memref_slice %arg4[%add3A, %dma_start3A_238, %dma_start3A_239] : memref<32x79x128xi32, #tpu.memory_space<hbm>> -> memref<1x79x128xi32, #tpu.memory_space<hbm>>
          %dma_start3A_241 = tpu.memref_squeeze %dma_start3A_240 : memref<1x79x128xi32, #tpu.memory_space<hbm>> -> memref<79x128xi32, #tpu.memory_space<hbm>>
          %dma_start3A_242 = arith.constant 0 : i32
          %dma_start3A_243 = tpu.memref_slice %dma_start3A_241[%add3A_217, %dma_start3A_242] : memref<79x128xi32, #tpu.memory_space<hbm>> -> memref<1x128xi32, #tpu.memory_space<hbm>>
          %dma_start3A_244 = tpu.memref_squeeze %dma_start3A_243 : memref<1x128xi32, #tpu.memory_space<hbm>> -> memref<128xi32, #tpu.memory_space<hbm>>
          tpu.enqueue_dma source(%dma_start3A_244 : memref<128xi32, #tpu.memory_space<hbm>>) target(%dma_start3A_237 : memref<128xi32, #tpu.memory_space<vmem>>) target_semaphore(%arg14 : memref<!tpu.dma_semaphore, #tpu.memory_space<semaphore_mem>>)
        } else {
        }
      } else {
      }
      %scan3A_181 = arith.constant 0 : i32
      scf.yield %scan3A_181 : i32
    }
    %scan3A_144 = arith.constant 79 : i32
    %barrier3A_145 = arith.constant 0 : index
    tpu.barrier barrier_id(%barrier3A_145)
    "tpu.region"() ({
      %run_scoped3A = tpu.sem_alloc : memref<!tpu.dma_semaphore, #tpu.memory_space<semaphore_mem>>
      %dma_start3A_146 = arith.constant 0 : i32
      %dma_start3A_147 = arith.constant 0 : i32
      %dma_start3A_148 = tpu.memref_slice %arg5[%arg0, %dma_start3A_146, %dma_start3A_147] : memref<2x10112x128xf32, #tpu.memory_space<hbm>> -> memref<1x10112x128xf32, #tpu.memory_space<hbm>>
      %dma_start3A_149 = tpu.memref_squeeze %dma_start3A_148 : memref<1x10112x128xf32, #tpu.memory_space<hbm>> -> memref<10112x128xf32, #tpu.memory_space<hbm>>
      %dma_start3A_150 = arith.constant 0 : i32
      %dma_start3A_151 = tpu.memref_slice %dma_start3A_149[%mul3A_37, %dma_start3A_150] : memref<10112x128xf32, #tpu.memory_space<hbm>> -> memref<632x128xf32, #tpu.memory_space<hbm>>
      %dma_start3A_152 = arith.constant 0 : i32
      %dma_start3A_153 = tpu.memref_slice %arg10[%mul3A_37, %dma_start3A_152] : memref<10112x128xf32, #tpu.memory_space<vmem_shared>> -> memref<632x128xf32, #tpu.memory_space<vmem_shared>>
      tpu.enqueue_dma source(%dma_start3A_153 : memref<632x128xf32, #tpu.memory_space<vmem_shared>>) target(%dma_start3A_151 : memref<632x128xf32, #tpu.memory_space<hbm>>) target_semaphore(%run_scoped3A : memref<!tpu.dma_semaphore, #tpu.memory_space<semaphore_mem>>)
      %dma_wait3A_154 = arith.constant 0 : i32
      %dma_wait3A_155 = arith.constant 0 : i32
      %dma_wait3A_156 = tpu.memref_slice %arg5[%arg0, %dma_wait3A_154, %dma_wait3A_155] : memref<2x10112x128xf32, #tpu.memory_space<hbm>> -> memref<1x10112x128xf32, #tpu.memory_space<hbm>>
      %dma_wait3A_157 = tpu.memref_squeeze %dma_wait3A_156 : memref<1x10112x128xf32, #tpu.memory_space<hbm>> -> memref<10112x128xf32, #tpu.memory_space<hbm>>
      %dma_wait3A_158 = arith.constant 0 : i32
      %dma_wait3A_159 = tpu.memref_slice %dma_wait3A_157[%mul3A_37, %dma_wait3A_158] : memref<10112x128xf32, #tpu.memory_space<hbm>> -> memref<632x128xf32, #tpu.memory_space<hbm>>
      %dma_wait3A_160 = arith.constant 0 : i32
      %dma_wait3A_161 = tpu.memref_slice %arg10[%mul3A_37, %dma_wait3A_160] : memref<10112x128xf32, #tpu.memory_space<vmem_shared>> -> memref<632x128xf32, #tpu.memory_space<vmem_shared>>
      tpu.wait_dma2 semaphore(%run_scoped3A : memref<!tpu.dma_semaphore, #tpu.memory_space<semaphore_mem>>) src(%dma_wait3A_161 : memref<632x128xf32, #tpu.memory_space<vmem_shared>>) dst(%dma_wait3A_159 : memref<632x128xf32, #tpu.memory_space<hbm>>)
      tpu.yield
    }) : () -> ()
    return
  }
}

module attributes {stable_mosaic.version = 14 : i64} {
  func.func @_pre_body(%arg0: i32, %arg1: memref<2x2048xf32, #tpu.memory_space<vmem>>, %arg2: memref<2048x128xf32, #tpu.memory_space<vmem>>, %arg3: memref<128x128xf32, #tpu.memory_space<vmem>>, %arg4: memref<2048x1xf32, #tpu.memory_space<vmem>>, %arg5: memref<2048x128xf32, #tpu.memory_space<vmem>>, %arg6: memref<2048x128xf32, #tpu.memory_space<vmem>>) attributes {dimension_semantics = [#tpu.dimension_semantics<arbitrary>], iteration_bounds = array<i64: 5>, scalar_prefetch = 0 : i64, scratch_operands = 0 : i64, tpu.core_type = #tpu.core_type<tc>, window_params = [{transform_indices = @transform_0, window_bounds = array<i64: 2, 2048>}, {transform_indices = @transform_1, window_bounds = array<i64: 2048, 128>}, {pipeline_mode = #tpu.pipeline_mode<synchronous>, transform_indices = @transform_2, window_bounds = array<i64: 128, 128>}, {transform_indices = @transform_3, window_bounds = array<i64: 2048, 1>}, {transform_indices = @transform_4, window_bounds = array<i64: 2048, 128>}, {transform_indices = @transform_5, window_bounds = array<i64: 2048, 128>}]} {
    %get3A = arith.constant 0 : index
    %get3A_0 = arith.constant 0 : index
    %get3A_1 = vector.load %arg1[%get3A, %get3A_0] : memref<2x2048xf32, #tpu.memory_space<vmem>>, vector<1x2048xf32>
    %get3A_2 = vector.shape_cast %get3A_1 : vector<1x2048xf32> to vector<2048xf32>
    %add3A = arith.constant 1.000000e+00 : f32
    %add3A_3 = vector.broadcast %add3A : f32 to vector<2048xf32>
    %add3A_4 = arith.addf %add3A_3, %get3A_2 : vector<2048xf32>
    %get3A_5 = arith.constant 1 : index
    %get3A_6 = arith.constant 0 : index
    %get3A_7 = vector.load %arg1[%get3A_5, %get3A_6] : memref<2x2048xf32, #tpu.memory_space<vmem>>, vector<1x2048xf32>
    %get3A_8 = vector.shape_cast %get3A_7 : vector<1x2048xf32> to vector<2048xf32>
    %add3A_9 = arith.addf %add3A_4, %get3A_8 : vector<2048xf32>
    %rsqrt3A = math.rsqrt %add3A_9 : vector<2048xf32>
    %broadcast_in_dim3A = vector.shape_cast %rsqrt3A : vector<2048xf32> to vector<2048x1xf32>
    %get3A_10 = arith.constant 0 : index
    %get3A_11 = arith.constant 0 : index
    %get3A_12 = vector.load %arg2[%get3A_10, %get3A_11] : memref<2048x128xf32, #tpu.memory_space<vmem>>, vector<2048x128xf32>
    %get3A_13 = arith.constant 0 : index
    %get3A_14 = arith.constant 0 : index
    %get3A_15 = vector.load %arg3[%get3A_13, %get3A_14] : memref<128x128xf32, #tpu.memory_space<vmem>>, vector<128x128xf32>
    %dot_general3A = arith.constant dense<0.000000e+00> : vector<2048x128xf32>
    %dot_general3A_16 = tpu.matmul %get3A_12, %get3A_15, %dot_general3A {dimension_numbers = #tpu.dot_dimension_numbers<[1], [0], [0], [1], [0, 0, 1, 1], [], []>, transpose_lhs_hint = false} : vector<2048x128xf32>, vector<128x128xf32>, vector<2048x128xf32> -> vector<2048x128xf32>
    %swap3A = arith.constant 0 : index
    %swap3A_17 = arith.constant 0 : index
    %swap3A_18 = vector.load %arg4[%swap3A, %swap3A_17] : memref<2048x1xf32, #tpu.memory_space<vmem>>, vector<2048x1xf32>
    tpu.vector_store %arg4[%swap3A, %swap3A_17], %broadcast_in_dim3A {strides = array<i32>} : memref<2048x1xf32, #tpu.memory_space<vmem>>, vector<2048x1xf32>,
    %swap3A_19 = arith.constant 0 : index
    %swap3A_20 = arith.constant 0 : index
    %swap3A_21 = vector.load %arg5[%swap3A_19, %swap3A_20] : memref<2048x128xf32, #tpu.memory_space<vmem>>, vector<2048x128xf32>
    tpu.vector_store %arg5[%swap3A_19, %swap3A_20], %dot_general3A_16 {strides = array<i32>} : memref<2048x128xf32, #tpu.memory_space<vmem>>, vector<2048x128xf32>,
    %mul3A = vector.broadcast %broadcast_in_dim3A : vector<2048x1xf32> to vector<2048x128xf32>
    %mul3A_22 = arith.mulf %dot_general3A_16, %mul3A : vector<2048x128xf32>
    %swap3A_23 = arith.constant 0 : index
    %swap3A_24 = arith.constant 0 : index
    %swap3A_25 = vector.load %arg6[%swap3A_23, %swap3A_24] : memref<2048x128xf32, #tpu.memory_space<vmem>>, vector<2048x128xf32>
    tpu.vector_store %arg6[%swap3A_23, %swap3A_24], %mul3A_22 {strides = array<i32>} : memref<2048x128xf32, #tpu.memory_space<vmem>>, vector<2048x128xf32>,
    return
  }
  func.func @transform_0(%arg0: i32) -> (i32, i32) {
    %c0_i32 = arith.constant 0 : i32
    %c0_i32_0 = arith.constant 0 : i32
    return %c0_i32, %arg0 : i32, i32
  }
  func.func @transform_1(%arg0: i32) -> (i32, i32) {
    %c0_i32 = arith.constant 0 : i32
    %c0_i32_0 = arith.constant 0 : i32
    return %arg0, %c0_i32 : i32, i32
  }
  func.func @transform_2(%arg0: i32) -> (i32, i32) {
    %c0_i32 = arith.constant 0 : i32
    %c0_i32_0 = arith.constant 0 : i32
    %c0_i32_1 = arith.constant 0 : i32
    return %c0_i32, %c0_i32_0 : i32, i32
  }
  func.func @transform_3(%arg0: i32) -> (i32, i32) {
    %c0_i32 = arith.constant 0 : i32
    %c0_i32_0 = arith.constant 0 : i32
    return %arg0, %c0_i32 : i32, i32
  }
  func.func @transform_4(%arg0: i32) -> (i32, i32) {
    %c0_i32 = arith.constant 0 : i32
    %c0_i32_0 = arith.constant 0 : i32
    return %arg0, %c0_i32 : i32, i32
  }
  func.func @transform_5(%arg0: i32) -> (i32, i32) {
    %c0_i32 = arith.constant 0 : i32
    %c0_i32_0 = arith.constant 0 : i32
    return %arg0, %c0_i32 : i32, i32
  }
}

module attributes {stable_mosaic.version = 14 : i64} {
  func.func @_layer1_body(%arg0: i32, %arg1: memref<2x2048x128xf32, #tpu.memory_space<vmem>>, %arg2: memref<2048x128xf32, #tpu.memory_space<vmem>>, %arg3: memref<2048x1xf32, #tpu.memory_space<vmem>>, %arg4: memref<1x128xf32, #tpu.memory_space<vmem>>, %arg5: memref<2048x128xf32, #tpu.memory_space<vmem>>, %arg6: memref<2048x128xf32, #tpu.memory_space<vmem>>) attributes {dimension_semantics = [#tpu.dimension_semantics<arbitrary>], iteration_bounds = array<i64: 5>, scalar_prefetch = 0 : i64, scratch_operands = 0 : i64, tpu.core_type = #tpu.core_type<tc>, window_params = [{transform_indices = @transform_0, window_bounds = array<i64: 2, 2048, 128>}, {transform_indices = @transform_1, window_bounds = array<i64: 2048, 128>}, {transform_indices = @transform_2, window_bounds = array<i64: 2048, 1>}, {pipeline_mode = #tpu.pipeline_mode<synchronous>, transform_indices = @transform_3, window_bounds = array<i64: 1, 128>}, {transform_indices = @transform_4, window_bounds = array<i64: 2048, 128>}, {transform_indices = @transform_5, window_bounds = array<i64: 2048, 128>}]} {
    %get3A = arith.constant 0 : index
    %get3A_0 = arith.constant 0 : index
    %get3A_1 = vector.load %arg3[%get3A, %get3A_0] : memref<2048x1xf32, #tpu.memory_space<vmem>>, vector<2048x1xf32>
    %get3A_2 = arith.constant 0 : index
    %get3A_3 = arith.constant 0 : index
    %get3A_4 = arith.constant 0 : index
    %get3A_5 = vector.load %arg1[%get3A_2, %get3A_3, %get3A_4] : memref<2x2048x128xf32, #tpu.memory_space<vmem>>, vector<1x2048x128xf32>
    %get3A_6 = vector.shape_cast %get3A_5 : vector<1x2048x128xf32> to vector<2048x128xf32>
    %get3A_7 = arith.constant 1 : index
    %get3A_8 = arith.constant 0 : index
    %get3A_9 = arith.constant 0 : index
    %get3A_10 = vector.load %arg1[%get3A_7, %get3A_8, %get3A_9] : memref<2x2048x128xf32, #tpu.memory_space<vmem>>, vector<1x2048x128xf32>
    %get3A_11 = vector.shape_cast %get3A_10 : vector<1x2048x128xf32> to vector<2048x128xf32>
    %add3A = arith.addf %get3A_6, %get3A_11 : vector<2048x128xf32>
    %mul3A = vector.broadcast %get3A_1 : vector<2048x1xf32> to vector<2048x128xf32>
    %mul3A_12 = arith.mulf %mul3A, %add3A : vector<2048x128xf32>
    %mul3A_13 = arith.mulf %get3A_1, %get3A_1 : vector<2048x1xf32>
    %get3A_14 = arith.constant 0 : index
    %get3A_15 = arith.constant 0 : index
    %get3A_16 = vector.load %arg2[%get3A_14, %get3A_15] : memref<2048x128xf32, #tpu.memory_space<vmem>>, vector<2048x128xf32>
    %mul3A_17 = vector.broadcast %mul3A_13 : vector<2048x1xf32> to vector<2048x128xf32>
    %mul3A_18 = arith.mulf %mul3A_17, %get3A_16 : vector<2048x128xf32>
    %add3A_19 = arith.addf %mul3A_12, %mul3A_18 : vector<2048x128xf32>
    %get3A_20 = arith.constant 0 : index
    %get3A_21 = arith.constant 0 : index
    %get3A_22 = vector.load %arg4[%get3A_20, %get3A_21] : memref<1x128xf32, #tpu.memory_space<vmem>>, vector<1x128xf32>
    %add3A_23 = vector.broadcast %get3A_22 : vector<1x128xf32> to vector<2048x128xf32>
    %add3A_24 = arith.addf %add3A_19, %add3A_23 : vector<2048x128xf32>
    %max3A = arith.constant 0.000000e+00 : f32
    %max3A_25 = vector.broadcast %max3A : f32 to vector<2048x128xf32>
    %max3A_26 = arith.maximumf %add3A_24, %max3A_25 : vector<2048x128xf32>
    %swap3A = arith.constant 0 : index
    %swap3A_27 = arith.constant 0 : index
    %swap3A_28 = vector.load %arg5[%swap3A, %swap3A_27] : memref<2048x128xf32, #tpu.memory_space<vmem>>, vector<2048x128xf32>
    tpu.vector_store %arg5[%swap3A, %swap3A_27], %max3A_26 {strides = array<i32>} : memref<2048x128xf32, #tpu.memory_space<vmem>>, vector<2048x128xf32>,
    %mul3A_29 = vector.broadcast %get3A_1 : vector<2048x1xf32> to vector<2048x128xf32>
    %mul3A_30 = arith.mulf %max3A_26, %mul3A_29 : vector<2048x128xf32>
    %swap3A_31 = arith.constant 0 : index
    %swap3A_32 = arith.constant 0 : index
    %swap3A_33 = vector.load %arg6[%swap3A_31, %swap3A_32] : memref<2048x128xf32, #tpu.memory_space<vmem>>, vector<2048x128xf32>
    tpu.vector_store %arg6[%swap3A_31, %swap3A_32], %mul3A_30 {strides = array<i32>} : memref<2048x128xf32, #tpu.memory_space<vmem>>, vector<2048x128xf32>,
    return
  }
  func.func @transform_0(%arg0: i32) -> (i32, i32, i32) {
    %c0_i32 = arith.constant 0 : i32
    %c0_i32_0 = arith.constant 0 : i32
    %c0_i32_1 = arith.constant 0 : i32
    return %c0_i32, %arg0, %c0_i32_0 : i32, i32, i32
  }
  func.func @transform_1(%arg0: i32) -> (i32, i32) {
    %c0_i32 = arith.constant 0 : i32
    %c0_i32_0 = arith.constant 0 : i32
    return %arg0, %c0_i32 : i32, i32
  }
  func.func @transform_2(%arg0: i32) -> (i32, i32) {
    %c0_i32 = arith.constant 0 : i32
    %c0_i32_0 = arith.constant 0 : i32
    return %arg0, %c0_i32 : i32, i32
  }
  func.func @transform_3(%arg0: i32) -> (i32, i32) {
    %c0_i32 = arith.constant 0 : i32
    %c0_i32_0 = arith.constant 0 : i32
    %c0_i32_1 = arith.constant 0 : i32
    return %c0_i32, %c0_i32_0 : i32, i32
  }
  func.func @transform_4(%arg0: i32) -> (i32, i32) {
    %c0_i32 = arith.constant 0 : i32
    %c0_i32_0 = arith.constant 0 : i32
    return %arg0, %c0_i32 : i32, i32
  }
  func.func @transform_5(%arg0: i32) -> (i32, i32) {
    %c0_i32 = arith.constant 0 : i32
    %c0_i32_0 = arith.constant 0 : i32
    return %arg0, %c0_i32 : i32, i32
  }
}

module attributes {stable_mosaic.version = 14 : i64} {
  func.func @_layer_body(%arg0: i32, %arg1: memref<2x2048x128xf32, #tpu.memory_space<vmem>>, %arg2: memref<2048x128xf32, #tpu.memory_space<vmem>>, %arg3: memref<2048x1xf32, #tpu.memory_space<vmem>>, %arg4: memref<128x128xf32, #tpu.memory_space<vmem>>, %arg5: memref<1x128xf32, #tpu.memory_space<vmem>>, %arg6: memref<2048x128xf32, #tpu.memory_space<vmem>>, %arg7: memref<2048x128xf32, #tpu.memory_space<vmem>>) attributes {dimension_semantics = [#tpu.dimension_semantics<arbitrary>], iteration_bounds = array<i64: 5>, scalar_prefetch = 0 : i64, scratch_operands = 0 : i64, tpu.core_type = #tpu.core_type<tc>, window_params = [{transform_indices = @transform_0, window_bounds = array<i64: 2, 2048, 128>}, {transform_indices = @transform_1, window_bounds = array<i64: 2048, 128>}, {transform_indices = @transform_2, window_bounds = array<i64: 2048, 1>}, {pipeline_mode = #tpu.pipeline_mode<synchronous>, transform_indices = @transform_3, window_bounds = array<i64: 128, 128>}, {pipeline_mode = #tpu.pipeline_mode<synchronous>, transform_indices = @transform_4, window_bounds = array<i64: 1, 128>}, {transform_indices = @transform_5, window_bounds = array<i64: 2048, 128>}, {transform_indices = @transform_6, window_bounds = array<i64: 2048, 128>}]} {
    %get3A = arith.constant 0 : index
    %get3A_0 = arith.constant 0 : index
    %get3A_1 = vector.load %arg3[%get3A, %get3A_0] : memref<2048x1xf32, #tpu.memory_space<vmem>>, vector<2048x1xf32>
    %get3A_2 = arith.constant 0 : index
    %get3A_3 = arith.constant 0 : index
    %get3A_4 = arith.constant 0 : index
    %get3A_5 = vector.load %arg1[%get3A_2, %get3A_3, %get3A_4] : memref<2x2048x128xf32, #tpu.memory_space<vmem>>, vector<1x2048x128xf32>
    %get3A_6 = vector.shape_cast %get3A_5 : vector<1x2048x128xf32> to vector<2048x128xf32>
    %get3A_7 = arith.constant 1 : index
    %get3A_8 = arith.constant 0 : index
    %get3A_9 = arith.constant 0 : index
    %get3A_10 = vector.load %arg1[%get3A_7, %get3A_8, %get3A_9] : memref<2x2048x128xf32, #tpu.memory_space<vmem>>, vector<1x2048x128xf32>
    %get3A_11 = vector.shape_cast %get3A_10 : vector<1x2048x128xf32> to vector<2048x128xf32>
    %add3A = arith.addf %get3A_6, %get3A_11 : vector<2048x128xf32>
    %mul3A = vector.broadcast %get3A_1 : vector<2048x1xf32> to vector<2048x128xf32>
    %mul3A_12 = arith.mulf %mul3A, %add3A : vector<2048x128xf32>
    %mul3A_13 = arith.mulf %get3A_1, %get3A_1 : vector<2048x1xf32>
    %get3A_14 = arith.constant 0 : index
    %get3A_15 = arith.constant 0 : index
    %get3A_16 = vector.load %arg2[%get3A_14, %get3A_15] : memref<2048x128xf32, #tpu.memory_space<vmem>>, vector<2048x128xf32>
    %mul3A_17 = vector.broadcast %mul3A_13 : vector<2048x1xf32> to vector<2048x128xf32>
    %mul3A_18 = arith.mulf %mul3A_17, %get3A_16 : vector<2048x128xf32>
    %add3A_19 = arith.addf %mul3A_12, %mul3A_18 : vector<2048x128xf32>
    %get3A_20 = arith.constant 0 : index
    %get3A_21 = arith.constant 0 : index
    %get3A_22 = vector.load %arg4[%get3A_20, %get3A_21] : memref<128x128xf32, #tpu.memory_space<vmem>>, vector<128x128xf32>
    %dot_general3A = arith.constant dense<0.000000e+00> : vector<2048x128xf32>
    %dot_general3A_23 = tpu.matmul %add3A_19, %get3A_22, %dot_general3A {dimension_numbers = #tpu.dot_dimension_numbers<[1], [0], [0], [1], [0, 0, 1, 1], [], []>, transpose_lhs_hint = false} : vector<2048x128xf32>, vector<128x128xf32>, vector<2048x128xf32> -> vector<2048x128xf32>
    %get3A_24 = arith.constant 0 : index
    %get3A_25 = arith.constant 0 : index
    %get3A_26 = vector.load %arg5[%get3A_24, %get3A_25] : memref<1x128xf32, #tpu.memory_space<vmem>>, vector<1x128xf32>
    %add3A_27 = vector.broadcast %get3A_26 : vector<1x128xf32> to vector<2048x128xf32>
    %add3A_28 = arith.addf %dot_general3A_23, %add3A_27 : vector<2048x128xf32>
    %max3A = arith.constant 0.000000e+00 : f32
    %max3A_29 = vector.broadcast %max3A : f32 to vector<2048x128xf32>
    %max3A_30 = arith.maximumf %add3A_28, %max3A_29 : vector<2048x128xf32>
    %swap3A = arith.constant 0 : index
    %swap3A_31 = arith.constant 0 : index
    %swap3A_32 = vector.load %arg6[%swap3A, %swap3A_31] : memref<2048x128xf32, #tpu.memory_space<vmem>>, vector<2048x128xf32>
    tpu.vector_store %arg6[%swap3A, %swap3A_31], %max3A_30 {strides = array<i32>} : memref<2048x128xf32, #tpu.memory_space<vmem>>, vector<2048x128xf32>,
    %mul3A_33 = vector.broadcast %get3A_1 : vector<2048x1xf32> to vector<2048x128xf32>
    %mul3A_34 = arith.mulf %max3A_30, %mul3A_33 : vector<2048x128xf32>
    %swap3A_35 = arith.constant 0 : index
    %swap3A_36 = arith.constant 0 : index
    %swap3A_37 = vector.load %arg7[%swap3A_35, %swap3A_36] : memref<2048x128xf32, #tpu.memory_space<vmem>>, vector<2048x128xf32>
    tpu.vector_store %arg7[%swap3A_35, %swap3A_36], %mul3A_34 {strides = array<i32>} : memref<2048x128xf32, #tpu.memory_space<vmem>>, vector<2048x128xf32>,
    return
  }
  func.func @transform_0(%arg0: i32) -> (i32, i32, i32) {
    %c0_i32 = arith.constant 0 : i32
    %c0_i32_0 = arith.constant 0 : i32
    %c0_i32_1 = arith.constant 0 : i32
    return %c0_i32, %arg0, %c0_i32_0 : i32, i32, i32
  }
  func.func @transform_1(%arg0: i32) -> (i32, i32) {
    %c0_i32 = arith.constant 0 : i32
    %c0_i32_0 = arith.constant 0 : i32
    return %arg0, %c0_i32 : i32, i32
  }
  func.func @transform_2(%arg0: i32) -> (i32, i32) {
    %c0_i32 = arith.constant 0 : i32
    %c0_i32_0 = arith.constant 0 : i32
    return %arg0, %c0_i32 : i32, i32
  }
  func.func @transform_3(%arg0: i32) -> (i32, i32) {
    %c0_i32 = arith.constant 0 : i32
    %c0_i32_0 = arith.constant 0 : i32
    %c0_i32_1 = arith.constant 0 : i32
    return %c0_i32, %c0_i32_0 : i32, i32
  }
  func.func @transform_4(%arg0: i32) -> (i32, i32) {
    %c0_i32 = arith.constant 0 : i32
    %c0_i32_0 = arith.constant 0 : i32
    %c0_i32_1 = arith.constant 0 : i32
    return %c0_i32, %c0_i32_0 : i32, i32
  }
  func.func @transform_5(%arg0: i32) -> (i32, i32) {
    %c0_i32 = arith.constant 0 : i32
    %c0_i32_0 = arith.constant 0 : i32
    return %arg0, %c0_i32 : i32, i32
  }
  func.func @transform_6(%arg0: i32) -> (i32, i32) {
    %c0_i32 = arith.constant 0 : i32
    %c0_i32_0 = arith.constant 0 : i32
    return %arg0, %c0_i32 : i32, i32
  }
}

module attributes {stable_mosaic.version = 14 : i64} {
  func.func @_head_body(%arg0: i32, %arg1: memref<2x2048x128xf32, #tpu.memory_space<vmem>>, %arg2: memref<2048x128xf32, #tpu.memory_space<vmem>>, %arg3: memref<2048x1xf32, #tpu.memory_space<vmem>>, %arg4: memref<128x64xf32, #tpu.memory_space<vmem>>, %arg5: memref<1x64xf32, #tpu.memory_space<vmem>>, %arg6: memref<128x64xf32, #tpu.memory_space<vmem>>, %arg7: memref<1x64xf32, #tpu.memory_space<vmem>>, %arg8: memref<2048x64xf32, #tpu.memory_space<vmem>>, %arg9: memref<2048x64xf32, #tpu.memory_space<vmem>>) attributes {dimension_semantics = [#tpu.dimension_semantics<arbitrary>], iteration_bounds = array<i64: 5>, scalar_prefetch = 0 : i64, scratch_operands = 0 : i64, tpu.core_type = #tpu.core_type<tc>, window_params = [{transform_indices = @transform_0, window_bounds = array<i64: 2, 2048, 128>}, {transform_indices = @transform_1, window_bounds = array<i64: 2048, 128>}, {transform_indices = @transform_2, window_bounds = array<i64: 2048, 1>}, {pipeline_mode = #tpu.pipeline_mode<synchronous>, transform_indices = @transform_3, window_bounds = array<i64: 128, 64>}, {pipeline_mode = #tpu.pipeline_mode<synchronous>, transform_indices = @transform_4, window_bounds = array<i64: 1, 64>}, {pipeline_mode = #tpu.pipeline_mode<synchronous>, transform_indices = @transform_5, window_bounds = array<i64: 128, 64>}, {pipeline_mode = #tpu.pipeline_mode<synchronous>, transform_indices = @transform_6, window_bounds = array<i64: 1, 64>}, {transform_indices = @transform_7, window_bounds = array<i64: 2048, 64>}, {transform_indices = @transform_8, window_bounds = array<i64: 2048, 64>}]} {
    %get3A = arith.constant 0 : index
    %get3A_0 = arith.constant 0 : index
    %get3A_1 = vector.load %arg3[%get3A, %get3A_0] : memref<2048x1xf32, #tpu.memory_space<vmem>>, vector<2048x1xf32>
    %get3A_2 = arith.constant 0 : index
    %get3A_3 = arith.constant 0 : index
    %get3A_4 = arith.constant 0 : index
    %get3A_5 = vector.load %arg1[%get3A_2, %get3A_3, %get3A_4] : memref<2x2048x128xf32, #tpu.memory_space<vmem>>, vector<1x2048x128xf32>
    %get3A_6 = vector.shape_cast %get3A_5 : vector<1x2048x128xf32> to vector<2048x128xf32>
    %get3A_7 = arith.constant 1 : index
    %get3A_8 = arith.constant 0 : index
    %get3A_9 = arith.constant 0 : index
    %get3A_10 = vector.load %arg1[%get3A_7, %get3A_8, %get3A_9] : memref<2x2048x128xf32, #tpu.memory_space<vmem>>, vector<1x2048x128xf32>
    %get3A_11 = vector.shape_cast %get3A_10 : vector<1x2048x128xf32> to vector<2048x128xf32>
    %add3A = arith.addf %get3A_6, %get3A_11 : vector<2048x128xf32>
    %mul3A = vector.broadcast %get3A_1 : vector<2048x1xf32> to vector<2048x128xf32>
    %mul3A_12 = arith.mulf %mul3A, %add3A : vector<2048x128xf32>
    %mul3A_13 = arith.mulf %get3A_1, %get3A_1 : vector<2048x1xf32>
    %get3A_14 = arith.constant 0 : index
    %get3A_15 = arith.constant 0 : index
    %get3A_16 = vector.load %arg2[%get3A_14, %get3A_15] : memref<2048x128xf32, #tpu.memory_space<vmem>>, vector<2048x128xf32>
    %mul3A_17 = vector.broadcast %mul3A_13 : vector<2048x1xf32> to vector<2048x128xf32>
    %mul3A_18 = arith.mulf %mul3A_17, %get3A_16 : vector<2048x128xf32>
    %add3A_19 = arith.addf %mul3A_12, %mul3A_18 : vector<2048x128xf32>
    %get3A_20 = arith.constant 0 : index
    %get3A_21 = arith.constant 0 : index
    %get3A_22 = vector.load %arg4[%get3A_20, %get3A_21] : memref<128x64xf32, #tpu.memory_space<vmem>>, vector<128x64xf32>
    %dot_general3A = arith.constant dense<0.000000e+00> : vector<2048x64xf32>
    %dot_general3A_23 = tpu.matmul %add3A_19, %get3A_22, %dot_general3A {dimension_numbers = #tpu.dot_dimension_numbers<[1], [0], [0], [1], [0, 0, 1, 1], [], []>, transpose_lhs_hint = false} : vector<2048x128xf32>, vector<128x64xf32>, vector<2048x64xf32> -> vector<2048x64xf32>
    %get3A_24 = arith.constant 0 : index
    %get3A_25 = arith.constant 0 : index
    %get3A_26 = vector.load %arg5[%get3A_24, %get3A_25] : memref<1x64xf32, #tpu.memory_space<vmem>>, vector<1x64xf32>
    %add3A_27 = vector.broadcast %get3A_26 : vector<1x64xf32> to vector<2048x64xf32>
    %add3A_28 = arith.addf %dot_general3A_23, %add3A_27 : vector<2048x64xf32>
    %swap3A = arith.constant 0 : index
    %swap3A_29 = arith.constant 0 : index
    %swap3A_30 = vector.load %arg8[%swap3A, %swap3A_29] : memref<2048x64xf32, #tpu.memory_space<vmem>>, vector<2048x64xf32>
    tpu.vector_store %arg8[%swap3A, %swap3A_29], %add3A_28 {strides = array<i32>} : memref<2048x64xf32, #tpu.memory_space<vmem>>, vector<2048x64xf32>,
    %get3A_31 = arith.constant 0 : index
    %get3A_32 = arith.constant 0 : index
    %get3A_33 = vector.load %arg6[%get3A_31, %get3A_32] : memref<128x64xf32, #tpu.memory_space<vmem>>, vector<128x64xf32>
    %dot_general3A_34 = arith.constant dense<0.000000e+00> : vector<2048x64xf32>
    %dot_general3A_35 = tpu.matmul %add3A_19, %get3A_33, %dot_general3A_34 {dimension_numbers = #tpu.dot_dimension_numbers<[1], [0], [0], [1], [0, 0, 1, 1], [], []>, transpose_lhs_hint = false} : vector<2048x128xf32>, vector<128x64xf32>, vector<2048x64xf32> -> vector<2048x64xf32>
    %get3A_36 = arith.constant 0 : index
    %get3A_37 = arith.constant 0 : index
    %get3A_38 = vector.load %arg7[%get3A_36, %get3A_37] : memref<1x64xf32, #tpu.memory_space<vmem>>, vector<1x64xf32>
    %add3A_39 = vector.broadcast %get3A_38 : vector<1x64xf32> to vector<2048x64xf32>
    %add3A_40 = arith.addf %dot_general3A_35, %add3A_39 : vector<2048x64xf32>
    %swap3A_41 = arith.constant 0 : index
    %swap3A_42 = arith.constant 0 : index
    %swap3A_43 = vector.load %arg9[%swap3A_41, %swap3A_42] : memref<2048x64xf32, #tpu.memory_space<vmem>>, vector<2048x64xf32>
    tpu.vector_store %arg9[%swap3A_41, %swap3A_42], %add3A_40 {strides = array<i32>} : memref<2048x64xf32, #tpu.memory_space<vmem>>, vector<2048x64xf32>,
    return
  }
  func.func @transform_0(%arg0: i32) -> (i32, i32, i32) {
    %c0_i32 = arith.constant 0 : i32
    %c0_i32_0 = arith.constant 0 : i32
    %c0_i32_1 = arith.constant 0 : i32
    return %c0_i32, %arg0, %c0_i32_0 : i32, i32, i32
  }
  func.func @transform_1(%arg0: i32) -> (i32, i32) {
    %c0_i32 = arith.constant 0 : i32
    %c0_i32_0 = arith.constant 0 : i32
    return %arg0, %c0_i32 : i32, i32
  }
  func.func @transform_2(%arg0: i32) -> (i32, i32) {
    %c0_i32 = arith.constant 0 : i32
    %c0_i32_0 = arith.constant 0 : i32
    return %arg0, %c0_i32 : i32, i32
  }
  func.func @transform_3(%arg0: i32) -> (i32, i32) {
    %c0_i32 = arith.constant 0 : i32
    %c0_i32_0 = arith.constant 0 : i32
    %c0_i32_1 = arith.constant 0 : i32
    return %c0_i32, %c0_i32_0 : i32, i32
  }
  func.func @transform_4(%arg0: i32) -> (i32, i32) {
    %c0_i32 = arith.constant 0 : i32
    %c0_i32_0 = arith.constant 0 : i32
    %c0_i32_1 = arith.constant 0 : i32
    return %c0_i32, %c0_i32_0 : i32, i32
  }
  func.func @transform_5(%arg0: i32) -> (i32, i32) {
    %c0_i32 = arith.constant 0 : i32
    %c0_i32_0 = arith.constant 0 : i32
    %c0_i32_1 = arith.constant 0 : i32
    return %c0_i32, %c0_i32_0 : i32, i32
  }
  func.func @transform_6(%arg0: i32) -> (i32, i32) {
    %c0_i32 = arith.constant 0 : i32
    %c0_i32_0 = arith.constant 0 : i32
    %c0_i32_1 = arith.constant 0 : i32
    return %c0_i32, %c0_i32_0 : i32, i32
  }
  func.func @transform_7(%arg0: i32) -> (i32, i32) {
    %c0_i32 = arith.constant 0 : i32
    %c0_i32_0 = arith.constant 0 : i32
    return %arg0, %c0_i32 : i32, i32
  }
  func.func @transform_8(%arg0: i32) -> (i32, i32) {
    %c0_i32 = arith.constant 0 : i32
    %c0_i32_0 = arith.constant 0 : i32
    return %arg0, %c0_i32 : i32, i32
  }
}

</mosaic_0001>

<sc_bundles>
// kernel: kernel.10.cloned.1.call-start
scs
__scs_entry_jumppad:
0x0: {  	(pc) =	sbr.rel $0x88, $3  }
0x1: {  	(tag) =	ssettag $0x0;
	lr =	simm.s32 $0x1  }
0x2: {  	[smem:$0x3F97] =	sst lr;
	_ =	strace $0xD0000000  }
0x3: {  	_ = 	snop  }
0x4: {  	_ = 	snop  }
0x5: {  	_ = 	snop  }
0x6: {  	_ = 	snop  }
0x7: {  	_ = 	snop  }
__scs_overlays_trampoline_lowered:
0x8: {  	[smem:$0x3FA6] =	sst s0  }
0x9: {  	[smem:$0x3FA7] =	sst s1  }
0xa: {  	[smem:$0x3FA8] =	sst s2  }
0xb: {  	[smem:$0x3FA9] =	sst s3  }
0xc: {  	[smem:$0x3FAA] =	sst s4  }
0xd: {  	[smem:$0x3FAB] =	sst s5  }
0xe: {  	[smem:$0x3FAC] =	sst s6  }
0xf: {  	[smem:$0x3FAD] =	sst s7  }
0x10: {  	[smem:$0x3FAE] =	sst s8  }
0x11: {  	[smem:$0x3FAF] =	sst s9;
	s0 =	simm.s32 @!p0 $0x0  }
0x12: {  	s1 =	sld [smem:$0x3F95];
	s0 =	simm.s32 @p0 $0x1  }
0x13: {  	[smem:$0x3FB0] =	sst s0;
	s0 =	simm.s32 @!p1 $0x0  }
0x14: {  	s2 =	sld [smem:$0x3F94];
	s0 =	simm.s32 @p1 $0x1  }
0x15: {  	[smem:$0x3FB1] =	sst s0;
	s0 =	simm.s32 @!p2 $0x0  }
0x16: {  	s3 =	sld [smem:$0x3FDB];
	s0 =	simm.s32 @p2 $0x1  }
0x17: {  	s4 =	simm.s32 $0x1BF5;
	[smem:$0x3FB3] =	sst s0  }
0x18: {  	s0 =	sld [smem:$0x3F96];
	_ =	swait.ge [sflag:s4], $0x0  }
0x19: {  	s7 =	sld [smem:$0x3F97]  }
0x1a: {  	s8 =	sadd.s32 $0xFFFFE003, lr  }
0x1b: {  	s9 =	sadd.s32 $0xFFFFFEF7, lr;
	s5 =	simm.s32 $0xFFFFFFFF;
	p2 =	slt.u32 s8, $0xFFFFF086  }
0x1c: {  	p1 =	slt.u32 s9, $0xF7A;
	s5 =	simm.s32 @!p2 $0x0  }
0x1d: {  	s5 =	simm.s32 @p1 $0x1;
	p0 =	seq.s32 s7, s2  }
0x1e: {  	s7 =	smul.u32 @!p0 $0xF7A, s2;
	p2 =	seq.s32 @!p0 s5, $0x0  }
0x1f: {  	s9 =	smul.u32 $0xF7A, s1;
	s8 =	simm.s32 @!p0 $0x1BF5;
	p2 =	por !p2, p0  }
0x20: {  	[sflag:s8] =	ssyncset.s32 @!p0 $0xFFFFF086;
	s6 =	sadd.s32 @!p0 s3, s7;
	s7 =	simm.s32 @!p0 $0x108  }
0x21: {  	s3 =	sadd.s32 s3, s9;
	s6 =	sadd.s32 @!p0 $0x88, s6;
	s7 =	simm.s32 @p2 $0x1082  }
0x22: {  	[simem:s7], [sflag:s8] =	dma.local @!p0 [hbm:s6], $0xF7A  }
0x23: {  	s9 =	sor.u32 $0xD0000000, s2;
	s6 =	simm.s32 $0x108;
	_ =	swait.ge @!p0 [sflag:s8], $0x0  }
0x24: {  	s3 =	sadd.s32 $0x88, s3;
	s6 =	simm.s32 @!p1 $0x1082;
	[sflag:s4] =	ssyncset.s32 $0xFFFFF086  }
0x25: {  	[simem:s6], [sflag:s4] =	dma.local [hbm:s3], $0xF7A  }
0x26: {  	[smem:$0x3F97] =	sst s1;
	(tag) =	ssettag s2;
	_ =	strace s9  }
0x27: {  	s1 =	sld [smem:$0x3FA7]  }
0x28: {  	s2 =	sld [smem:$0x3FA8]  }
0x29: {  	s4 =	sld [smem:$0x3FAA]  }
0x2a: {  	p0 =	seq.s32 s5, $0x0;
	s5 =	sld [smem:$0x3FAB]  }
0x2b: {  	s6 =	sld [smem:$0x3FAC]  }
0x2c: {  	s7 =	sld [smem:$0x3FAD]  }
0x2d: {  	s3 =	simm.s32 $0x108;
	s8 =	sld [smem:$0x3FAE]  }
0x2e: {  	s3 =	simm.s32 @!p0 $0x1082;
	s9 =	sld [smem:$0x3FAF]  }
0x2f: {  	lr =	sadd.s32 s0, s3;
	s0 =	sld [smem:$0x3FA6]  }
0x30: {  	s3 =	sld [smem:$0x3FA9]  }
0x31: {  	[smem:$0x3FB2] =	sst s10  }
0x32: {  	s10 =	sld [smem:$0x3FB0];
	_ =	sdelay $0x3  }
0x33: {  	p0 =	seq.s32 s10, $0x1;
	s10 =	sld [smem:$0x3FB2];
	_ =	sdelay $0x3  }
0x34: {  	[smem:$0x3FB2] =	sst s10  }
0x35: {  	s10 =	sld [smem:$0x3FB1];
	_ =	sdelay $0x3  }
0x36: {  	p1 =	seq.s32 s10, $0x1;
	s10 =	sld [smem:$0x3FB2];
	_ =	sdelay $0x3  }
0x37: {  	[smem:$0x3FB2] =	sst s10  }
0x38: {  	s10 =	sld [smem:$0x3FB3]  }
0x39: {  	_ = 	snop;
	(pc) =	sbr.ind lr, $3  }
0x3a: {  	_ = 	snop  }
0x3b: {  	_ = 	snop  }
0x3c: {  	p2 =	seq.s32 s10, $0x1;
	s10 =	sld [smem:$0x3FB2]  }
0x3d: {  	_ =	shalt  }
0x3e: {  	_ =	shalt  }
0x3f: {  	_ =	shalt  }
0x40: {  	_ =	shalt  }
0x41: {  	_ =	shalt  }
0x42: {  	_ =	shalt  }
0x43: {  	_ =	shalt  }
0x44: {  	_ =	shalt  }
0x45: {  	_ =	shalt  }
0x46: {  	_ =	shalt  }
0x47: {  	_ =	shalt  }
0x48: {  	_ =	shalt  }
0x49: {  	_ =	shalt  }
0x4a: {  	_ =	shalt  }
0x4b: {  	_ =	shalt  }
0x4c: {  	_ =	shalt  }
0x4d: {  	_ =	shalt  }
0x4e: {  	_ =	shalt  }
0x4f: {  	_ =	shalt  }
0x50: {  	_ =	shalt  }
0x51: {  	_ =	shalt  }
0x52: {  	_ =	shalt  }
0x53: {  	_ =	shalt  }
0x54: {  	_ =	shalt  }
0x55: {  	_ =	shalt  }
0x56: {  	_ =	shalt  }
0x57: {  	_ =	shalt  }
0x58: {  	_ =	shalt  }
0x59: {  	_ =	shalt  }
0x5a: {  	_ =	shalt  }
0x5b: {  	_ =	shalt  }
0x5c: {  	_ =	shalt  }
0x5d: {  	_ =	shalt  }
0x5e: {  	_ =	shalt  }
0x5f: {  	_ =	shalt  }
0x60: {  	_ =	shalt  }
0x61: {  	_ =	shalt  }
0x62: {  	_ =	shalt  }
0x63: {  	_ =	shalt  }
0x64: {  	_ =	shalt  }
0x65: {  	_ =	shalt  }
0x66: {  	_ =	shalt  }
0x67: {  	_ =	shalt  }
0x68: {  	_ =	shalt  }
0x69: {  	_ =	shalt  }
0x6a: {  	_ =	shalt  }
0x6b: {  	_ =	shalt  }
0x6c: {  	_ =	shalt  }
0x6d: {  	_ =	shalt  }
0x6e: {  	_ =	shalt  }
0x6f: {  	_ =	shalt  }
0x70: {  	_ =	shalt  }
0x71: {  	_ =	shalt  }
0x72: {  	_ =	shalt  }
0x73: {  	_ =	shalt  }
0x74: {  	_ =	shalt  }
0x75: {  	_ =	shalt  }
0x76: {  	_ =	shalt  }
0x77: {  	_ =	shalt  }
0x78: {  	_ =	shalt  }
0x79: {  	_ =	shalt  }
0x7a: {  	_ =	shalt  }
0x7b: {  	_ =	shalt  }
0x7c: {  	_ =	shalt  }
0x7d: {  	_ =	shalt  }
0x7e: {  	_ =	shalt  }
0x7f: {  	_ =	shalt  }
0x80: {  	_ =	shalt  }
0x81: {  	_ =	shalt  }
0x82: {  	_ =	shalt  }
0x83: {  	_ =	shalt  }
0x84: {  	_ =	shalt  }
0x85: {  	_ =	shalt  }
0x86: {  	_ =	shalt  }
0x87: {  	_ =	shalt  }
.Lfunc_end0:
.L_simem_size_0:
called_computation_lowered:
.L_overlay_start_0:
0x88: {  	s2 =	sld [smem:$0x3FD9]  }
0x89: {  	s3 =	sld [smem:$0x3FFE];
	_ =	sdelay $0x1  }
0x8a: {  	s1 =	srdreg.scid  }
0x8b: {  	s0 =	sand.u32 $0x1, s1  }
0x8c: {  	s14 =	sshll.u32 s0, $0xA;
	s2 =	sadd.s32 s3, s2  }
0x8d: {  	s2 =	sadd.s32 s2, s14  }
0x8e: {  	[smem:$0x3FBE] =	sst s2  }
0x8f: {  	_ = 	snop  }
0x90: {  	s2 =	sld [smem:$0x3FD0];
	_ =	sdelay $0x2  }
0x91: {  	s15 =	simm.s32 $0xA;
	s4 =	simm.s32 $0x10  }
0x92: {  	[smem:s4], [sflag:s15] =	dma.local [hbm:s2], $0x1  }
0x93: {  	_ =	swait.eq [sflag:s15], $0x1  }
0x94: {  	[sflag:s15] =	ssyncset.done $0x0  }
0x95: {  	[sflag:s15] =	ssyncadd.s32 $0xFFFFFFFF  }
0x96: {  	s16 =	sld [smem:$0x11];
	(tm) =	ssettm $0x1  }
0x97: {  	s17 =	sld [smem:$0x3FFB];
	_ =	sdelay $0x3  }
0x98: {  	_ =	strace s17  }
0x99: {  	s3 =	sld [smem:$0x3FFC];
	_ =	sdelay $0x3  }
0x9a: {  	_ =	strace s3  }
0x9b: {  	s3 =	sld [smem:$0x3FFD];
	_ =	sdelay $0x3  }
0x9c: {  	_ =	strace s3  }
0x9d: {  	_ =	strace $0x8FFFFFFF  }
0x9e: {  	s18 =	sld [smem:$0x3FDB];
	_ =	sdelay $0x1  }
0x9f: {  	s19 =	simm.s32 $_scs_section_size  }
0xa0: {  	s5 =	simm.s32 $_size__tile_overlayer_lowered;
	s6 =	simm.s32 $_tile_overlayer_lowered  }
0xa1: {  	s22 =	simm.s32 $0x1BFF;
	s21 =	sshll.u32 s6, $0x1;
	s3 =	sadd.s32 s19, s18  }
0xa2: {  	s7 =	simm.s32 $0x0;
	s20 =	sshll.u32 s5, $0x1;
	s5 =	sadd.s32 s21, s3  }
0xa3: {  	[timem:s7], [sflag:s22] =	dma.local [hbm:s5], s20  }
0xa4: {  	_ =	swait.ge [sflag:s22], s20  }
0xa5: {  	s4 =	ssub.s32 $0x0, s20;
	[sflag:s22] =	ssyncset.done $0x0  }
0xa6: {  	[sflag:s22] =	ssyncadd.s32 s4;
	_ =	sdelay $0x1  }
0xa7: {  	s23 =	simm.s32 $0x1B8B  }
0xa8: {  	_ =	swait.ge [sflag:s23], $0x1  }
0xa9: {  	[sflag:s23] =	ssyncset.done $0x0  }
0xaa: {  	s25 =	simm.s32 $0x1B8E;
	s24 =	sld [smem:$0x3FFE];
	[sflag:s23] =	ssyncadd.s32 $0xFFFFFFFF  }
0xab: {  	s26 =	simm.s32 $execute0_lowered;
	[smem:$0x3FD2] =	sst s25  }
0xac: {  	s5 =	sshll.u32 s26, $0x1;
	_ =	strace $0x80000046;
	[dreg:$0x1] =	wrdreg $0xFFFFFFFF  }
0xad: {  	s28 =	simm.s32 $_size_execute0_lowered;
	s3 =	sadd.s32 s3, s5;
	[dreg:$0x0] =	wrdreg $0x0  }
0xae: {  	s5 =	sshll.u32 s28, $0x1;
	[dreg:$0x2] =	wrdreg s3  }
0xaf: {  	[dreg:$0x3] =	wrdreg s5  }
0xb0: {  	[dreg:$0x4] =	wrdreg $0xC0  }
0xb1: {  	_ =	task [dreg:s7], $0x5FFFF  }
0xb2: {  	[dreg:$0x1] =	wrdreg $0xFFFFFFFF  }
0xb3: {  	[dreg:$0x0] =	wrdreg $0x60  }
0xb4: {  	[dreg:$0x2] =	wrdreg s16  }
0xb5: {  	[dreg:$0x3] =	wrdreg s24  }
0xb6: {  	[dreg:$0x4] =	wrdreg $0x29000  }
0xb7: {  	[dreg:$0x5] =	wrdreg $0x9  }
0xb8: {  	_ =	task.clear_ibuf [dreg:s7], $0x6FFFF;
	_ =	strace $0x90000046  }
0xb9: {  	s29 =	simm.s32 $0x9;
	_ =	strace $0x80000048  }
0xba: {  	_ =	swait.ge [sflag:s29], $0x1  }
0xbb: {  	[sflag:s29] =	ssyncadd.s32 $0xFFFFFFFF  }
0xbc: {  	_ =	strace $0x90000048  }
0xbd: {  	_ =	sfence  }
0xbe: {  	s30 =	sld [smem:$0x0];
	_ =	sdelay $0x2  }
0xbf: {  	s31 =	sshll.u32 s1, $0xD;
	s1 =	sshrl.u32 s1, $0x2  }
0xc0: {  	s3 =	sand.u32 $0x4000, s31;
	s1 =	sadd.s32 s1, s30  }
0xc1: {  	s0 =	sor.u32 s3, s0;
	s1 =	sshll.u32 s1, $0x11  }
0xc2: {  	s0 =	sor.u32 s1, s0  }
0xc3: {  	s0 =	sadd.s32 $0x8F2B, s0  }
0xc4: {  	[sflag:s0] =	ssyncadd.remote.s32 $0x1  }
0xc5: {  	_ =	sfence.sel $0xFFFF  }
0xc6: {  	[dreg:$0x0] =	wrdreg $0xFFFFFFFF;
	(pc) =	sbr.abs _section_cstart, $3  }
0xc7: {  	[dreg:$0x1] =	wrdreg $0xFFFFFFFF  }
0xc8: {  	_ =	task.clear_ibuf [dreg:s7], $0x2FFFF;
	_ =	strace $0x9FFFFFFF  }
0xc9: {  	(tm) =	ssettm $0x7FFFFFFF  }
tec
execute0_lowered:
.L_overlay_start_1:
0x0: {  	(tag) =	ssettag $0x1  }
0x1: {  	s5 =	rddreg [dreg:$0x0]  }
0x2: {  	s4 =	rddreg [dreg:$0x1]  }
0x3: {  	s1 =	rddreg [dreg:$0x2]  }
0x4: {  	s0 =	rddreg [dreg:$0x3];
	s3 =	simm.s32 $0x0  }
0x5: {  	s6 =	srdreg.scid;
	s2 =	stileid.u32;
	s12 =	simm.s32 $0x2880  }
0x6: {  	s13 =	simm.s32 $0x80;
	s14 =	simm.s32 $0x2800;
	s15 =	simm.s32 $0x100  }
0x7: {  	s16 =	simm.s32 $0x180;
	s17 =	simm.s32 $0x200;
	s18 =	simm.s32 $0x280  }
0x8: {  	s19 =	simm.s32 $0x300;
	s20 =	simm.s32 $0x380;
	s21 =	simm.s32 $0x1  }
0x9: {  	s25 =	simm.s32 $0x20;
	s26 =	simm.s32 $0x10;
	s28 =	simm.s32 $0x0  }
0xa: {  	[smem:$0x7FF] =	sst s3;
	s6 =	sand.u32 $0x1, s6;
	s8 =	smul.u32 $0xA00, s2  }
0xb: {  	s7 =	sshll.u32 s2, $0x1;
	s23 =	smul.u32 $0xA0, s2;
	s24 =	sshll.u32 s2, $0x6  }
0xc: {  	_ =	strace $0x80000047;
	s9 =	sshll.u32 s6, $0x4;
	s7 =	sor.u32 s6, s7  }
0xd: {  	s6 =	ssub.s32 $0x2, s6;
	s7 =	smul.u32 $0x500, s7;
	s8 =	sshrl.u32 s8, $0x2  }
0xe: {  	s10 =	sadd.s32 s9, s4;
	s31 =	sshrl.u32 s6, $0x1;
	s4 =	sadd.s32 s8, s1  }
0xf: {  	s11 =	ssub.s32 s6, s31;
	s22 =	sadd.s32 $0x3200, s10;
	s5 =	sadd.s32 s5, s7  }
0x10: {  	s6 =	sadd.s32 $0x80, s4;
	s7 =	sadd.s32 $0x100, s4;
	s8 =	sadd.s32 $0x180, s4  }
0x11: {  	s9 =	sadd.s32 $0x200, s4;
	s10 =	smax.u32 s11, $0x1;
	s11 =	simm.s32 $0x2  }
0x12: {  	v0 =	vimm.f32 $0.0e+00;
	v1 =	vimm.f32 $1.000000000e+00;
	s22 =	sadd.s32 s23, s22;
	s23 =	sor.u32 $0x1C02, s24;
	s24 =	sshrl.u32 s4, $0x3  }
.LBB2_1:
0x13: {  	[tilespmem:s3], [sflag:$0x2] =	stream.linear.gather [hbm4b:s5+s3], $0x2780, $0x38;
	[tilespmem:$0x2B80] =	vst v63  }
0x14: {  	_ =	swait.ge [sflag:s11], $0x2780  }
0x15: {  	[sflag:s11] =	ssyncset.done $0x0  }
0x16: {  	[sflag:s11] =	ssyncadd.s32 $0xFFFFD880  }
0x17: {  	[tilespmem:$0x2880] =	vst v0  }
0x18: {  	[tilespmem:$0x2890] =	vst v0  }
0x19: {  	[tilespmem:$0x28A0] =	vst v0  }
0x1a: {  	[tilespmem:$0x28B0] =	vst v0  }
0x1b: {  	[tilespmem:$0x28C0] =	vst v0  }
0x1c: {  	[tilespmem:$0x28D0] =	vst v0  }
0x1d: {  	[tilespmem:$0x28E0] =	vst v0  }
0x1e: {  	[tilespmem:$0x28F0] =	vst v0  }
0x1f: {  	[tilespmem:$0x2800] =	vst v1  }
0x20: {  	[tilespmem:$0x2810] =	vst v1  }
0x21: {  	[tilespmem:$0x2820] =	vst v1  }
0x22: {  	[tilespmem:$0x2830] =	vst v1  }
0x23: {  	[tilespmem:$0x2840] =	vst v1  }
0x24: {  	[tilespmem:$0x2850] =	vst v1  }
0x25: {  	[tilespmem:$0x2860] =	vst v1  }
0x26: {  	[tilespmem:$0x2870] =	vst v1  }
0x27: {  	[spmem:s4] =	stream.linear.scatter [tilespmem:s12], [sflag:$0x2], $0x80, $0x38;
	[tilespmem:$0x2B80] =	vst v63  }
0x28: {  	_ =	swait.ge [sflag:s11], $0x80  }
0x29: {  	[sflag:s11] =	ssyncset.done $0x0  }
0x2a: {  	[sflag:s11] =	ssyncadd.s32 $0xFFFFFF80  }
0x2b: {  	[spmem:s6] =	stream.linear.scatter [tilespmem:s12], [sflag:$0x2], $0x80, $0x38;
	[tilespmem:$0x2B80] =	vst v63  }
0x2c: {  	_ =	swait.ge [sflag:s11], $0x80  }
0x2d: {  	[sflag:s11] =	ssyncset.done $0x0  }
0x2e: {  	[sflag:s11] =	ssyncadd.s32 $0xFFFFFF80  }
0x2f: {  	[spmem:s7] =	stream.linear.scatter [tilespmem:s12], [sflag:$0x2], $0x80, $0x38;
	[tilespmem:$0x2B80] =	vst v63  }
0x30: {  	_ =	swait.ge [sflag:s11], $0x80  }
0x31: {  	[sflag:s11] =	ssyncset.done $0x0  }
0x32: {  	[sflag:s11] =	ssyncadd.s32 $0xFFFFFF80  }
0x33: {  	[spmem:s8] =	stream.linear.scatter [tilespmem:s12], [sflag:$0x2], $0x80, $0x38;
	[tilespmem:$0x2B80] =	vst v63  }
0x34: {  	_ =	swait.ge [sflag:s11], $0x80  }
0x35: {  	[sflag:s11] =	ssyncset.done $0x0  }
0x36: {  	[sflag:s11] =	ssyncadd.s32 $0xFFFFFF80  }
0x37: {  	[spmem:s9] =	stream.linear.scatter [tilespmem:s12], [sflag:$0x2], $0x80, $0x38;
	[tilespmem:$0x2B80] =	vst v63  }
0x38: {  	_ =	swait.ge [sflag:s11], $0x80  }
0x39: {  	[sflag:s11] =	ssyncset.done $0x0  }
0x3a: {  	[sflag:s11] =	ssyncadd.s32 $0xFFFFFF80  }
0x3b: {  	[bflag:$0x0] =	sbarrier.arrive $0xFFFF  }
0x3c: {  	[spmem:s1] =	stream.indirect.scatter.add.f32 [tilespmem:s14], [sflag:$0x1], $0x1, s3, s13, $0xb8;
	[tilespmem:$0x2B80] =	vst v63  }
0x3d: {  	_ = 	snop  }
0x3e: {  	[spmem:s1] =	stream.indirect.scatter.add.f32 [tilespmem:s14], [sflag:$0x1], $0x1, s13, s13, $0xb8;
	[tilespmem:$0x2B80] =	vst v63  }
0x3f: {  	_ = 	snop  }
0x40: {  	[spmem:s1] =	stream.indirect.scatter.add.f32 [tilespmem:s14], [sflag:$0x1], $0x1, s15, s13, $0xb8;
	[tilespmem:$0x2B80] =	vst v63  }
0x41: {  	_ = 	snop  }
0x42: {  	[spmem:s1] =	stream.indirect.scatter.add.f32 [tilespmem:s14], [sflag:$0x1], $0x1, s16, s13, $0xb8;
	[tilespmem:$0x2B80] =	vst v63  }
0x43: {  	_ = 	snop  }
0x44: {  	[spmem:s1] =	stream.indirect.scatter.add.f32 [tilespmem:s14], [sflag:$0x1], $0x1, s17, s13, $0xb8;
	[tilespmem:$0x2B80] =	vst v63  }
0x45: {  	_ = 	snop  }
0x46: {  	[spmem:s1] =	stream.indirect.scatter.add.f32 [tilespmem:s14], [sflag:$0x1], $0x1, s18, s13, $0xb8;
	[tilespmem:$0x2B80] =	vst v63  }
0x47: {  	_ = 	snop  }
0x48: {  	[spmem:s1] =	stream.indirect.scatter.add.f32 [tilespmem:s14], [sflag:$0x1], $0x1, s19, s13, $0xb8;
	[tilespmem:$0x2B80] =	vst v63  }
0x49: {  	_ = 	snop  }
0x4a: {  	[spmem:s1] =	stream.indirect.scatter.add.f32 [tilespmem:s14], [sflag:$0x1], $0x1, s20, s13, $0xb8;
	[tilespmem:$0x2B80] =	vst v63  }
0x4b: {  	_ =	swait.ge [sflag:s21], $0x80  }
0x4c: {  	[sflag:s21] =	ssyncset.done $0x0  }
0x4d: {  	s29 =	simm.s32 $0x1200;
	s30 =	simm.s32 $0x400;
	[sflag:s21] =	ssyncadd.s32 $0xFFFFFF80  }
.LBB2_2:
0x4e: {  	[spmem:s1] =	stream.indirect.scatter.add.f32 [tilespmem:s14], [sflag:$0x1], $0x1, s30, s13, $0xb8;
	[tilespmem:$0x2B80] =	vst v63  }
0x4f: {  	s30 =	smov.u32 s29;
	p0 =	sne.s32 s29, $0x9C00  }
.Ltmp0:
0x50: {  	s29 =	sadd.s32 $0x200, s29;
	(pc) =	sbr.rel @p0 .LBB2_2-.Ltmp0, $4  }
0x51: {  	_ = 	snop  }
0x52: {  	_ =	swait.ge [sflag:s21], $0x80  }
0x53: {  	[sflag:s21] =	ssyncset.done $0x0  }
0x54: {  	s30 =	sshra.s32 s30, $0x2;
	[sflag:s21] =	ssyncadd.s32 $0xFFFFFF80  }
0x55: {  	[spmem:s1] =	stream.indirect.scatter.add.f32 [tilespmem:s14], [sflag:$0x1], $0x1, s30, s13, $0xb8;
	[tilespmem:$0x2B80] =	vst v63  }
0x56: {  	_ =	swait.ge [sflag:s21], $0x80  }
0x57: {  	[sflag:s21] =	ssyncset.done $0x0  }
0x58: {  	[sflag:s21] =	ssyncadd.s32 $0xFFFFFF80  }
0x59: {  	_ =	swait.ge [sflag:s21], $0x80  }
0x5a: {  	[sflag:s21] =	ssyncset.done $0x0  }
0x5b: {  	[sflag:s21] =	ssyncadd.s32 $0xFFFFFF80  }
0x5c: {  	_ =	swait.ge [sflag:s21], $0x80  }
0x5d: {  	[sflag:s21] =	ssyncset.done $0x0  }
0x5e: {  	[sflag:s21] =	ssyncadd.s32 $0xFFFFFF80  }
0x5f: {  	_ =	swait.ge [sflag:s21], $0x80  }
0x60: {  	[sflag:s21] =	ssyncset.done $0x0  }
0x61: {  	[sflag:s21] =	ssyncadd.s32 $0xFFFFFF80  }
0x62: {  	_ =	swait.ge [sflag:s21], $0x80  }
0x63: {  	[sflag:s21] =	ssyncset.done $0x0  }
0x64: {  	[sflag:s21] =	ssyncadd.s32 $0xFFFFFF80  }
0x65: {  	_ =	swait.ge [sflag:s21], $0x80  }
0x66: {  	[sflag:s21] =	ssyncset.done $0x0  }
0x67: {  	[sflag:s21] =	ssyncadd.s32 $0xFFFFFF80  }
0x68: {  	_ =	swait.ge [sflag:s21], $0x80  }
0x69: {  	[sflag:s21] =	ssyncset.done $0x0  }
0x6a: {  	[sflag:s21] =	ssyncadd.s32 $0xFFFFFF80  }
0x6b: {  	_ =	swait.ge [sflag:s21], $0x80  }
0x6c: {  	s28 =	sadd.s32 $0x1, s28;
	[sflag:s21] =	ssyncset.done $0x0  }
0x6d: {  	p0 =	sne.s32 s28, s10;
	[sflag:s21] =	ssyncadd.s32 $0xFFFFFF80  }
.Ltmp1:
0x6e: {  	[bflag:$0x0] =	sbarrier.arrive $0xFFFF;
	(pc) =	sbr.rel @p0 .LBB2_1-.Ltmp1, $4  }
0x6f: {  	[hbm:s22@s25], [sflag:s23] =	dma.strided [spmem:s24@s26], $0x50, s21, $0x10   }
0x70: {  	_ =	swait.ge [sflag:s11], $0x50  }
0x71: {  	[sflag:s11] =	ssyncset.done $0x0  }
0x72: {  	[sflag:s11] =	ssyncadd.s32 $0xFFFFFFB0  }
0x73: {  	_ =	sfence.sel $0x180000  }
0x74: {  	[bflag:$0x0] =	sbarrier.arrive $0xFFFF  }
0x75: {  	p0 =	sne.s32 s2, $0x0;
	_ =	strace $0x90000047  }
0x76: {  	s0 =	sadd.s32 @!p0 $0x100000, s0;
	[bflag:$0x2] =	sbarrier.arrive $0xFFFF  }
0x77: {  	[sflag:s0] =	ssyncadd.tile.s32 @!p0 $0x1;
	_ =	shalt  }
.Lfunc_end2:
_tile_overlayer_lowered:
.L_overlay_start_2:
0x78: {  	(tag) =	ssettag $0x2  }
0x79: {  	s0 =	rddreg [dreg:$0x0];
	s2 =	stileid.u32  }
0x7a: {  	s1 =	rddreg [dreg:$0x1];
	p0 =	sne.s32 s2, $0x0  }
0x7b: {  	s3 =	rddreg [dreg:$0x2];
	[bflag:$0x3] =	sbarrier.arrive $0xFFFF;
	s2 =	simm.s32 @!p0 $0x1C02  }
0x7c: {  	[timem:s3], [sflag:s2] =	dma.local @!p0 [hbm:s0], s1  }
0x7d: {  	s0 =	simm.s32 @!p0 $0x2  }
0x7e: {  	_ =	swait.ge @!p0 [sflag:s0], s1  }
0x7f: {  	s1 =	ssub.s32 @!p0 $0x0, s1;
	[sflag:s0] =	ssyncset.done @!p0 $0x0  }
0x80: {  	[sflag:s0] =	ssyncadd.s32 @!p0 s1  }
0x81: {  	[bflag:$0x3] =	sbarrier.arrive $0xFFFF  }
0x82: {  	_ =	shalt  }

// kernel: kernel.13.cloned.1.call-start
scs
__scs_entry_jumppad:
0x0: {  	(pc) =	sbr.rel $0x88, $3  }
0x1: {  	(tag) =	ssettag $0x0;
	lr =	simm.s32 $0x1  }
0x2: {  	[smem:$0x3F97] =	sst lr;
	_ =	strace $0xD0000000  }
0x3: {  	_ = 	snop  }
0x4: {  	_ = 	snop  }
0x5: {  	_ = 	snop  }
0x6: {  	_ = 	snop  }
0x7: {  	_ = 	snop  }
__scs_overlays_trampoline_lowered:
0x8: {  	[smem:$0x3FA6] =	sst s0  }
0x9: {  	[smem:$0x3FA7] =	sst s1  }
0xa: {  	[smem:$0x3FA8] =	sst s2  }
0xb: {  	[smem:$0x3FA9] =	sst s3  }
0xc: {  	[smem:$0x3FAA] =	sst s4  }
0xd: {  	[smem:$0x3FAB] =	sst s5  }
0xe: {  	[smem:$0x3FAC] =	sst s6  }
0xf: {  	[smem:$0x3FAD] =	sst s7  }
0x10: {  	[smem:$0x3FAE] =	sst s8  }
0x11: {  	[smem:$0x3FAF] =	sst s9;
	s0 =	simm.s32 @!p0 $0x0  }
0x12: {  	s1 =	sld [smem:$0x3F95];
	s0 =	simm.s32 @p0 $0x1  }
0x13: {  	[smem:$0x3FB0] =	sst s0;
	s0 =	simm.s32 @!p1 $0x0  }
0x14: {  	s2 =	sld [smem:$0x3F94];
	s0 =	simm.s32 @p1 $0x1  }
0x15: {  	[smem:$0x3FB1] =	sst s0;
	s0 =	simm.s32 @!p2 $0x0  }
0x16: {  	s3 =	sld [smem:$0x3FDB];
	s0 =	simm.s32 @p2 $0x1  }
0x17: {  	s4 =	simm.s32 $0x1BF5;
	[smem:$0x3FB3] =	sst s0  }
0x18: {  	s0 =	sld [smem:$0x3F96];
	_ =	swait.ge [sflag:s4], $0x0  }
0x19: {  	s7 =	sld [smem:$0x3F97]  }
0x1a: {  	s8 =	sadd.s32 $0xFFFFE003, lr  }
0x1b: {  	s9 =	sadd.s32 $0xFFFFFEF7, lr;
	s5 =	simm.s32 $0xFFFFFFFF;
	p2 =	slt.u32 s8, $0xFFFFF086  }
0x1c: {  	p1 =	slt.u32 s9, $0xF7A;
	s5 =	simm.s32 @!p2 $0x0  }
0x1d: {  	s5 =	simm.s32 @p1 $0x1;
	p0 =	seq.s32 s7, s2  }
0x1e: {  	s7 =	smul.u32 @!p0 $0xF7A, s2;
	p2 =	seq.s32 @!p0 s5, $0x0  }
0x1f: {  	s9 =	smul.u32 $0xF7A, s1;
	s8 =	simm.s32 @!p0 $0x1BF5;
	p2 =	por !p2, p0  }
0x20: {  	[sflag:s8] =	ssyncset.s32 @!p0 $0xFFFFF086;
	s6 =	sadd.s32 @!p0 s3, s7;
	s7 =	simm.s32 @!p0 $0x108  }
0x21: {  	s3 =	sadd.s32 s3, s9;
	s6 =	sadd.s32 @!p0 $0x88, s6;
	s7 =	simm.s32 @p2 $0x1082  }
0x22: {  	[simem:s7], [sflag:s8] =	dma.local @!p0 [hbm:s6], $0xF7A  }
0x23: {  	s9 =	sor.u32 $0xD0000000, s2;
	s6 =	simm.s32 $0x108;
	_ =	swait.ge @!p0 [sflag:s8], $0x0  }
0x24: {  	s3 =	sadd.s32 $0x88, s3;
	s6 =	simm.s32 @!p1 $0x1082;
	[sflag:s4] =	ssyncset.s32 $0xFFFFF086  }
0x25: {  	[simem:s6], [sflag:s4] =	dma.local [hbm:s3], $0xF7A  }
0x26: {  	[smem:$0x3F97] =	sst s1;
	(tag) =	ssettag s2;
	_ =	strace s9  }
0x27: {  	s1 =	sld [smem:$0x3FA7]  }
0x28: {  	s2 =	sld [smem:$0x3FA8]  }
0x29: {  	s4 =	sld [smem:$0x3FAA]  }
0x2a: {  	p0 =	seq.s32 s5, $0x0;
	s5 =	sld [smem:$0x3FAB]  }
0x2b: {  	s6 =	sld [smem:$0x3FAC]  }
0x2c: {  	s7 =	sld [smem:$0x3FAD]  }
0x2d: {  	s3 =	simm.s32 $0x108;
	s8 =	sld [smem:$0x3FAE]  }
0x2e: {  	s3 =	simm.s32 @!p0 $0x1082;
	s9 =	sld [smem:$0x3FAF]  }
0x2f: {  	lr =	sadd.s32 s0, s3;
	s0 =	sld [smem:$0x3FA6]  }
0x30: {  	s3 =	sld [smem:$0x3FA9]  }
0x31: {  	[smem:$0x3FB2] =	sst s10  }
0x32: {  	s10 =	sld [smem:$0x3FB0];
	_ =	sdelay $0x3  }
0x33: {  	p0 =	seq.s32 s10, $0x1;
	s10 =	sld [smem:$0x3FB2];
	_ =	sdelay $0x3  }
0x34: {  	[smem:$0x3FB2] =	sst s10  }
0x35: {  	s10 =	sld [smem:$0x3FB1];
	_ =	sdelay $0x3  }
0x36: {  	p1 =	seq.s32 s10, $0x1;
	s10 =	sld [smem:$0x3FB2];
	_ =	sdelay $0x3  }
0x37: {  	[smem:$0x3FB2] =	sst s10  }
0x38: {  	s10 =	sld [smem:$0x3FB3]  }
0x39: {  	_ = 	snop;
	(pc) =	sbr.ind lr, $3  }
0x3a: {  	_ = 	snop  }
0x3b: {  	_ = 	snop  }
0x3c: {  	p2 =	seq.s32 s10, $0x1;
	s10 =	sld [smem:$0x3FB2]  }
0x3d: {  	_ =	shalt  }
0x3e: {  	_ =	shalt  }
0x3f: {  	_ =	shalt  }
0x40: {  	_ =	shalt  }
0x41: {  	_ =	shalt  }
0x42: {  	_ =	shalt  }
0x43: {  	_ =	shalt  }
0x44: {  	_ =	shalt  }
0x45: {  	_ =	shalt  }
0x46: {  	_ =	shalt  }
0x47: {  	_ =	shalt  }
0x48: {  	_ =	shalt  }
0x49: {  	_ =	shalt  }
0x4a: {  	_ =	shalt  }
0x4b: {  	_ =	shalt  }
0x4c: {  	_ =	shalt  }
0x4d: {  	_ =	shalt  }
0x4e: {  	_ =	shalt  }
0x4f: {  	_ =	shalt  }
0x50: {  	_ =	shalt  }
0x51: {  	_ =	shalt  }
0x52: {  	_ =	shalt  }
0x53: {  	_ =	shalt  }
0x54: {  	_ =	shalt  }
0x55: {  	_ =	shalt  }
0x56: {  	_ =	shalt  }
0x57: {  	_ =	shalt  }
0x58: {  	_ =	shalt  }
0x59: {  	_ =	shalt  }
0x5a: {  	_ =	shalt  }
0x5b: {  	_ =	shalt  }
0x5c: {  	_ =	shalt  }
0x5d: {  	_ =	shalt  }
0x5e: {  	_ =	shalt  }
0x5f: {  	_ =	shalt  }
0x60: {  	_ =	shalt  }
0x61: {  	_ =	shalt  }
0x62: {  	_ =	shalt  }
0x63: {  	_ =	shalt  }
0x64: {  	_ =	shalt  }
0x65: {  	_ =	shalt  }
0x66: {  	_ =	shalt  }
0x67: {  	_ =	shalt  }
0x68: {  	_ =	shalt  }
0x69: {  	_ =	shalt  }
0x6a: {  	_ =	shalt  }
0x6b: {  	_ =	shalt  }
0x6c: {  	_ =	shalt  }
0x6d: {  	_ =	shalt  }
0x6e: {  	_ =	shalt  }
0x6f: {  	_ =	shalt  }
0x70: {  	_ =	shalt  }
0x71: {  	_ =	shalt  }
0x72: {  	_ =	shalt  }
0x73: {  	_ =	shalt  }
0x74: {  	_ =	shalt  }
0x75: {  	_ =	shalt  }
0x76: {  	_ =	shalt  }
0x77: {  	_ =	shalt  }
0x78: {  	_ =	shalt  }
0x79: {  	_ =	shalt  }
0x7a: {  	_ =	shalt  }
0x7b: {  	_ =	shalt  }
0x7c: {  	_ =	shalt  }
0x7d: {  	_ =	shalt  }
0x7e: {  	_ =	shalt  }
0x7f: {  	_ =	shalt  }
0x80: {  	_ =	shalt  }
0x81: {  	_ =	shalt  }
0x82: {  	_ =	shalt  }
0x83: {  	_ =	shalt  }
0x84: {  	_ =	shalt  }
0x85: {  	_ =	shalt  }
0x86: {  	_ =	shalt  }
0x87: {  	_ =	shalt  }
.Lfunc_end0:
.L_simem_size_0:
called_computation.1_lowered:
.L_overlay_start_0:
0x88: {  	s2 =	sld [smem:$0x3FD9]  }
0x89: {  	s3 =	sld [smem:$0x3FFE];
	_ =	sdelay $0x1  }
0x8a: {  	s1 =	srdreg.scid  }
0x8b: {  	s0 =	sand.u32 $0x1, s1  }
0x8c: {  	s14 =	sshll.u32 s0, $0xA;
	s2 =	sadd.s32 s3, s2  }
0x8d: {  	s2 =	sadd.s32 s2, s14  }
0x8e: {  	[smem:$0x3FBE] =	sst s2  }
0x8f: {  	_ = 	snop  }
0x90: {  	s2 =	sld [smem:$0x3FD0];
	_ =	sdelay $0x2  }
0x91: {  	s15 =	simm.s32 $0xA;
	s4 =	simm.s32 $0x10  }
0x92: {  	[smem:s4], [sflag:s15] =	dma.local [hbm:s2], $0x1  }
0x93: {  	_ =	swait.eq [sflag:s15], $0x1  }
0x94: {  	[sflag:s15] =	ssyncset.done $0x0  }
0x95: {  	s16 =	sld [smem:$0x10];
	[sflag:s15] =	ssyncadd.s32 $0xFFFFFFFF  }
0x96: {  	s17 =	sld [smem:$0x11];
	(tm) =	ssettm $0x1  }
0x97: {  	s18 =	sld [smem:$0x3FFB];
	_ =	sdelay $0x3  }
0x98: {  	_ =	strace s18  }
0x99: {  	s4 =	sld [smem:$0x3FFC];
	_ =	sdelay $0x3  }
0x9a: {  	_ =	strace s4  }
0x9b: {  	s4 =	sld [smem:$0x3FFD];
	_ =	sdelay $0x3  }
0x9c: {  	_ =	strace s4  }
0x9d: {  	_ =	strace $0x8FFFFFFF  }
0x9e: {  	s19 =	sld [smem:$0x3FDB];
	_ =	sdelay $0x1  }
0x9f: {  	s5 =	simm.s32 $_scs_section_size  }
0xa0: {  	s6 =	simm.s32 $_size__tile_overlayer_lowered;
	s7 =	simm.s32 $_tile_overlayer_lowered  }
0xa1: {  	s22 =	simm.s32 $0x1BFF;
	s21 =	sshll.u32 s7, $0x1;
	s4 =	sadd.s32 s5, s19  }
0xa2: {  	s8 =	simm.s32 $0x0;
	s20 =	sshll.u32 s6, $0x1;
	s6 =	sadd.s32 s21, s4  }
0xa3: {  	[timem:s8], [sflag:s22] =	dma.local [hbm:s6], s20  }
0xa4: {  	_ =	swait.ge [sflag:s22], s20  }
0xa5: {  	s5 =	ssub.s32 $0x0, s20;
	[sflag:s22] =	ssyncset.done $0x0  }
0xa6: {  	[sflag:s22] =	ssyncadd.s32 s5;
	_ =	sdelay $0x1  }
0xa7: {  	s23 =	simm.s32 $0x1B8B  }
0xa8: {  	_ =	swait.ge [sflag:s23], $0x1  }
0xa9: {  	[sflag:s23] =	ssyncset.done $0x0  }
0xaa: {  	s25 =	simm.s32 $0x1B8E;
	s24 =	sld [smem:$0x3FFE];
	[sflag:s23] =	ssyncadd.s32 $0xFFFFFFFF  }
0xab: {  	s26 =	simm.s32 $execute0_lowered;
	[smem:$0x3FD2] =	sst s25  }
0xac: {  	s6 =	sshll.u32 s26, $0x1;
	_ =	strace $0x80000049;
	[dreg:$0x1] =	wrdreg $0xFFFFFFFF  }
0xad: {  	s28 =	simm.s32 $_size_execute0_lowered;
	s4 =	sadd.s32 s4, s6;
	[dreg:$0x0] =	wrdreg $0x0  }
0xae: {  	s6 =	sshll.u32 s28, $0x1;
	[dreg:$0x2] =	wrdreg s4  }
0xaf: {  	[dreg:$0x3] =	wrdreg s6  }
0xb0: {  	[dreg:$0x4] =	wrdreg $0xC0  }
0xb1: {  	_ =	task [dreg:s8], $0x5FFFF  }
0xb2: {  	[dreg:$0x1] =	wrdreg $0xFFFFFFFF  }
0xb3: {  	[dreg:$0x0] =	wrdreg $0x60  }
0xb4: {  	[dreg:$0x2] =	wrdreg s24  }
0xb5: {  	[dreg:$0x3] =	wrdreg s16  }
0xb6: {  	[dreg:$0x4] =	wrdreg s17  }
0xb7: {  	[dreg:$0x5] =	wrdreg $0xA9000  }
0xb8: {  	[dreg:$0x6] =	wrdreg $0x9  }
0xb9: {  	_ =	task.clear_ibuf [dreg:s8], $0x7FFFF;
	_ =	strace $0x90000049  }
0xba: {  	s29 =	simm.s32 $0x9;
	_ =	strace $0x8000004B  }
0xbb: {  	_ =	swait.ge [sflag:s29], $0x1  }
0xbc: {  	[sflag:s29] =	ssyncadd.s32 $0xFFFFFFFF  }
0xbd: {  	_ =	strace $0x9000004B  }
0xbe: {  	_ =	sfence  }
0xbf: {  	s30 =	sld [smem:$0x0];
	_ =	sdelay $0x2  }
0xc0: {  	s31 =	sshll.u32 s1, $0xD;
	s1 =	sshrl.u32 s1, $0x2  }
0xc1: {  	s3 =	sand.u32 $0x4000, s31;
	s1 =	sadd.s32 s1, s30  }
0xc2: {  	s0 =	sor.u32 s3, s0;
	s1 =	sshll.u32 s1, $0x11  }
0xc3: {  	s0 =	sor.u32 s1, s0  }
0xc4: {  	s0 =	sadd.s32 $0x8F2B, s0  }
0xc5: {  	[sflag:s0] =	ssyncadd.remote.s32 $0x1  }
0xc6: {  	_ =	sfence.sel $0xFFFF  }
0xc7: {  	[dreg:$0x0] =	wrdreg $0xFFFFFFFF;
	(pc) =	sbr.abs _section_cstart, $3  }
0xc8: {  	[dreg:$0x1] =	wrdreg $0xFFFFFFFF  }
0xc9: {  	_ =	task.clear_ibuf [dreg:s8], $0x2FFFF;
	_ =	strace $0x9FFFFFFF  }
0xca: {  	(tm) =	ssettm $0x7FFFFFFF  }
0xcb: {  	_ =	shalt  }
tec
execute0_lowered:
.L_overlay_start_1:
0x0: {  	(tag) =	ssettag $0x1  }
0x1: {  	s5 =	rddreg [dreg:$0x0]  }
0x2: {  	s6 =	rddreg [dreg:$0x1]  }
0x3: {  	s7 =	rddreg [dreg:$0x2]  }
0x4: {  	s1 =	rddreg [dreg:$0x3];
	s2 =	srdreg.scid;
	s3 =	simm.s32 $0x0  }
0x5: {  	s0 =	stileid.u32;
	s14 =	simm.s32 $0x80;
	s15 =	simm.s32 $0x2900  }
0x6: {  	s16 =	simm.s32 $0x2800;
	s17 =	simm.s32 $0x6900;
	s18 =	simm.s32 $0x5  }
0x7: {  	s20 =	simm.s32 $0x2880;
	s24 =	simm.s32 $0x4;
	s11 =	smul.u32 $0x4F000, s0  }
0x8: {  	s25 =	simm.s32 $0x0;
	s8 =	sand.u32 $0x1, s2;
	s23 =	smul.u32 $0x2780, s0  }
0x9: {  	[smem:$0x7FF] =	sst s3;
	s4 =	sshll.u32 s0, $0x1;
	s9 =	smul.u32 $0x27800, s8  }
0xa: {  	_ =	strace $0x8000004A;
	s10 =	sor.u32 s8, s4;
	s8 =	ssub.s32 $0x2, s8  }
0xb: {  	s4 =	sadd.s32 $0x3200, s5;
	s10 =	smul.u32 $0x500, s10;
	s30 =	sshrl.u32 s8, $0x1  }
0xc: {  	s31 =	sshrl.u32 s11, $0x2;
	s12 =	sadd.s32 s9, s5;
	s13 =	ssub.s32 s8, s30  }
.Ltmp0:
0xd: {  	s5 =	sadd.s32 s6, s10;
	s6 =	sadd.s32 s31, s1;
	(pc) =	sbr.rel .LBB2_1-.Ltmp0, $4  }
0xe: {  	s7 =	sadd.s32 s7, s10;
	s22 =	sadd.s32 $0x2A400, s12;
	s12 =	smax.u32 s13, $0x1  }
0xf: {  	s13 =	simm.s32 $0x6;
	s8 =	sadd.s32 $0x4000, s6;
	s9 =	sadd.s32 $0x8000, s6  }
0x10: {  	s10 =	sadd.s32 $0xC000, s6;
	s11 =	sadd.s32 $0x10000, s6;
	s19 =	sadd.s32 $0x10, s7  }
0x11: {  	v0 =	vimm.f32 $0.0e+00;
	s21 =	sadd.s32 $0x20, s7;
	s22 =	sadd.s32 s23, s22;
	s23 =	simm.s32 $0x2  }
.LBB2_7:
0x12: {  	s0 =	stileid.u32;
	s25 =	sadd.s32 $0x1, s25  }
0x13: {  	[bflag:$0x0] =	sbarrier.arrive $0xFFFF;
	s0 =	sshll.u32 s0, $0x6;
	p0 =	sne.s32 s25, s12  }
.Ltmp1:
0x14: {  	s2 =	sshrl.u32 s6, $0x3;
	s0 =	sor.u32 $0x1C06, s0;
	(pc) =	sbr.rel @!p0 .LBB2_8-.Ltmp1, $4  }
0x15: {  	[hbm:s22], [sflag:s0] =	dma.local [spmem:s2], $0x2780  }
0x16: {  	_ =	swait.ge [sflag:s13], $0x2780  }
0x17: {  	[sflag:s13] =	ssyncset.done $0x0  }
0x18: {  	[sflag:s13] =	ssyncadd.s32 $0xFFFFD880  }
.LBB2_1:
0x19: {  	[tilespmem:s3], [sflag:$0x6] =	stream.linear.gather [hbm4b:s5+s3], $0x2780, $0x38;
	[tilespmem:$0x1E500] =	vst v63  }
0x1a: {  	_ =	swait.ge [sflag:s13], $0x2780  }
0x1b: {  	s26 =	sand.u32 $0xFE00, s3;
	[sflag:s13] =	ssyncset.done $0x0  }
0x1c: {  	s28 =	sand.u32 $0x70, s3;
	s29 =	sshrl.u32 s26, $0x2;
	[sflag:s13] =	ssyncadd.s32 $0xFFFFD880  }
0x1d: {  	[tilespmem:s15], [sflag:$0x1] =	stream.indirect.gather [hbm4b:s4+s14], $0x80, s3, s14, $0xb8;
	[tilespmem:$0x1E500] =	vst v63  }
0x1e: {  	s26 =	simm.s32 $0x40;
	s29 =	sor.u32 s28, s29;
	s28 =	simm.s32 $0x0  }
0x1f: {  	[tilespmem:s16], [sflag:$0x3] =	stream.linear.gather [hbm4b:s7+s3], $0x80, $0x38;
	[tilespmem:$0x1E500] =	vst v63  }
.LBB2_2:
0x20: {  	p0 =	sne.s32 s26, $0xFFC0  }
0x21: {  	[tilespmem:s29+$0x6900] =	vst v0;
	s28 =	sadd.s32 $0x10, s28;
	s29 =	smov.u32 s26;
	s26 =	sadd.s32 $0x40, s26  }
.Ltmp2:
0x22: {  	(pc) =	sbr.rel @p0 .LBB2_2-.Ltmp2, $4  }
0x23: {  	_ = 	snop  }
0x24: {  	s29 =	sand.u32 $0xFE00, s29  }
0x25: {  	s30 =	sand.u32 $0x70, s28;
	s29 =	sshrl.u32 s29, $0x2  }
0x26: {  	s29 =	sor.u32 s30, s29  }
0x27: {  	[tilespmem:s29+$0x6900] =	vst v0  }
0x28: {  	[spmem:s6] =	stream.linear.scatter [tilespmem:s17], [sflag:$0x5], $0x4000, $0x38;
	[tilespmem:$0x1E500] =	vst v63  }
0x29: {  	_ = 	snop  }
0x2a: {  	[spmem:s8] =	stream.linear.scatter [tilespmem:s17], [sflag:$0x5], $0x4000, $0x38;
	[tilespmem:$0x1E500] =	vst v63  }
0x2b: {  	_ = 	snop  }
0x2c: {  	[spmem:s9] =	stream.linear.scatter [tilespmem:s17], [sflag:$0x5], $0x4000, $0x38;
	[tilespmem:$0x1E500] =	vst v63  }
0x2d: {  	_ = 	snop  }
0x2e: {  	[spmem:s10] =	stream.linear.scatter [tilespmem:s17], [sflag:$0x5], $0x4000, $0x38;
	[tilespmem:$0x1E500] =	vst v63  }
0x2f: {  	_ = 	snop  }
0x30: {  	[spmem:s11] =	stream.linear.scatter [tilespmem:s17], [sflag:$0x5], $0x3C00, $0x38;
	[tilespmem:$0x1E500] =	vst v63  }
0x31: {  	_ =	swait.ge [sflag:s18], $0x4000  }
0x32: {  	[sflag:s18] =	ssyncset.done $0x0  }
0x33: {  	[sflag:s18] =	ssyncadd.s32 $0xFFFFC000  }
0x34: {  	_ =	swait.ge [sflag:s18], $0x4000  }
0x35: {  	[sflag:s18] =	ssyncset.done $0x0  }
0x36: {  	[sflag:s18] =	ssyncadd.s32 $0xFFFFC000  }
0x37: {  	_ =	swait.ge [sflag:s18], $0x4000  }
0x38: {  	[sflag:s18] =	ssyncset.done $0x0  }
0x39: {  	[sflag:s18] =	ssyncadd.s32 $0xFFFFC000  }
0x3a: {  	_ =	swait.ge [sflag:s18], $0x4000  }
0x3b: {  	[sflag:s18] =	ssyncset.done $0x0  }
0x3c: {  	[sflag:s18] =	ssyncadd.s32 $0xFFFFC000  }
0x3d: {  	_ =	swait.ge [sflag:s18], $0x3C00  }
0x3e: {  	[sflag:s18] =	ssyncset.done $0x0  }
0x3f: {  	[sflag:s18] =	ssyncadd.s32 $0xFFFFC400  }
0x40: {  	[tilespmem:s17], [sflag:$0x2] =	stream.indirect.gather [hbm4b:s4+s14], $0x80, s14, s14, $0xb8;
	[tilespmem:$0x1E500] =	vst v63  }
.Ltmp3:
0x41: {  	_ = 	snop;
	(pc) =	sbr.rel .LBB2_4-.Ltmp3, $4  }
0x42: {  	s26 =	simm.s32 $0x0  }
0x43: {  	[tilespmem:s20], [sflag:$0x4] =	stream.linear.gather [hbm4b:s19+s26], $0x80, $0x38;
	[tilespmem:$0x1E500] =	vst v63  }
0x44: {  	[bflag:$0x0] =	sbarrier.arrive $0xFFFF  }
0x45: {  	s28 =	simm.s32 $0x100;
	s29 =	smov.u32 s21  }
.LBB2_6:
0x46: {  	s26 =	sadd.s32 $0x1, s26  }
0x47: {  	p0 =	sne.s32 s26, $0x4F  }
.Ltmp4:
0x48: {  	_ = 	snop;
	(pc) =	sbr.rel @!p0 .LBB2_7-.Ltmp4, $2  }
0x49: {  	_ =	sdelay $0x2  }
0x4a: {  	s29 =	sadd.s32 $0x10, s29;
	s28 =	sadd.s32 $0x80, s28  }
.LBB2_4:
0x4b: {  	s30 =	sand.u32 $0x1, s26  }
0x4c: {  	p0 =	seq.s32 s30, $0x1  }
0x4d: {  	s31 =	simm.s32 @!p0 $0x1  }
0x4e: {  	_ =	swait.ge @!p0 [sflag:s31], $0x4000  }
0x4f: {  	[sflag:s31] =	ssyncset.done @!p0 $0x0  }
0x50: {  	[sflag:s31] =	ssyncadd.s32 @!p0 $0xFFFFC000;
	s31 =	simm.s32 @!p0 $0x3  }
0x51: {  	_ =	swait.ge @!p0 [sflag:s31], $0x80  }
0x52: {  	s0 =	simm.s32 @!p0 $0x2800;
	[sflag:s31] =	ssyncset.done @!p0 $0x0  }
0x53: {  	s2 =	simm.s32 @!p0 $0x2900;
	[sflag:s31] =	ssyncadd.s32 @!p0 $0xFFFFFF80;
	s31 =	simm.s32 @!p0 $0x80  }
0x54: {  	[spmem:s1] =	stream.indirect.scatter.add.f32 @!p0 [tilespmem:s2], [sflag:$0x6], $0x80, s0, s31, $0xb8;
	[tilespmem:$0x1E500] =	vst v63  }
0x55: {  	s0 =	simm.s32 @!p0 $0x6  }
0x56: {  	p1 =	sgt.u32 @!p0 s26, $0x4C;
	_ =	swait.ge @!p0 [sflag:s0], $0x4000  }
0x57: {  	p1 =	por p1, p0;
	[sflag:s0] =	ssyncset.done @!p0 $0x0  }
0x58: {  	s2 =	simm.s32 @!p1 $0x2900;
	[sflag:s0] =	ssyncadd.s32 @!p0 $0xFFFFC000;
	s0 =	simm.s32 @!p1 $0x80  }
0x59: {  	[tilespmem:s2], [sflag:$0x1] =	stream.indirect.gather @!p1 [hbm4b:s4+s0], $0x80, s28, s0, $0xb8;
	[tilespmem:$0x1E500] =	vst v63  }
0x5a: {  	s0 =	simm.s32 @!p1 $0x0;
	s2 =	simm.s32 @!p1 $0x2800  }
0x5b: {  	[tilespmem:s2], [sflag:$0x3] =	stream.linear.gather @!p1 [hbm4b:s29+s0], $0x80, $0x38;
	[tilespmem:$0x1E500] =	vst v63  }
0x5c: {  	p1 =	seq.s32 @!p0 s30, $0x0  }
0x5d: {  	p0 =	por p0, !p1  }
.Ltmp5:
0x5e: {  	_ = 	snop;
	(pc) =	sbr.rel @!p0 .LBB2_6-.Ltmp5, $1  }
0x5f: {  	_ =	sdelay $0x3  }
0x60: {  	_ =	swait.ge [sflag:s23], $0x4000  }
0x61: {  	[sflag:s23] =	ssyncset.done $0x0  }
0x62: {  	[sflag:s23] =	ssyncadd.s32 $0xFFFFC000  }
0x63: {  	_ =	swait.ge [sflag:s24], $0x80  }
0x64: {  	[sflag:s24] =	ssyncset.done $0x0  }
0x65: {  	[sflag:s24] =	ssyncadd.s32 $0xFFFFFF80  }
0x66: {  	[spmem:s1] =	stream.indirect.scatter.add.f32 [tilespmem:s17], [sflag:$0x6], $0x80, s20, s14, $0xb8;
	[tilespmem:$0x1E500] =	vst v63  }
0x67: {  	_ =	swait.ge [sflag:s13], $0x4000  }
.Ltmp6:
0x68: {  	p0 =	sgt.u32 s26, $0x4C;
	[sflag:s13] =	ssyncset.done $0x0;
	(pc) =	sbr.rel .LBB2_6-.Ltmp6, $4  }
0x69: {  	s0 =	simm.s32 @!p0 $0x80;
	s2 =	simm.s32 @!p0 $0x6900;
	[sflag:s13] =	ssyncadd.s32 $0xFFFFC000  }
0x6a: {  	[tilespmem:s2], [sflag:$0x2] =	stream.indirect.gather @!p0 [hbm4b:s4+s0], $0x80, s28, s0, $0xb8;
	[tilespmem:$0x1E500] =	vst v63  }
0x6b: {  	s0 =	simm.s32 @!p0 $0x0;
	s2 =	simm.s32 @!p0 $0x2880  }
0x6c: {  	[tilespmem:s2], [sflag:$0x4] =	stream.linear.gather @!p0 [hbm4b:s29+s0], $0x80, $0x38;
	[tilespmem:$0x1E500] =	vst v63  }
.LBB2_8:
0x6d: {  	_ =	sfence.sel $0x180000  }
0x6e: {  	[bflag:$0x0] =	sbarrier.arrive $0xFFFF  }
0x6f: {  	_ =	strace $0x9000004A  }
0x70: {  	s0 =	stileid.u32;
	[bflag:$0x2] =	sbarrier.arrive $0xFFFF  }
0x71: {  	p0 =	sne.s32 s0, $0x0;
	s0 =	rddreg [dreg:$0x4]  }
0x72: {  	s0 =	sadd.s32 @!p0 $0x100000, s0  }
0x73: {  	[sflag:s0] =	ssyncadd.tile.s32 @!p0 $0x1;
	_ =	shalt  }
.Lfunc_end2:
_tile_overlayer_lowered:
.L_overlay_start_2:
0x74: {  	(tag) =	ssettag $0x2  }
0x75: {  	s0 =	rddreg [dreg:$0x0];
	s2 =	stileid.u32  }
0x76: {  	s1 =	rddreg [dreg:$0x1];
	p0 =	sne.s32 s2, $0x0  }
0x77: {  	s3 =	rddreg [dreg:$0x2];
	[bflag:$0x3] =	sbarrier.arrive $0xFFFF;
	s2 =	simm.s32 @!p0 $0x1C06  }
0x78: {  	[timem:s3], [sflag:s2] =	dma.local @!p0 [hbm:s0], s1  }
0x79: {  	s0 =	simm.s32 @!p0 $0x6  }
0x7a: {  	_ =	swait.ge @!p0 [sflag:s0], s1  }
0x7b: {  	s1 =	ssub.s32 @!p0 $0x0, s1;
	[sflag:s0] =	ssyncset.done @!p0 $0x0  }
0x7c: {  	[sflag:s0] =	ssyncadd.s32 @!p0 s1  }
0x7d: {  	[bflag:$0x3] =	sbarrier.arrive $0xFFFF  }
0x7e: {  	_ =	shalt  }

// kernel: kernel.16.cloned.1.call-start
scs
__scs_entry_jumppad:
0x0: {  	(pc) =	sbr.rel $0x88, $3  }
0x1: {  	(tag) =	ssettag $0x0;
	lr =	simm.s32 $0x1  }
0x2: {  	[smem:$0x3F97] =	sst lr;
	_ =	strace $0xD0000000  }
0x3: {  	_ = 	snop  }
0x4: {  	_ = 	snop  }
0x5: {  	_ = 	snop  }
0x6: {  	_ = 	snop  }
0x7: {  	_ = 	snop  }
__scs_overlays_trampoline_lowered:
0x8: {  	[smem:$0x3FA6] =	sst s0  }
0x9: {  	[smem:$0x3FA7] =	sst s1  }
0xa: {  	[smem:$0x3FA8] =	sst s2  }
0xb: {  	[smem:$0x3FA9] =	sst s3  }
0xc: {  	[smem:$0x3FAA] =	sst s4  }
0xd: {  	[smem:$0x3FAB] =	sst s5  }
0xe: {  	[smem:$0x3FAC] =	sst s6  }
0xf: {  	[smem:$0x3FAD] =	sst s7  }
0x10: {  	[smem:$0x3FAE] =	sst s8  }
0x11: {  	[smem:$0x3FAF] =	sst s9;
	s0 =	simm.s32 @!p0 $0x0  }
0x12: {  	s1 =	sld [smem:$0x3F95];
	s0 =	simm.s32 @p0 $0x1  }
0x13: {  	[smem:$0x3FB0] =	sst s0;
	s0 =	simm.s32 @!p1 $0x0  }
0x14: {  	s2 =	sld [smem:$0x3F94];
	s0 =	simm.s32 @p1 $0x1  }
0x15: {  	[smem:$0x3FB1] =	sst s0;
	s0 =	simm.s32 @!p2 $0x0  }
0x16: {  	s3 =	sld [smem:$0x3FDB];
	s0 =	simm.s32 @p2 $0x1  }
0x17: {  	s4 =	simm.s32 $0x1BF5;
	[smem:$0x3FB3] =	sst s0  }
0x18: {  	s0 =	sld [smem:$0x3F96];
	_ =	swait.ge [sflag:s4], $0x0  }
0x19: {  	s7 =	sld [smem:$0x3F97]  }
0x1a: {  	s8 =	sadd.s32 $0xFFFFE003, lr  }
0x1b: {  	s9 =	sadd.s32 $0xFFFFFEF7, lr;
	s5 =	simm.s32 $0xFFFFFFFF;
	p2 =	slt.u32 s8, $0xFFFFF086  }
0x1c: {  	p1 =	slt.u32 s9, $0xF7A;
	s5 =	simm.s32 @!p2 $0x0  }
0x1d: {  	s5 =	simm.s32 @p1 $0x1;
	p0 =	seq.s32 s7, s2  }
0x1e: {  	s7 =	smul.u32 @!p0 $0xF7A, s2;
	p2 =	seq.s32 @!p0 s5, $0x0  }
0x1f: {  	s9 =	smul.u32 $0xF7A, s1;
	s8 =	simm.s32 @!p0 $0x1BF5;
	p2 =	por !p2, p0  }
0x20: {  	[sflag:s8] =	ssyncset.s32 @!p0 $0xFFFFF086;
	s6 =	sadd.s32 @!p0 s3, s7;
	s7 =	simm.s32 @!p0 $0x108  }
0x21: {  	s3 =	sadd.s32 s3, s9;
	s6 =	sadd.s32 @!p0 $0x88, s6;
	s7 =	simm.s32 @p2 $0x1082  }
0x22: {  	[simem:s7], [sflag:s8] =	dma.local @!p0 [hbm:s6], $0xF7A  }
0x23: {  	s9 =	sor.u32 $0xD0000000, s2;
	s6 =	simm.s32 $0x108;
	_ =	swait.ge @!p0 [sflag:s8], $0x0  }
0x24: {  	s3 =	sadd.s32 $0x88, s3;
	s6 =	simm.s32 @!p1 $0x1082;
	[sflag:s4] =	ssyncset.s32 $0xFFFFF086  }
0x25: {  	[simem:s6], [sflag:s4] =	dma.local [hbm:s3], $0xF7A  }
0x26: {  	[smem:$0x3F97] =	sst s1;
	(tag) =	ssettag s2;
	_ =	strace s9  }
0x27: {  	s1 =	sld [smem:$0x3FA7]  }
0x28: {  	s2 =	sld [smem:$0x3FA8]  }
0x29: {  	s4 =	sld [smem:$0x3FAA]  }
0x2a: {  	p0 =	seq.s32 s5, $0x0;
	s5 =	sld [smem:$0x3FAB]  }
0x2b: {  	s6 =	sld [smem:$0x3FAC]  }
0x2c: {  	s7 =	sld [smem:$0x3FAD]  }
0x2d: {  	s3 =	simm.s32 $0x108;
	s8 =	sld [smem:$0x3FAE]  }
0x2e: {  	s3 =	simm.s32 @!p0 $0x1082;
	s9 =	sld [smem:$0x3FAF]  }
0x2f: {  	lr =	sadd.s32 s0, s3;
	s0 =	sld [smem:$0x3FA6]  }
0x30: {  	s3 =	sld [smem:$0x3FA9]  }
0x31: {  	[smem:$0x3FB2] =	sst s10  }
0x32: {  	s10 =	sld [smem:$0x3FB0];
	_ =	sdelay $0x3  }
0x33: {  	p0 =	seq.s32 s10, $0x1;
	s10 =	sld [smem:$0x3FB2];
	_ =	sdelay $0x3  }
0x34: {  	[smem:$0x3FB2] =	sst s10  }
0x35: {  	s10 =	sld [smem:$0x3FB1];
	_ =	sdelay $0x3  }
0x36: {  	p1 =	seq.s32 s10, $0x1;
	s10 =	sld [smem:$0x3FB2];
	_ =	sdelay $0x3  }
0x37: {  	[smem:$0x3FB2] =	sst s10  }
0x38: {  	s10 =	sld [smem:$0x3FB3]  }
0x39: {  	_ = 	snop;
	(pc) =	sbr.ind lr, $3  }
0x3a: {  	_ = 	snop  }
0x3b: {  	_ = 	snop  }
0x3c: {  	p2 =	seq.s32 s10, $0x1;
	s10 =	sld [smem:$0x3FB2]  }
0x3d: {  	_ =	shalt  }
0x3e: {  	_ =	shalt  }
0x3f: {  	_ =	shalt  }
0x40: {  	_ =	shalt  }
0x41: {  	_ =	shalt  }
0x42: {  	_ =	shalt  }
0x43: {  	_ =	shalt  }
0x44: {  	_ =	shalt  }
0x45: {  	_ =	shalt  }
0x46: {  	_ =	shalt  }
0x47: {  	_ =	shalt  }
0x48: {  	_ =	shalt  }
0x49: {  	_ =	shalt  }
0x4a: {  	_ =	shalt  }
0x4b: {  	_ =	shalt  }
0x4c: {  	_ =	shalt  }
0x4d: {  	_ =	shalt  }
0x4e: {  	_ =	shalt  }
0x4f: {  	_ =	shalt  }
0x50: {  	_ =	shalt  }
0x51: {  	_ =	shalt  }
0x52: {  	_ =	shalt  }
0x53: {  	_ =	shalt  }
0x54: {  	_ =	shalt  }
0x55: {  	_ =	shalt  }
0x56: {  	_ =	shalt  }
0x57: {  	_ =	shalt  }
0x58: {  	_ =	shalt  }
0x59: {  	_ =	shalt  }
0x5a: {  	_ =	shalt  }
0x5b: {  	_ =	shalt  }
0x5c: {  	_ =	shalt  }
0x5d: {  	_ =	shalt  }
0x5e: {  	_ =	shalt  }
0x5f: {  	_ =	shalt  }
0x60: {  	_ =	shalt  }
0x61: {  	_ =	shalt  }
0x62: {  	_ =	shalt  }
0x63: {  	_ =	shalt  }
0x64: {  	_ =	shalt  }
0x65: {  	_ =	shalt  }
0x66: {  	_ =	shalt  }
0x67: {  	_ =	shalt  }
0x68: {  	_ =	shalt  }
0x69: {  	_ =	shalt  }
0x6a: {  	_ =	shalt  }
0x6b: {  	_ =	shalt  }
0x6c: {  	_ =	shalt  }
0x6d: {  	_ =	shalt  }
0x6e: {  	_ =	shalt  }
0x6f: {  	_ =	shalt  }
0x70: {  	_ =	shalt  }
0x71: {  	_ =	shalt  }
0x72: {  	_ =	shalt  }
0x73: {  	_ =	shalt  }
0x74: {  	_ =	shalt  }
0x75: {  	_ =	shalt  }
0x76: {  	_ =	shalt  }
0x77: {  	_ =	shalt  }
0x78: {  	_ =	shalt  }
0x79: {  	_ =	shalt  }
0x7a: {  	_ =	shalt  }
0x7b: {  	_ =	shalt  }
0x7c: {  	_ =	shalt  }
0x7d: {  	_ =	shalt  }
0x7e: {  	_ =	shalt  }
0x7f: {  	_ =	shalt  }
0x80: {  	_ =	shalt  }
0x81: {  	_ =	shalt  }
0x82: {  	_ =	shalt  }
0x83: {  	_ =	shalt  }
0x84: {  	_ =	shalt  }
0x85: {  	_ =	shalt  }
0x86: {  	_ =	shalt  }
0x87: {  	_ =	shalt  }
.Lfunc_end0:
.L_simem_size_0:
called_computation.2_lowered:
.L_overlay_start_0:
0x88: {  	s2 =	sld [smem:$0x3FD9]  }
0x89: {  	s3 =	sld [smem:$0x3FFE];
	_ =	sdelay $0x1  }
0x8a: {  	s1 =	srdreg.scid  }
0x8b: {  	s0 =	sand.u32 $0x1, s1  }
0x8c: {  	s14 =	sshll.u32 s0, $0xA;
	s2 =	sadd.s32 s3, s2  }
0x8d: {  	s2 =	sadd.s32 s2, s14  }
0x8e: {  	[smem:$0x3FBE] =	sst s2  }
0x8f: {  	_ = 	snop  }
0x90: {  	s2 =	sld [smem:$0x3FD0];
	_ =	sdelay $0x2  }
0x91: {  	s15 =	simm.s32 $0xA;
	s4 =	simm.s32 $0x10  }
0x92: {  	[smem:s4], [sflag:s15] =	dma.local [hbm:s2], $0x1  }
0x93: {  	_ =	swait.eq [sflag:s15], $0x1  }
0x94: {  	[sflag:s15] =	ssyncset.done $0x0  }
0x95: {  	s16 =	sld [smem:$0x10];
	[sflag:s15] =	ssyncadd.s32 $0xFFFFFFFF  }
0x96: {  	s17 =	sld [smem:$0x11];
	(tm) =	ssettm $0x1  }
0x97: {  	s18 =	sld [smem:$0x3FFB];
	_ =	sdelay $0x3  }
0x98: {  	_ =	strace s18  }
0x99: {  	s4 =	sld [smem:$0x3FFC];
	_ =	sdelay $0x3  }
0x9a: {  	_ =	strace s4  }
0x9b: {  	s4 =	sld [smem:$0x3FFD];
	_ =	sdelay $0x3  }
0x9c: {  	_ =	strace s4  }
0x9d: {  	_ =	strace $0x8FFFFFFF  }
0x9e: {  	s19 =	sld [smem:$0x3FDB];
	_ =	sdelay $0x1  }
0x9f: {  	s5 =	simm.s32 $_scs_section_size  }
0xa0: {  	s6 =	simm.s32 $_size__tile_overlayer_lowered;
	s7 =	simm.s32 $_tile_overlayer_lowered  }
0xa1: {  	s22 =	simm.s32 $0x1BFF;
	s21 =	sshll.u32 s7, $0x1;
	s4 =	sadd.s32 s5, s19  }
0xa2: {  	s8 =	simm.s32 $0x0;
	s20 =	sshll.u32 s6, $0x1;
	s6 =	sadd.s32 s21, s4  }
0xa3: {  	[timem:s8], [sflag:s22] =	dma.local [hbm:s6], s20  }
0xa4: {  	_ =	swait.ge [sflag:s22], s20  }
0xa5: {  	s5 =	ssub.s32 $0x0, s20;
	[sflag:s22] =	ssyncset.done $0x0  }
0xa6: {  	[sflag:s22] =	ssyncadd.s32 s5;
	_ =	sdelay $0x1  }
0xa7: {  	s23 =	simm.s32 $0x1B8B  }
0xa8: {  	_ =	swait.ge [sflag:s23], $0x1  }
0xa9: {  	[sflag:s23] =	ssyncset.done $0x0  }
0xaa: {  	s25 =	simm.s32 $0x1B8E;
	s24 =	sld [smem:$0x3FFE];
	[sflag:s23] =	ssyncadd.s32 $0xFFFFFFFF  }
0xab: {  	s26 =	simm.s32 $execute0_lowered;
	[smem:$0x3FD2] =	sst s25  }
0xac: {  	s6 =	sshll.u32 s26, $0x1;
	_ =	strace $0x8000004C;
	[dreg:$0x1] =	wrdreg $0xFFFFFFFF  }
0xad: {  	s28 =	simm.s32 $_size_execute0_lowered;
	s4 =	sadd.s32 s4, s6;
	[dreg:$0x0] =	wrdreg $0x0  }
0xae: {  	s6 =	sshll.u32 s28, $0x1;
	[dreg:$0x2] =	wrdreg s4  }
0xaf: {  	[dreg:$0x3] =	wrdreg s6  }
0xb0: {  	[dreg:$0x4] =	wrdreg $0xC0  }
0xb1: {  	_ =	task [dreg:s8], $0x5FFFF  }
0xb2: {  	[dreg:$0x1] =	wrdreg $0xFFFFFFFF  }
0xb3: {  	[dreg:$0x0] =	wrdreg $0x60  }
0xb4: {  	[dreg:$0x2] =	wrdreg s24  }
0xb5: {  	[dreg:$0x3] =	wrdreg s16  }
0xb6: {  	[dreg:$0x4] =	wrdreg s17  }
0xb7: {  	[dreg:$0x5] =	wrdreg $0xA9000  }
0xb8: {  	[dreg:$0x6] =	wrdreg $0x9  }
0xb9: {  	_ =	task.clear_ibuf [dreg:s8], $0x7FFFF;
	_ =	strace $0x9000004C  }
0xba: {  	s29 =	simm.s32 $0x9;
	_ =	strace $0x8000004E  }
0xbb: {  	_ =	swait.ge [sflag:s29], $0x1  }
0xbc: {  	[sflag:s29] =	ssyncadd.s32 $0xFFFFFFFF  }
0xbd: {  	_ =	strace $0x9000004E  }
0xbe: {  	_ =	sfence  }
0xbf: {  	s30 =	sld [smem:$0x0];
	_ =	sdelay $0x2  }
0xc0: {  	s31 =	sshll.u32 s1, $0xD;
	s1 =	sshrl.u32 s1, $0x2  }
0xc1: {  	s3 =	sand.u32 $0x4000, s31;
	s1 =	sadd.s32 s1, s30  }
0xc2: {  	s0 =	sor.u32 s3, s0;
	s1 =	sshll.u32 s1, $0x11  }
0xc3: {  	s0 =	sor.u32 s1, s0  }
0xc4: {  	s0 =	sadd.s32 $0x8F2B, s0  }
0xc5: {  	[sflag:s0] =	ssyncadd.remote.s32 $0x1  }
0xc6: {  	_ =	sfence.sel $0xFFFF  }
0xc7: {  	[dreg:$0x0] =	wrdreg $0xFFFFFFFF;
	(pc) =	sbr.abs _section_cstart, $3  }
0xc8: {  	[dreg:$0x1] =	wrdreg $0xFFFFFFFF  }
0xc9: {  	_ =	task.clear_ibuf [dreg:s8], $0x2FFFF;
	_ =	strace $0x9FFFFFFF  }
0xca: {  	(tm) =	ssettm $0x7FFFFFFF  }
0xcb: {  	_ =	shalt  }
tec
execute0_lowered:
.L_overlay_start_1:
0x0: {  	(tag) =	ssettag $0x1  }
0x1: {  	s5 =	rddreg [dreg:$0x0]  }
0x2: {  	s6 =	rddreg [dreg:$0x1]  }
0x3: {  	s7 =	rddreg [dreg:$0x2]  }
0x4: {  	s1 =	rddreg [dreg:$0x3];
	s2 =	srdreg.scid;
	s3 =	simm.s32 $0x0  }
0x5: {  	s0 =	stileid.u32;
	s14 =	simm.s32 $0x80;
	s15 =	simm.s32 $0x2900  }
0x6: {  	s16 =	simm.s32 $0x2800;
	s17 =	simm.s32 $0x6900;
	s18 =	simm.s32 $0x5  }
0x7: {  	s20 =	simm.s32 $0x2880;
	s24 =	simm.s32 $0x4;
	s11 =	smul.u32 $0x4F000, s0  }
0x8: {  	s25 =	simm.s32 $0x0;
	s8 =	sand.u32 $0x1, s2;
	s23 =	smul.u32 $0x2780, s0  }
0x9: {  	[smem:$0x7FF] =	sst s3;
	s4 =	sshll.u32 s0, $0x1;
	s9 =	smul.u32 $0x27800, s8  }
0xa: {  	_ =	strace $0x8000004D;
	s10 =	sor.u32 s8, s4;
	s8 =	ssub.s32 $0x2, s8  }
0xb: {  	s4 =	sadd.s32 $0x3200, s5;
	s10 =	smul.u32 $0x500, s10;
	s30 =	sshrl.u32 s8, $0x1  }
0xc: {  	s31 =	sshrl.u32 s11, $0x2;
	s12 =	sadd.s32 s9, s5;
	s13 =	ssub.s32 s8, s30  }
.Ltmp0:
0xd: {  	s5 =	sadd.s32 s6, s10;
	s6 =	sadd.s32 s31, s1;
	(pc) =	sbr.rel .LBB2_1-.Ltmp0, $4  }
0xe: {  	s7 =	sadd.s32 s7, s10;
	s22 =	sadd.s32 $0x2A400, s12;
	s12 =	smax.u32 s13, $0x1  }
0xf: {  	s13 =	simm.s32 $0x6;
	s8 =	sadd.s32 $0x4000, s6;
	s9 =	sadd.s32 $0x8000, s6  }
0x10: {  	s10 =	sadd.s32 $0xC000, s6;
	s11 =	sadd.s32 $0x10000, s6;
	s19 =	sadd.s32 $0x10, s7  }
0x11: {  	v0 =	vimm.f32 $0.0e+00;
	s21 =	sadd.s32 $0x20, s7;
	s22 =	sadd.s32 s23, s22;
	s23 =	simm.s32 $0x2  }
.LBB2_7:
0x12: {  	s0 =	stileid.u32;
	s25 =	sadd.s32 $0x1, s25  }
0x13: {  	[bflag:$0x0] =	sbarrier.arrive $0xFFFF;
	s0 =	sshll.u32 s0, $0x6;
	p0 =	sne.s32 s25, s12  }
.Ltmp1:
0x14: {  	s2 =	sshrl.u32 s6, $0x3;
	s0 =	sor.u32 $0x1C06, s0;
	(pc) =	sbr.rel @!p0 .LBB2_8-.Ltmp1, $4  }
0x15: {  	[hbm:s22], [sflag:s0] =	dma.local [spmem:s2], $0x2780  }
0x16: {  	_ =	swait.ge [sflag:s13], $0x2780  }
0x17: {  	[sflag:s13] =	ssyncset.done $0x0  }
0x18: {  	[sflag:s13] =	ssyncadd.s32 $0xFFFFD880  }
.LBB2_1:
0x19: {  	[tilespmem:s3], [sflag:$0x6] =	stream.linear.gather [hbm4b:s5+s3], $0x2780, $0x38;
	[tilespmem:$0x1E500] =	vst v63  }
0x1a: {  	_ =	swait.ge [sflag:s13], $0x2780  }
0x1b: {  	s26 =	sand.u32 $0xFE00, s3;
	[sflag:s13] =	ssyncset.done $0x0  }
0x1c: {  	s28 =	sand.u32 $0x70, s3;
	s29 =	sshrl.u32 s26, $0x2;
	[sflag:s13] =	ssyncadd.s32 $0xFFFFD880  }
0x1d: {  	[tilespmem:s15], [sflag:$0x1] =	stream.indirect.gather [hbm4b:s4+s14], $0x80, s3, s14, $0xb8;
	[tilespmem:$0x1E500] =	vst v63  }
0x1e: {  	s26 =	simm.s32 $0x40;
	s29 =	sor.u32 s28, s29;
	s28 =	simm.s32 $0x0  }
0x1f: {  	[tilespmem:s16], [sflag:$0x3] =	stream.linear.gather [hbm4b:s7+s3], $0x80, $0x38;
	[tilespmem:$0x1E500] =	vst v63  }
.LBB2_2:
0x20: {  	p0 =	sne.s32 s26, $0xFFC0  }
0x21: {  	[tilespmem:s29+$0x6900] =	vst v0;
	s28 =	sadd.s32 $0x10, s28;
	s29 =	smov.u32 s26;
	s26 =	sadd.s32 $0x40, s26  }
.Ltmp2:
0x22: {  	(pc) =	sbr.rel @p0 .LBB2_2-.Ltmp2, $4  }
0x23: {  	_ = 	snop  }
0x24: {  	s29 =	sand.u32 $0xFE00, s29  }
0x25: {  	s30 =	sand.u32 $0x70, s28;
	s29 =	sshrl.u32 s29, $0x2  }
0x26: {  	s29 =	sor.u32 s30, s29  }
0x27: {  	[tilespmem:s29+$0x6900] =	vst v0  }
0x28: {  	[spmem:s6] =	stream.linear.scatter [tilespmem:s17], [sflag:$0x5], $0x4000, $0x38;
	[tilespmem:$0x1E500] =	vst v63  }
0x29: {  	_ = 	snop  }
0x2a: {  	[spmem:s8] =	stream.linear.scatter [tilespmem:s17], [sflag:$0x5], $0x4000, $0x38;
	[tilespmem:$0x1E500] =	vst v63  }
0x2b: {  	_ = 	snop  }
0x2c: {  	[spmem:s9] =	stream.linear.scatter [tilespmem:s17], [sflag:$0x5], $0x4000, $0x38;
	[tilespmem:$0x1E500] =	vst v63  }
0x2d: {  	_ = 	snop  }
0x2e: {  	[spmem:s10] =	stream.linear.scatter [tilespmem:s17], [sflag:$0x5], $0x4000, $0x38;
	[tilespmem:$0x1E500] =	vst v63  }
0x2f: {  	_ = 	snop  }
0x30: {  	[spmem:s11] =	stream.linear.scatter [tilespmem:s17], [sflag:$0x5], $0x3C00, $0x38;
	[tilespmem:$0x1E500] =	vst v63  }
0x31: {  	_ =	swait.ge [sflag:s18], $0x4000  }
0x32: {  	[sflag:s18] =	ssyncset.done $0x0  }
0x33: {  	[sflag:s18] =	ssyncadd.s32 $0xFFFFC000  }
0x34: {  	_ =	swait.ge [sflag:s18], $0x4000  }
0x35: {  	[sflag:s18] =	ssyncset.done $0x0  }
0x36: {  	[sflag:s18] =	ssyncadd.s32 $0xFFFFC000  }
0x37: {  	_ =	swait.ge [sflag:s18], $0x4000  }
0x38: {  	[sflag:s18] =	ssyncset.done $0x0  }
0x39: {  	[sflag:s18] =	ssyncadd.s32 $0xFFFFC000  }
0x3a: {  	_ =	swait.ge [sflag:s18], $0x4000  }
0x3b: {  	[sflag:s18] =	ssyncset.done $0x0  }
0x3c: {  	[sflag:s18] =	ssyncadd.s32 $0xFFFFC000  }
0x3d: {  	_ =	swait.ge [sflag:s18], $0x3C00  }
0x3e: {  	[sflag:s18] =	ssyncset.done $0x0  }
0x3f: {  	[sflag:s18] =	ssyncadd.s32 $0xFFFFC400  }
0x40: {  	[tilespmem:s17], [sflag:$0x2] =	stream.indirect.gather [hbm4b:s4+s14], $0x80, s14, s14, $0xb8;
	[tilespmem:$0x1E500] =	vst v63  }
.Ltmp3:
0x41: {  	_ = 	snop;
	(pc) =	sbr.rel .LBB2_4-.Ltmp3, $4  }
0x42: {  	s26 =	simm.s32 $0x0  }
0x43: {  	[tilespmem:s20], [sflag:$0x4] =	stream.linear.gather [hbm4b:s19+s26], $0x80, $0x38;
	[tilespmem:$0x1E500] =	vst v63  }
0x44: {  	[bflag:$0x0] =	sbarrier.arrive $0xFFFF  }
0x45: {  	s28 =	simm.s32 $0x100;
	s29 =	smov.u32 s21  }
.LBB2_6:
0x46: {  	s26 =	sadd.s32 $0x1, s26  }
0x47: {  	p0 =	sne.s32 s26, $0x4F  }
.Ltmp4:
0x48: {  	_ = 	snop;
	(pc) =	sbr.rel @!p0 .LBB2_7-.Ltmp4, $2  }
0x49: {  	_ =	sdelay $0x2  }
0x4a: {  	s29 =	sadd.s32 $0x10, s29;
	s28 =	sadd.s32 $0x80, s28  }
.LBB2_4:
0x4b: {  	s30 =	sand.u32 $0x1, s26  }
0x4c: {  	p0 =	seq.s32 s30, $0x1  }
0x4d: {  	s31 =	simm.s32 @!p0 $0x1  }
0x4e: {  	_ =	swait.ge @!p0 [sflag:s31], $0x4000  }
0x4f: {  	[sflag:s31] =	ssyncset.done @!p0 $0x0  }
0x50: {  	[sflag:s31] =	ssyncadd.s32 @!p0 $0xFFFFC000;
	s31 =	simm.s32 @!p0 $0x3  }
0x51: {  	_ =	swait.ge @!p0 [sflag:s31], $0x80  }
0x52: {  	s0 =	simm.s32 @!p0 $0x2800;
	[sflag:s31] =	ssyncset.done @!p0 $0x0  }
0x53: {  	s2 =	simm.s32 @!p0 $0x2900;
	[sflag:s31] =	ssyncadd.s32 @!p0 $0xFFFFFF80;
	s31 =	simm.s32 @!p0 $0x80  }
0x54: {  	[spmem:s1] =	stream.indirect.scatter.add.f32 @!p0 [tilespmem:s2], [sflag:$0x6], $0x80, s0, s31, $0xb8;
	[tilespmem:$0x1E500] =	vst v63  }
0x55: {  	s0 =	simm.s32 @!p0 $0x6  }
0x56: {  	p1 =	sgt.u32 @!p0 s26, $0x4C;
	_ =	swait.ge @!p0 [sflag:s0], $0x4000  }
0x57: {  	p1 =	por p1, p0;
	[sflag:s0] =	ssyncset.done @!p0 $0x0  }
0x58: {  	s2 =	simm.s32 @!p1 $0x2900;
	[sflag:s0] =	ssyncadd.s32 @!p0 $0xFFFFC000;
	s0 =	simm.s32 @!p1 $0x80  }
0x59: {  	[tilespmem:s2], [sflag:$0x1] =	stream.indirect.gather @!p1 [hbm4b:s4+s0], $0x80, s28, s0, $0xb8;
	[tilespmem:$0x1E500] =	vst v63  }
0x5a: {  	s0 =	simm.s32 @!p1 $0x0;
	s2 =	simm.s32 @!p1 $0x2800  }
0x5b: {  	[tilespmem:s2], [sflag:$0x3] =	stream.linear.gather @!p1 [hbm4b:s29+s0], $0x80, $0x38;
	[tilespmem:$0x1E500] =	vst v63  }
0x5c: {  	p1 =	seq.s32 @!p0 s30, $0x0  }
0x5d: {  	p0 =	por p0, !p1  }
.Ltmp5:
0x5e: {  	_ = 	snop;
	(pc) =	sbr.rel @!p0 .LBB2_6-.Ltmp5, $1  }
0x5f: {  	_ =	sdelay $0x3  }
0x60: {  	_ =	swait.ge [sflag:s23], $0x4000  }
0x61: {  	[sflag:s23] =	ssyncset.done $0x0  }
0x62: {  	[sflag:s23] =	ssyncadd.s32 $0xFFFFC000  }
0x63: {  	_ =	swait.ge [sflag:s24], $0x80  }
0x64: {  	[sflag:s24] =	ssyncset.done $0x0  }
0x65: {  	[sflag:s24] =	ssyncadd.s32 $0xFFFFFF80  }
0x66: {  	[spmem:s1] =	stream.indirect.scatter.add.f32 [tilespmem:s17], [sflag:$0x6], $0x80, s20, s14, $0xb8;
	[tilespmem:$0x1E500] =	vst v63  }
0x67: {  	_ =	swait.ge [sflag:s13], $0x4000  }
.Ltmp6:
0x68: {  	p0 =	sgt.u32 s26, $0x4C;
	[sflag:s13] =	ssyncset.done $0x0;
	(pc) =	sbr.rel .LBB2_6-.Ltmp6, $4  }
0x69: {  	s0 =	simm.s32 @!p0 $0x80;
	s2 =	simm.s32 @!p0 $0x6900;
	[sflag:s13] =	ssyncadd.s32 $0xFFFFC000  }
0x6a: {  	[tilespmem:s2], [sflag:$0x2] =	stream.indirect.gather @!p0 [hbm4b:s4+s0], $0x80, s28, s0, $0xb8;
	[tilespmem:$0x1E500] =	vst v63  }
0x6b: {  	s0 =	simm.s32 @!p0 $0x0;
	s2 =	simm.s32 @!p0 $0x2880  }
0x6c: {  	[tilespmem:s2], [sflag:$0x4] =	stream.linear.gather @!p0 [hbm4b:s29+s0], $0x80, $0x38;
	[tilespmem:$0x1E500] =	vst v63  }
.LBB2_8:
0x6d: {  	_ =	sfence.sel $0x180000  }
0x6e: {  	[bflag:$0x0] =	sbarrier.arrive $0xFFFF  }
0x6f: {  	_ =	strace $0x9000004D  }
0x70: {  	s0 =	stileid.u32;
	[bflag:$0x2] =	sbarrier.arrive $0xFFFF  }
0x71: {  	p0 =	sne.s32 s0, $0x0;
	s0 =	rddreg [dreg:$0x4]  }
0x72: {  	s0 =	sadd.s32 @!p0 $0x100000, s0  }
0x73: {  	[sflag:s0] =	ssyncadd.tile.s32 @!p0 $0x1;
	_ =	shalt  }
.Lfunc_end2:
_tile_overlayer_lowered:
.L_overlay_start_2:
0x74: {  	(tag) =	ssettag $0x2  }
0x75: {  	s0 =	rddreg [dreg:$0x0];
	s2 =	stileid.u32  }
0x76: {  	s1 =	rddreg [dreg:$0x1];
	p0 =	sne.s32 s2, $0x0  }
0x77: {  	s3 =	rddreg [dreg:$0x2];
	[bflag:$0x3] =	sbarrier.arrive $0xFFFF;
	s2 =	simm.s32 @!p0 $0x1C06  }
0x78: {  	[timem:s3], [sflag:s2] =	dma.local @!p0 [hbm:s0], s1  }
0x79: {  	s0 =	simm.s32 @!p0 $0x6  }
0x7a: {  	_ =	swait.ge @!p0 [sflag:s0], s1  }
0x7b: {  	s1 =	ssub.s32 @!p0 $0x0, s1;
	[sflag:s0] =	ssyncset.done @!p0 $0x0  }
0x7c: {  	[sflag:s0] =	ssyncadd.s32 @!p0 s1  }
0x7d: {  	[bflag:$0x3] =	sbarrier.arrive $0xFFFF  }
0x7e: {  	_ =	shalt  }

// kernel: kernel.19.cloned.1.call-start
scs
__scs_entry_jumppad:
0x0: {  	(pc) =	sbr.rel $0x88, $3  }
0x1: {  	(tag) =	ssettag $0x0;
	lr =	simm.s32 $0x1  }
0x2: {  	[smem:$0x3F97] =	sst lr;
	_ =	strace $0xD0000000  }
0x3: {  	_ = 	snop  }
0x4: {  	_ = 	snop  }
0x5: {  	_ = 	snop  }
0x6: {  	_ = 	snop  }
0x7: {  	_ = 	snop  }
__scs_overlays_trampoline_lowered:
0x8: {  	[smem:$0x3FA6] =	sst s0  }
0x9: {  	[smem:$0x3FA7] =	sst s1  }
0xa: {  	[smem:$0x3FA8] =	sst s2  }
0xb: {  	[smem:$0x3FA9] =	sst s3  }
0xc: {  	[smem:$0x3FAA] =	sst s4  }
0xd: {  	[smem:$0x3FAB] =	sst s5  }
0xe: {  	[smem:$0x3FAC] =	sst s6  }
0xf: {  	[smem:$0x3FAD] =	sst s7  }
0x10: {  	[smem:$0x3FAE] =	sst s8  }
0x11: {  	[smem:$0x3FAF] =	sst s9;
	s0 =	simm.s32 @!p0 $0x0  }
0x12: {  	s1 =	sld [smem:$0x3F95];
	s0 =	simm.s32 @p0 $0x1  }
0x13: {  	[smem:$0x3FB0] =	sst s0;
	s0 =	simm.s32 @!p1 $0x0  }
0x14: {  	s2 =	sld [smem:$0x3F94];
	s0 =	simm.s32 @p1 $0x1  }
0x15: {  	[smem:$0x3FB1] =	sst s0;
	s0 =	simm.s32 @!p2 $0x0  }
0x16: {  	s3 =	sld [smem:$0x3FDB];
	s0 =	simm.s32 @p2 $0x1  }
0x17: {  	s4 =	simm.s32 $0x1BF5;
	[smem:$0x3FB3] =	sst s0  }
0x18: {  	s0 =	sld [smem:$0x3F96];
	_ =	swait.ge [sflag:s4], $0x0  }
0x19: {  	s7 =	sld [smem:$0x3F97]  }
0x1a: {  	s8 =	sadd.s32 $0xFFFFE003, lr  }
0x1b: {  	s9 =	sadd.s32 $0xFFFFFEF7, lr;
	s5 =	simm.s32 $0xFFFFFFFF;
	p2 =	slt.u32 s8, $0xFFFFF086  }
0x1c: {  	p1 =	slt.u32 s9, $0xF7A;
	s5 =	simm.s32 @!p2 $0x0  }
0x1d: {  	s5 =	simm.s32 @p1 $0x1;
	p0 =	seq.s32 s7, s2  }
0x1e: {  	s7 =	smul.u32 @!p0 $0xF7A, s2;
	p2 =	seq.s32 @!p0 s5, $0x0  }
0x1f: {  	s9 =	smul.u32 $0xF7A, s1;
	s8 =	simm.s32 @!p0 $0x1BF5;
	p2 =	por !p2, p0  }
0x20: {  	[sflag:s8] =	ssyncset.s32 @!p0 $0xFFFFF086;
	s6 =	sadd.s32 @!p0 s3, s7;
	s7 =	simm.s32 @!p0 $0x108  }
0x21: {  	s3 =	sadd.s32 s3, s9;
	s6 =	sadd.s32 @!p0 $0x88, s6;
	s7 =	simm.s32 @p2 $0x1082  }
0x22: {  	[simem:s7], [sflag:s8] =	dma.local @!p0 [hbm:s6], $0xF7A  }
0x23: {  	s9 =	sor.u32 $0xD0000000, s2;
	s6 =	simm.s32 $0x108;
	_ =	swait.ge @!p0 [sflag:s8], $0x0  }
0x24: {  	s3 =	sadd.s32 $0x88, s3;
	s6 =	simm.s32 @!p1 $0x1082;
	[sflag:s4] =	ssyncset.s32 $0xFFFFF086  }
0x25: {  	[simem:s6], [sflag:s4] =	dma.local [hbm:s3], $0xF7A  }
0x26: {  	[smem:$0x3F97] =	sst s1;
	(tag) =	ssettag s2;
	_ =	strace s9  }
0x27: {  	s1 =	sld [smem:$0x3FA7]  }
0x28: {  	s2 =	sld [smem:$0x3FA8]  }
0x29: {  	s4 =	sld [smem:$0x3FAA]  }
0x2a: {  	p0 =	seq.s32 s5, $0x0;
	s5 =	sld [smem:$0x3FAB]  }
0x2b: {  	s6 =	sld [smem:$0x3FAC]  }
0x2c: {  	s7 =	sld [smem:$0x3FAD]  }
0x2d: {  	s3 =	simm.s32 $0x108;
	s8 =	sld [smem:$0x3FAE]  }
0x2e: {  	s3 =	simm.s32 @!p0 $0x1082;
	s9 =	sld [smem:$0x3FAF]  }
0x2f: {  	lr =	sadd.s32 s0, s3;
	s0 =	sld [smem:$0x3FA6]  }
0x30: {  	s3 =	sld [smem:$0x3FA9]  }
0x31: {  	[smem:$0x3FB2] =	sst s10  }
0x32: {  	s10 =	sld [smem:$0x3FB0];
	_ =	sdelay $0x3  }
0x33: {  	p0 =	seq.s32 s10, $0x1;
	s10 =	sld [smem:$0x3FB2];
	_ =	sdelay $0x3  }
0x34: {  	[smem:$0x3FB2] =	sst s10  }
0x35: {  	s10 =	sld [smem:$0x3FB1];
	_ =	sdelay $0x3  }
0x36: {  	p1 =	seq.s32 s10, $0x1;
	s10 =	sld [smem:$0x3FB2];
	_ =	sdelay $0x3  }
0x37: {  	[smem:$0x3FB2] =	sst s10  }
0x38: {  	s10 =	sld [smem:$0x3FB3]  }
0x39: {  	_ = 	snop;
	(pc) =	sbr.ind lr, $3  }
0x3a: {  	_ = 	snop  }
0x3b: {  	_ = 	snop  }
0x3c: {  	p2 =	seq.s32 s10, $0x1;
	s10 =	sld [smem:$0x3FB2]  }
0x3d: {  	_ =	shalt  }
0x3e: {  	_ =	shalt  }
0x3f: {  	_ =	shalt  }
0x40: {  	_ =	shalt  }
0x41: {  	_ =	shalt  }
0x42: {  	_ =	shalt  }
0x43: {  	_ =	shalt  }
0x44: {  	_ =	shalt  }
0x45: {  	_ =	shalt  }
0x46: {  	_ =	shalt  }
0x47: {  	_ =	shalt  }
0x48: {  	_ =	shalt  }
0x49: {  	_ =	shalt  }
0x4a: {  	_ =	shalt  }
0x4b: {  	_ =	shalt  }
0x4c: {  	_ =	shalt  }
0x4d: {  	_ =	shalt  }
0x4e: {  	_ =	shalt  }
0x4f: {  	_ =	shalt  }
0x50: {  	_ =	shalt  }
0x51: {  	_ =	shalt  }
0x52: {  	_ =	shalt  }
0x53: {  	_ =	shalt  }
0x54: {  	_ =	shalt  }
0x55: {  	_ =	shalt  }
0x56: {  	_ =	shalt  }
0x57: {  	_ =	shalt  }
0x58: {  	_ =	shalt  }
0x59: {  	_ =	shalt  }
0x5a: {  	_ =	shalt  }
0x5b: {  	_ =	shalt  }
0x5c: {  	_ =	shalt  }
0x5d: {  	_ =	shalt  }
0x5e: {  	_ =	shalt  }
0x5f: {  	_ =	shalt  }
0x60: {  	_ =	shalt  }
0x61: {  	_ =	shalt  }
0x62: {  	_ =	shalt  }
0x63: {  	_ =	shalt  }
0x64: {  	_ =	shalt  }
0x65: {  	_ =	shalt  }
0x66: {  	_ =	shalt  }
0x67: {  	_ =	shalt  }
0x68: {  	_ =	shalt  }
0x69: {  	_ =	shalt  }
0x6a: {  	_ =	shalt  }
0x6b: {  	_ =	shalt  }
0x6c: {  	_ =	shalt  }
0x6d: {  	_ =	shalt  }
0x6e: {  	_ =	shalt  }
0x6f: {  	_ =	shalt  }
0x70: {  	_ =	shalt  }
0x71: {  	_ =	shalt  }
0x72: {  	_ =	shalt  }
0x73: {  	_ =	shalt  }
0x74: {  	_ =	shalt  }
0x75: {  	_ =	shalt  }
0x76: {  	_ =	shalt  }
0x77: {  	_ =	shalt  }
0x78: {  	_ =	shalt  }
0x79: {  	_ =	shalt  }
0x7a: {  	_ =	shalt  }
0x7b: {  	_ =	shalt  }
0x7c: {  	_ =	shalt  }
0x7d: {  	_ =	shalt  }
0x7e: {  	_ =	shalt  }
0x7f: {  	_ =	shalt  }
0x80: {  	_ =	shalt  }
0x81: {  	_ =	shalt  }
0x82: {  	_ =	shalt  }
0x83: {  	_ =	shalt  }
0x84: {  	_ =	shalt  }
0x85: {  	_ =	shalt  }
0x86: {  	_ =	shalt  }
0x87: {  	_ =	shalt  }
.Lfunc_end0:
.L_simem_size_0:
called_computation.3_lowered:
.L_overlay_start_0:
0x88: {  	s2 =	sld [smem:$0x3FD9]  }
0x89: {  	s3 =	sld [smem:$0x3FFE];
	_ =	sdelay $0x1  }
0x8a: {  	s1 =	srdreg.scid  }
0x8b: {  	s0 =	sand.u32 $0x1, s1  }
0x8c: {  	s14 =	sshll.u32 s0, $0xA;
	s2 =	sadd.s32 s3, s2  }
0x8d: {  	s2 =	sadd.s32 s2, s14  }
0x8e: {  	[smem:$0x3FBE] =	sst s2  }
0x8f: {  	_ = 	snop  }
0x90: {  	s2 =	sld [smem:$0x3FD0];
	_ =	sdelay $0x2  }
0x91: {  	s15 =	simm.s32 $0xA;
	s4 =	simm.s32 $0x10  }
0x92: {  	[smem:s4], [sflag:s15] =	dma.local [hbm:s2], $0x1  }
0x93: {  	_ =	swait.eq [sflag:s15], $0x1  }
0x94: {  	[sflag:s15] =	ssyncset.done $0x0  }
0x95: {  	s16 =	sld [smem:$0x10];
	[sflag:s15] =	ssyncadd.s32 $0xFFFFFFFF  }
0x96: {  	s17 =	sld [smem:$0x11];
	(tm) =	ssettm $0x1  }
0x97: {  	s18 =	sld [smem:$0x3FFB];
	_ =	sdelay $0x3  }
0x98: {  	_ =	strace s18  }
0x99: {  	s4 =	sld [smem:$0x3FFC];
	_ =	sdelay $0x3  }
0x9a: {  	_ =	strace s4  }
0x9b: {  	s4 =	sld [smem:$0x3FFD];
	_ =	sdelay $0x3  }
0x9c: {  	_ =	strace s4  }
0x9d: {  	_ =	strace $0x8FFFFFFF  }
0x9e: {  	s19 =	sld [smem:$0x3FDB];
	_ =	sdelay $0x1  }
0x9f: {  	s5 =	simm.s32 $_scs_section_size  }
0xa0: {  	s6 =	simm.s32 $_size__tile_overlayer_lowered;
	s7 =	simm.s32 $_tile_overlayer_lowered  }
0xa1: {  	s22 =	simm.s32 $0x1BFF;
	s21 =	sshll.u32 s7, $0x1;
	s4 =	sadd.s32 s5, s19  }
0xa2: {  	s8 =	simm.s32 $0x0;
	s20 =	sshll.u32 s6, $0x1;
	s6 =	sadd.s32 s21, s4  }
0xa3: {  	[timem:s8], [sflag:s22] =	dma.local [hbm:s6], s20  }
0xa4: {  	_ =	swait.ge [sflag:s22], s20  }
0xa5: {  	s5 =	ssub.s32 $0x0, s20;
	[sflag:s22] =	ssyncset.done $0x0  }
0xa6: {  	[sflag:s22] =	ssyncadd.s32 s5;
	_ =	sdelay $0x1  }
0xa7: {  	s23 =	simm.s32 $0x1B8B  }
0xa8: {  	_ =	swait.ge [sflag:s23], $0x1  }
0xa9: {  	[sflag:s23] =	ssyncset.done $0x0  }
0xaa: {  	s25 =	simm.s32 $0x1B8E;
	s24 =	sld [smem:$0x3FFE];
	[sflag:s23] =	ssyncadd.s32 $0xFFFFFFFF  }
0xab: {  	s26 =	simm.s32 $execute0_lowered;
	[smem:$0x3FD2] =	sst s25  }
0xac: {  	s6 =	sshll.u32 s26, $0x1;
	_ =	strace $0x8000004F;
	[dreg:$0x1] =	wrdreg $0xFFFFFFFF  }
0xad: {  	s28 =	simm.s32 $_size_execute0_lowered;
	s4 =	sadd.s32 s4, s6;
	[dreg:$0x0] =	wrdreg $0x0  }
0xae: {  	s6 =	sshll.u32 s28, $0x1;
	[dreg:$0x2] =	wrdreg s4  }
0xaf: {  	[dreg:$0x3] =	wrdreg s6  }
0xb0: {  	[dreg:$0x4] =	wrdreg $0xC0  }
0xb1: {  	_ =	task [dreg:s8], $0x5FFFF  }
0xb2: {  	[dreg:$0x1] =	wrdreg $0xFFFFFFFF  }
0xb3: {  	[dreg:$0x0] =	wrdreg $0x60  }
0xb4: {  	[dreg:$0x2] =	wrdreg s24  }
0xb5: {  	[dreg:$0x3] =	wrdreg s16  }
0xb6: {  	[dreg:$0x4] =	wrdreg s17  }
0xb7: {  	[dreg:$0x5] =	wrdreg $0xA9000  }
0xb8: {  	[dreg:$0x6] =	wrdreg $0x9  }
0xb9: {  	_ =	task.clear_ibuf [dreg:s8], $0x7FFFF;
	_ =	strace $0x9000004F  }
0xba: {  	s29 =	simm.s32 $0x9;
	_ =	strace $0x80000051  }
0xbb: {  	_ =	swait.ge [sflag:s29], $0x1  }
0xbc: {  	[sflag:s29] =	ssyncadd.s32 $0xFFFFFFFF  }
0xbd: {  	_ =	strace $0x90000051  }
0xbe: {  	_ =	sfence  }
0xbf: {  	s30 =	sld [smem:$0x0];
	_ =	sdelay $0x2  }
0xc0: {  	s31 =	sshll.u32 s1, $0xD;
	s1 =	sshrl.u32 s1, $0x2  }
0xc1: {  	s3 =	sand.u32 $0x4000, s31;
	s1 =	sadd.s32 s1, s30  }
0xc2: {  	s0 =	sor.u32 s3, s0;
	s1 =	sshll.u32 s1, $0x11  }
0xc3: {  	s0 =	sor.u32 s1, s0  }
0xc4: {  	s0 =	sadd.s32 $0x8F2B, s0  }
0xc5: {  	[sflag:s0] =	ssyncadd.remote.s32 $0x1  }
0xc6: {  	_ =	sfence.sel $0xFFFF  }
0xc7: {  	[dreg:$0x0] =	wrdreg $0xFFFFFFFF;
	(pc) =	sbr.abs _section_cstart, $3  }
0xc8: {  	[dreg:$0x1] =	wrdreg $0xFFFFFFFF  }
0xc9: {  	_ =	task.clear_ibuf [dreg:s8], $0x2FFFF;
	_ =	strace $0x9FFFFFFF  }
0xca: {  	(tm) =	ssettm $0x7FFFFFFF  }
0xcb: {  	_ =	shalt  }
tec
execute0_lowered:
.L_overlay_start_1:
0x0: {  	(tag) =	ssettag $0x1  }
0x1: {  	s5 =	rddreg [dreg:$0x0]  }
0x2: {  	s6 =	rddreg [dreg:$0x1]  }
0x3: {  	s7 =	rddreg [dreg:$0x2]  }
0x4: {  	s1 =	rddreg [dreg:$0x3];
	s2 =	srdreg.scid;
	s3 =	simm.s32 $0x0  }
0x5: {  	s0 =	stileid.u32;
	s14 =	simm.s32 $0x80;
	s15 =	simm.s32 $0x2900  }
0x6: {  	s16 =	simm.s32 $0x2800;
	s17 =	simm.s32 $0x6900;
	s18 =	simm.s32 $0x5  }
0x7: {  	s20 =	simm.s32 $0x2880;
	s24 =	simm.s32 $0x4;
	s11 =	smul.u32 $0x4F000, s0  }
0x8: {  	s25 =	simm.s32 $0x0;
	s8 =	sand.u32 $0x1, s2;
	s23 =	smul.u32 $0x2780, s0  }
0x9: {  	[smem:$0x7FF] =	sst s3;
	s4 =	sshll.u32 s0, $0x1;
	s9 =	smul.u32 $0x27800, s8  }
0xa: {  	_ =	strace $0x80000050;
	s10 =	sor.u32 s8, s4;
	s8 =	ssub.s32 $0x2, s8  }
0xb: {  	s4 =	sadd.s32 $0x3200, s5;
	s10 =	smul.u32 $0x500, s10;
	s30 =	sshrl.u32 s8, $0x1  }
0xc: {  	s31 =	sshrl.u32 s11, $0x2;
	s12 =	sadd.s32 s9, s5;
	s13 =	ssub.s32 s8, s30  }
.Ltmp0:
0xd: {  	s5 =	sadd.s32 s6, s10;
	s6 =	sadd.s32 s31, s1;
	(pc) =	sbr.rel .LBB2_1-.Ltmp0, $4  }
0xe: {  	s7 =	sadd.s32 s7, s10;
	s22 =	sadd.s32 $0x2A400, s12;
	s12 =	smax.u32 s13, $0x1  }
0xf: {  	s13 =	simm.s32 $0x6;
	s8 =	sadd.s32 $0x4000, s6;
	s9 =	sadd.s32 $0x8000, s6  }
0x10: {  	s10 =	sadd.s32 $0xC000, s6;
	s11 =	sadd.s32 $0x10000, s6;
	s19 =	sadd.s32 $0x10, s7  }
0x11: {  	v0 =	vimm.f32 $0.0e+00;
	s21 =	sadd.s32 $0x20, s7;
	s22 =	sadd.s32 s23, s22;
	s23 =	simm.s32 $0x2  }
.LBB2_7:
0x12: {  	s0 =	stileid.u32;
	s25 =	sadd.s32 $0x1, s25  }
0x13: {  	[bflag:$0x0] =	sbarrier.arrive $0xFFFF;
	s0 =	sshll.u32 s0, $0x6;
	p0 =	sne.s32 s25, s12  }
.Ltmp1:
0x14: {  	s2 =	sshrl.u32 s6, $0x3;
	s0 =	sor.u32 $0x1C06, s0;
	(pc) =	sbr.rel @!p0 .LBB2_8-.Ltmp1, $4  }
0x15: {  	[hbm:s22], [sflag:s0] =	dma.local [spmem:s2], $0x2780  }
0x16: {  	_ =	swait.ge [sflag:s13], $0x2780  }
0x17: {  	[sflag:s13] =	ssyncset.done $0x0  }
0x18: {  	[sflag:s13] =	ssyncadd.s32 $0xFFFFD880  }
.LBB2_1:
0x19: {  	[tilespmem:s3], [sflag:$0x6] =	stream.linear.gather [hbm4b:s5+s3], $0x2780, $0x38;
	[tilespmem:$0x1E500] =	vst v63  }
0x1a: {  	_ =	swait.ge [sflag:s13], $0x2780  }
0x1b: {  	s26 =	sand.u32 $0xFE00, s3;
	[sflag:s13] =	ssyncset.done $0x0  }
0x1c: {  	s28 =	sand.u32 $0x70, s3;
	s29 =	sshrl.u32 s26, $0x2;
	[sflag:s13] =	ssyncadd.s32 $0xFFFFD880  }
0x1d: {  	[tilespmem:s15], [sflag:$0x1] =	stream.indirect.gather [hbm4b:s4+s14], $0x80, s3, s14, $0xb8;
	[tilespmem:$0x1E500] =	vst v63  }
0x1e: {  	s26 =	simm.s32 $0x40;
	s29 =	sor.u32 s28, s29;
	s28 =	simm.s32 $0x0  }
0x1f: {  	[tilespmem:s16], [sflag:$0x3] =	stream.linear.gather [hbm4b:s7+s3], $0x80, $0x38;
	[tilespmem:$0x1E500] =	vst v63  }
.LBB2_2:
0x20: {  	p0 =	sne.s32 s26, $0xFFC0  }
0x21: {  	[tilespmem:s29+$0x6900] =	vst v0;
	s28 =	sadd.s32 $0x10, s28;
	s29 =	smov.u32 s26;
	s26 =	sadd.s32 $0x40, s26  }
.Ltmp2:
0x22: {  	(pc) =	sbr.rel @p0 .LBB2_2-.Ltmp2, $4  }
0x23: {  	_ = 	snop  }
0x24: {  	s29 =	sand.u32 $0xFE00, s29  }
0x25: {  	s30 =	sand.u32 $0x70, s28;
	s29 =	sshrl.u32 s29, $0x2  }
0x26: {  	s29 =	sor.u32 s30, s29  }
0x27: {  	[tilespmem:s29+$0x6900] =	vst v0  }
0x28: {  	[spmem:s6] =	stream.linear.scatter [tilespmem:s17], [sflag:$0x5], $0x4000, $0x38;
	[tilespmem:$0x1E500] =	vst v63  }
0x29: {  	_ = 	snop  }
0x2a: {  	[spmem:s8] =	stream.linear.scatter [tilespmem:s17], [sflag:$0x5], $0x4000, $0x38;
	[tilespmem:$0x1E500] =	vst v63  }
0x2b: {  	_ = 	snop  }
0x2c: {  	[spmem:s9] =	stream.linear.scatter [tilespmem:s17], [sflag:$0x5], $0x4000, $0x38;
	[tilespmem:$0x1E500] =	vst v63  }
0x2d: {  	_ = 	snop  }
0x2e: {  	[spmem:s10] =	stream.linear.scatter [tilespmem:s17], [sflag:$0x5], $0x4000, $0x38;
	[tilespmem:$0x1E500] =	vst v63  }
0x2f: {  	_ = 	snop  }
0x30: {  	[spmem:s11] =	stream.linear.scatter [tilespmem:s17], [sflag:$0x5], $0x3C00, $0x38;
	[tilespmem:$0x1E500] =	vst v63  }
0x31: {  	_ =	swait.ge [sflag:s18], $0x4000  }
0x32: {  	[sflag:s18] =	ssyncset.done $0x0  }
0x33: {  	[sflag:s18] =	ssyncadd.s32 $0xFFFFC000  }
0x34: {  	_ =	swait.ge [sflag:s18], $0x4000  }
0x35: {  	[sflag:s18] =	ssyncset.done $0x0  }
0x36: {  	[sflag:s18] =	ssyncadd.s32 $0xFFFFC000  }
0x37: {  	_ =	swait.ge [sflag:s18], $0x4000  }
0x38: {  	[sflag:s18] =	ssyncset.done $0x0  }
0x39: {  	[sflag:s18] =	ssyncadd.s32 $0xFFFFC000  }
0x3a: {  	_ =	swait.ge [sflag:s18], $0x4000  }
0x3b: {  	[sflag:s18] =	ssyncset.done $0x0  }
0x3c: {  	[sflag:s18] =	ssyncadd.s32 $0xFFFFC000  }
0x3d: {  	_ =	swait.ge [sflag:s18], $0x3C00  }
0x3e: {  	[sflag:s18] =	ssyncset.done $0x0  }
0x3f: {  	[sflag:s18] =	ssyncadd.s32 $0xFFFFC400  }
0x40: {  	[tilespmem:s17], [sflag:$0x2] =	stream.indirect.gather [hbm4b:s4+s14], $0x80, s14, s14, $0xb8;
	[tilespmem:$0x1E500] =	vst v63  }
.Ltmp3:
0x41: {  	_ = 	snop;
	(pc) =	sbr.rel .LBB2_4-.Ltmp3, $4  }
0x42: {  	s26 =	simm.s32 $0x0  }
0x43: {  	[tilespmem:s20], [sflag:$0x4] =	stream.linear.gather [hbm4b:s19+s26], $0x80, $0x38;
	[tilespmem:$0x1E500] =	vst v63  }
0x44: {  	[bflag:$0x0] =	sbarrier.arrive $0xFFFF  }
0x45: {  	s28 =	simm.s32 $0x100;
	s29 =	smov.u32 s21  }
.LBB2_6:
0x46: {  	s26 =	sadd.s32 $0x1, s26  }
0x47: {  	p0 =	sne.s32 s26, $0x4F  }
.Ltmp4:
0x48: {  	_ = 	snop;
	(pc) =	sbr.rel @!p0 .LBB2_7-.Ltmp4, $2  }
0x49: {  	_ =	sdelay $0x2  }
0x4a: {  	s29 =	sadd.s32 $0x10, s29;
	s28 =	sadd.s32 $0x80, s28  }
.LBB2_4:
0x4b: {  	s30 =	sand.u32 $0x1, s26  }
0x4c: {  	p0 =	seq.s32 s30, $0x1  }
0x4d: {  	s31 =	simm.s32 @!p0 $0x1  }
0x4e: {  	_ =	swait.ge @!p0 [sflag:s31], $0x4000  }
0x4f: {  	[sflag:s31] =	ssyncset.done @!p0 $0x0  }
0x50: {  	[sflag:s31] =	ssyncadd.s32 @!p0 $0xFFFFC000;
	s31 =	simm.s32 @!p0 $0x3  }
0x51: {  	_ =	swait.ge @!p0 [sflag:s31], $0x80  }
0x52: {  	s0 =	simm.s32 @!p0 $0x2800;
	[sflag:s31] =	ssyncset.done @!p0 $0x0  }
0x53: {  	s2 =	simm.s32 @!p0 $0x2900;
	[sflag:s31] =	ssyncadd.s32 @!p0 $0xFFFFFF80;
	s31 =	simm.s32 @!p0 $0x80  }
0x54: {  	[spmem:s1] =	stream.indirect.scatter.add.f32 @!p0 [tilespmem:s2], [sflag:$0x6], $0x80, s0, s31, $0xb8;
	[tilespmem:$0x1E500] =	vst v63  }
0x55: {  	s0 =	simm.s32 @!p0 $0x6  }
0x56: {  	p1 =	sgt.u32 @!p0 s26, $0x4C;
	_ =	swait.ge @!p0 [sflag:s0], $0x4000  }
0x57: {  	p1 =	por p1, p0;
	[sflag:s0] =	ssyncset.done @!p0 $0x0  }
0x58: {  	s2 =	simm.s32 @!p1 $0x2900;
	[sflag:s0] =	ssyncadd.s32 @!p0 $0xFFFFC000;
	s0 =	simm.s32 @!p1 $0x80  }
0x59: {  	[tilespmem:s2], [sflag:$0x1] =	stream.indirect.gather @!p1 [hbm4b:s4+s0], $0x80, s28, s0, $0xb8;
	[tilespmem:$0x1E500] =	vst v63  }
0x5a: {  	s0 =	simm.s32 @!p1 $0x0;
	s2 =	simm.s32 @!p1 $0x2800  }
0x5b: {  	[tilespmem:s2], [sflag:$0x3] =	stream.linear.gather @!p1 [hbm4b:s29+s0], $0x80, $0x38;
	[tilespmem:$0x1E500] =	vst v63  }
0x5c: {  	p1 =	seq.s32 @!p0 s30, $0x0  }
0x5d: {  	p0 =	por p0, !p1  }
.Ltmp5:
0x5e: {  	_ = 	snop;
	(pc) =	sbr.rel @!p0 .LBB2_6-.Ltmp5, $1  }
0x5f: {  	_ =	sdelay $0x3  }
0x60: {  	_ =	swait.ge [sflag:s23], $0x4000  }
0x61: {  	[sflag:s23] =	ssyncset.done $0x0  }
0x62: {  	[sflag:s23] =	ssyncadd.s32 $0xFFFFC000  }
0x63: {  	_ =	swait.ge [sflag:s24], $0x80  }
0x64: {  	[sflag:s24] =	ssyncset.done $0x0  }
0x65: {  	[sflag:s24] =	ssyncadd.s32 $0xFFFFFF80  }
0x66: {  	[spmem:s1] =	stream.indirect.scatter.add.f32 [tilespmem:s17], [sflag:$0x6], $0x80, s20, s14, $0xb8;
	[tilespmem:$0x1E500] =	vst v63  }
0x67: {  	_ =	swait.ge [sflag:s13], $0x4000  }
.Ltmp6:
0x68: {  	p0 =	sgt.u32 s26, $0x4C;
	[sflag:s13] =	ssyncset.done $0x0;
	(pc) =	sbr.rel .LBB2_6-.Ltmp6, $4  }
0x69: {  	s0 =	simm.s32 @!p0 $0x80;
	s2 =	simm.s32 @!p0 $0x6900;
	[sflag:s13] =	ssyncadd.s32 $0xFFFFC000  }
0x6a: {  	[tilespmem:s2], [sflag:$0x2] =	stream.indirect.gather @!p0 [hbm4b:s4+s0], $0x80, s28, s0, $0xb8;
	[tilespmem:$0x1E500] =	vst v63  }
0x6b: {  	s0 =	simm.s32 @!p0 $0x0;
	s2 =	simm.s32 @!p0 $0x2880  }
0x6c: {  	[tilespmem:s2], [sflag:$0x4] =	stream.linear.gather @!p0 [hbm4b:s29+s0], $0x80, $0x38;
	[tilespmem:$0x1E500] =	vst v63  }
.LBB2_8:
0x6d: {  	_ =	sfence.sel $0x180000  }
0x6e: {  	[bflag:$0x0] =	sbarrier.arrive $0xFFFF  }
0x6f: {  	_ =	strace $0x90000050  }
0x70: {  	s0 =	stileid.u32;
	[bflag:$0x2] =	sbarrier.arrive $0xFFFF  }
0x71: {  	p0 =	sne.s32 s0, $0x0;
	s0 =	rddreg [dreg:$0x4]  }
0x72: {  	s0 =	sadd.s32 @!p0 $0x100000, s0  }
0x73: {  	[sflag:s0] =	ssyncadd.tile.s32 @!p0 $0x1;
	_ =	shalt  }
.Lfunc_end2:
_tile_overlayer_lowered:
.L_overlay_start_2:
0x74: {  	(tag) =	ssettag $0x2  }
0x75: {  	s0 =	rddreg [dreg:$0x0];
	s2 =	stileid.u32  }
0x76: {  	s1 =	rddreg [dreg:$0x1];
	p0 =	sne.s32 s2, $0x0  }
0x77: {  	s3 =	rddreg [dreg:$0x2];
	[bflag:$0x3] =	sbarrier.arrive $0xFFFF;
	s2 =	simm.s32 @!p0 $0x1C06  }
0x78: {  	[timem:s3], [sflag:s2] =	dma.local @!p0 [hbm:s0], s1  }
0x79: {  	s0 =	simm.s32 @!p0 $0x6  }
0x7a: {  	_ =	swait.ge @!p0 [sflag:s0], s1  }
0x7b: {  	s1 =	ssub.s32 @!p0 $0x0, s1;
	[sflag:s0] =	ssyncset.done @!p0 $0x0  }
0x7c: {  	[sflag:s0] =	ssyncadd.s32 @!p0 s1  }
0x7d: {  	[bflag:$0x3] =	sbarrier.arrive $0xFFFF  }
0x7e: {  	_ =	shalt  }

</sc_bundles>
